<compile_context>
chip_gen: v7x
topology: tpu7x:2x2x1
jax: 0.10.2.dev20260603
libtpu: 0.0.44.dev20260713+nightly
codegen_flags: <defaults>
</compile_context>

<pallas_src>
import jax
import jax.numpy as jnp
import numpy as np
from jax import lax
from jax.experimental import pallas as pl
from jax.experimental.pallas import tpu as pltpu
from jax.experimental.pallas import tpu_sc as plsc

N = 10000
E = 320000
D_IN = 128
H1 = 256
H2 = 128
GC_OUT = 128

NC = 2
NS = 16
LANES = 16

CHUNK = 128
EP = 327680
NCHUNKS = EP // CHUNK
CHUNKS_PER_CORE = NCHUNKS // NC
IT = CHUNKS_PER_CORE // NS
ITD = NCHUNKS // (NC * NS)
NP = 10112
ROWS_PER_TILE = NP // NS
RSTEPS = (128, 128, 128, 128, 120)

BN = 1000
GRID = N // BN


def _sc_mesh():
    return plsc.VectorSubcoreMesh(core_axis_name="c", subcore_axis_name="s",
                                  num_cores=NC, num_subcores=NS)


EDGES_PER_TILE = EP // (NC * NS)
NREAL_CHUNKS = E // CHUNK
PAD = EP - E
LAST_REAL = E - 31 * EDGES_PER_TILE

_PAD_SRC = np.arange(PAD, dtype=np.int32) % N
_PAD_DST = (N + np.arange(PAD, dtype=np.int32) % (NP - N)).astype(np.int32)


def _deg_body(dst_hbm, out_hbm, ebuf, degbuf, semi):
    c = lax.axis_index("c")
    s = lax.axis_index("s")
    w = s * NC + c

    zeros16 = jnp.zeros((LANES,), jnp.float32)
    zeros16i = jnp.zeros((LANES,), jnp.int32)
    ones16 = jnp.ones((LANES,), jnp.float32)

    cp = pltpu.async_copy(dst_hbm.at[pl.ds(w * EDGES_PER_TILE, EDGES_PER_TILE)],
                          ebuf.at[0], semi)

    def zloop(i, carry):
        degbuf[0, pl.ds(i * LANES, LANES)] = zeros16
        return carry

    lax.fori_loop(0, NP // LANES, zloop, 0)
    cp.wait()

    def eloop(j, carry):
        idx = ebuf[0, pl.ds(j * LANES, LANES)]
        plsc.addupdate_scatter(degbuf, [zeros16i, idx], ones16)
        return carry

    lax.fori_loop(0, EDGES_PER_TILE // LANES, eloop, 0)
    pltpu.sync_copy(degbuf, out_hbm.at[w])


def _make_deg_call():
    return pl.kernel(
        _deg_body,
        out_type=jax.ShapeDtypeStruct((NC * NS, 1, NP), jnp.float32),
        mesh=_sc_mesh(),
        scratch_types=[
            pltpu.VMEM((1, EDGES_PER_TILE), jnp.int32),
            pltpu.VMEM((1, NP), jnp.float32),
            pltpu.SemaphoreType.DMA,
        ],
        compiler_params=pltpu.CompilerParams(needs_layout_passes=False),
    )


def _agg_body(src_hbm, dst_hbm, y_hbm, out0_hbm, out1_hbm,
              sbuf, dbuf, rows, acc, semi, semg, sems):
    c = lax.axis_index("c")
    s = lax.axis_index("s")
    r0 = s * ROWS_PER_TILE

    @pl.when(c == 0)
    def _():
        off = 0
        for n in RSTEPS:
            pltpu.sync_copy(y_hbm.at[pl.ds(r0 + off, n)], rows.at[0, pl.ds(0, n)])
            pltpu.sync_copy(rows.at[0, pl.ds(0, n)], acc.at[pl.ds(r0 + off, n)])
            off += n

    @pl.when(c == 1)
    def _():
        zeros16 = jnp.zeros((LANES,), jnp.float32)

        def zloop(i, carry):
            rows[0, lax.div(i, 8), pl.ds(lax.rem(i, 8) * LANES, LANES)] = zeros16
            return carry

        lax.fori_loop(0, CHUNK * GC_OUT // LANES, zloop, 0)
        off = 0
        for n in RSTEPS:
            pltpu.sync_copy(rows.at[0, pl.ds(0, n)], acc.at[pl.ds(r0 + off, n)])
            off += n

    plsc.subcore_barrier()

    ch0 = c * CHUNKS_PER_CORE + s * IT

    def issue_idx(k):
        off = (ch0 + k) * CHUNK
        p = lax.rem(k, 2)
        pltpu.async_copy(src_hbm.at[pl.ds(off, CHUNK)],
                         sbuf.at[lax.rem(k, 3), 0], semi.at[p])
        pltpu.async_copy(dst_hbm.at[pl.ds(off, CHUNK)],
                         dbuf.at[lax.rem(k, 4), 0], semi.at[p])

    def wait_idx(k):
        p = lax.rem(k, 2)
        pltpu.make_async_copy(src_hbm.at[pl.ds(0, CHUNK)],
                              sbuf.at[lax.rem(k, 3), 0], semi.at[p]).wait()
        pltpu.make_async_copy(dst_hbm.at[pl.ds(0, CHUNK)],
                              dbuf.at[lax.rem(k, 4), 0], semi.at[p]).wait()

    def issue_gather(k):
        pltpu.async_copy(y_hbm.at[sbuf.at[lax.rem(k, 3), 0]],
                         rows.at[lax.rem(k, 3)], semg.at[lax.rem(k, 2)])

    def wait_gather(k):
        pltpu.make_async_copy(y_hbm.at[sbuf.at[lax.rem(k, 3), 0]],
                              rows.at[lax.rem(k, 3)],
                              semg.at[lax.rem(k, 2)]).wait()

    def issue_scatter(k):
        pltpu.async_copy(rows.at[lax.rem(k, 3)],
                         acc.at[dbuf.at[lax.rem(k, 4), 0]],
                         sems.at[lax.rem(k, 4)], add=True)

    def wait_scatter(k):
        pltpu.make_async_copy(rows.at[lax.rem(k, 3)],
                              acc.at[dbuf.at[lax.rem(k, 4), 0]],
                              sems.at[lax.rem(k, 4)]).wait()

    issue_idx(0)
    issue_idx(1)
    wait_idx(0)
    issue_gather(0)

    for k in (0, 1):
        wait_gather(k)
        issue_scatter(k)
        issue_idx(k + 2)
        wait_idx(k + 1)
        issue_gather(k + 1)

    def eloop(k, carry):
        wait_gather(k)
        issue_scatter(k)
        wait_scatter(k - 2)
        issue_idx(k + 2)
        wait_idx(k + 1)
        issue_gather(k + 1)
        return carry

    lax.fori_loop(2, IT - 2, eloop, 0)

    wait_gather(IT - 2)
    issue_scatter(IT - 2)
    wait_scatter(IT - 4)
    wait_idx(IT - 1)
    issue_gather(IT - 1)

    wait_gather(IT - 1)
    issue_scatter(IT - 1)
    wait_scatter(IT - 3)
    wait_scatter(IT - 2)
    wait_scatter(IT - 1)

    plsc.subcore_barrier()

    def writeback(out_hbm):
        o = 0
        for n in RSTEPS:
            pltpu.sync_copy(acc.at[pl.ds(r0 + o, n)], rows.at[0, pl.ds(0, n)])
            pltpu.sync_copy(rows.at[0, pl.ds(0, n)], out_hbm.at[pl.ds(r0 + o, n)])
            o += n

    @pl.when(c == 0)
    def _():
        writeback(out0_hbm)

    @pl.when(c == 1)
    def _():
        writeback(out1_hbm)


def _make_agg_call():
    return pl.kernel(
        _agg_body,
        out_type=(
            jax.ShapeDtypeStruct((NP, GC_OUT), jnp.float32),
            jax.ShapeDtypeStruct((NP, GC_OUT), jnp.float32),
        ),
        mesh=_sc_mesh(),
        scratch_types=[
            pltpu.VMEM((3, 1, CHUNK), jnp.int32),
            pltpu.VMEM((4, 1, CHUNK), jnp.int32),
            pltpu.VMEM((3, CHUNK, GC_OUT), jnp.float32),
            pltpu.VMEM_SHARED((NP, GC_OUT), jnp.float32),
            pltpu.SemaphoreType.DMA((2,)),
            pltpu.SemaphoreType.DMA((2,)),
            pltpu.SemaphoreType.DMA((4,)),
        ],
    )


def _dis_body(degp_ref, dis_ref):
    deg = 1.0 + jnp.sum(degp_ref[...], axis=0)
    dis_ref[...] = lax.rsqrt(deg)[:, None]


def _make_dis_call():
    return pl.pallas_call(
        _dis_body,
        out_shape=jax.ShapeDtypeStruct((NP, 1), jnp.float32),
    )


def _elu(x):
    return jnp.where(x > 0, x, jnp.exp(x) - 1.0)


def _dot(a, b):
    return jnp.dot(a, b, preferred_element_type=jnp.float32)


def _mlp_body(feats_ref, dis_ref, W1_ref, b1_ref, W2_ref, b2_ref, Wgc_ref,
              nf_ref, y_ref):
    x = feats_ref[...]
    h = _elu(_dot(x, W1_ref[...]) + b1_ref[...])
    nf = _elu(_dot(h, W2_ref[...]) + b2_ref[...])
    nf_ref[...] = nf
    xl = _dot(nf, Wgc_ref[0:H2, :]) + _dot(x, Wgc_ref[H2:H2 + D_IN, :])
    y_ref[...] = xl * dis_ref[...]


def _make_mlp_call():
    return pl.pallas_call(
        _mlp_body,
        grid=(GRID,),
        in_specs=[
            pl.BlockSpec((BN, D_IN), lambda i: (i, 0)),
            pl.BlockSpec((BN, 1), lambda i: (i, 0)),
            pl.BlockSpec((D_IN, H1), lambda i: (0, 0)),
            pl.BlockSpec((1, H1), lambda i: (0, 0)),
            pl.BlockSpec((H1, H2), lambda i: (0, 0)),
            pl.BlockSpec((1, H2), lambda i: (0, 0)),
            pl.BlockSpec((H2 + D_IN, GC_OUT), lambda i: (0, 0)),
        ],
        out_specs=[
            pl.BlockSpec((BN, H2), lambda i: (i, 0)),
            pl.BlockSpec((BN, GC_OUT), lambda i: (i, 0)),
        ],
        out_shape=[
            jax.ShapeDtypeStruct((N, H2), jnp.float32),
            jax.ShapeDtypeStruct((NP, GC_OUT), jnp.float32),
        ],
    )


def _comb_body(nf_ref, a0_ref, a1_ref, dis_ref, Wc_ref, bc_ref,
               bgc_ref, out_ref):
    dis = dis_ref[...]
    agg = a0_ref[...] + a1_ref[...]
    gc = agg * dis + bgc_ref[...]
    nf = nf_ref[...]
    pre = (_dot(nf, Wc_ref[0:H2, :]) + _dot(gc, Wc_ref[H2:H2 + GC_OUT, :])
           + bc_ref[...])
    out_ref[...] = _elu(pre)


def _make_comb_call():
    return pl.pallas_call(
        _comb_body,
        grid=(GRID,),
        in_specs=[
            pl.BlockSpec((BN, H2), lambda i: (i, 0)),
            pl.BlockSpec((BN, GC_OUT), lambda i: (i, 0)),
            pl.BlockSpec((BN, GC_OUT), lambda i: (i, 0)),
            pl.BlockSpec((BN, 1), lambda i: (i, 0)),
            pl.BlockSpec((H2 + GC_OUT, GC_OUT), lambda i: (0, 0)),
            pl.BlockSpec((1, GC_OUT), lambda i: (0, 0)),
            pl.BlockSpec((1, GC_OUT), lambda i: (0, 0)),
        ],
        out_specs=pl.BlockSpec((BN, GC_OUT), lambda i: (i, 0)),
        out_shape=jax.ShapeDtypeStruct((N, GC_OUT), jnp.float32),
    )


def kernel(feats, edges, batch, W1, b1, W2, b2, Wgc, bgc, Wc, bc):
    src = edges[0]
    dst = edges[1]
    src_p = jnp.concatenate([src, jnp.asarray(_PAD_SRC)])
    dst_p = jnp.concatenate([dst, jnp.asarray(_PAD_DST)])

    deg_parts = _make_deg_call()(dst_p)
    dis = _make_dis_call()(deg_parts.reshape(NC * NS, NP))
    nfeats, y = _make_mlp_call()(
        feats, dis, W1, b1.reshape(1, -1), W2, b2.reshape(1, -1), Wgc)
    a0, a1 = _make_agg_call()(src_p, dst_p, y)
    out = _make_comb_call()(nfeats, a0, a1, dis, Wc,
                            bc.reshape(1, -1), bgc.reshape(1, -1))
    return (out, edges, batch)

# --- scband reference (transcript-rebuilt; emitter-appended) ---
"""Pipeline reference for scband-chem-gclayer-71545565216996 (READ-ONLY COPY).

The authoritative reference and input builder live on the scoring server;
editing this copy changes nothing except your own understanding.
"""

import jax, jax.numpy as jnp
import numpy as np

N = 10000
E = 320000
D_IN = 128
H1 = 256
H2 = 128
GC_IN = H2 + D_IN  # inject_input_to_gc=True
GC_OUT = 128
F_OUT = 128
N_GRAPHS = 64


def setup_inputs(seed: int = 0) -> dict:
    key = jax.random.key(seed)
    ks = jax.random.split(key, 12)
    feats = jax.random.normal(ks[0], (N, D_IN), dtype=jnp.float32)
    edges = jax.random.randint(ks[1], (2, E), 0, N, dtype=jnp.int32)
    batch = jnp.sort(jax.random.randint(ks[2], (N,), 0, N_GRAPHS, dtype=jnp.int32))
    def lin(k, fan_in, fan_out):
        kw, kb = jax.random.split(k)
        bound = 1.0 / np.sqrt(fan_in)
        W = jax.random.uniform(kw, (fan_in, fan_out), jnp.float32, -bound, bound)
        b = jax.random.uniform(kb, (fan_out,), jnp.float32, -bound, bound)
        return W, b
    W1, b1 = lin(ks[3], D_IN, H1)
    W2, b2 = lin(ks[4], H1, H2)
    Wgc, bgc = lin(ks[5], GC_IN, GC_OUT)
    Wc, bc = lin(ks[6], H2 + GC_OUT, F_OUT)
    return {"feats": feats, "edges": edges, "batch": batch,
            "W1": W1, "b1": b1, "W2": W2, "b2": b2,
            "Wgc": Wgc, "bgc": bgc, "Wc": Wc, "bc": bc}


def _gcn_conv(x, src, dst, W, b):
    # GCNConv: add self-loops, symmetric normalization, linear transform, scatter-add
    n = x.shape[0]
    xl = x @ W
    loop = jnp.arange(n, dtype=src.dtype)
    src2 = jnp.concatenate([src, loop])
    dst2 = jnp.concatenate([dst, loop])
    deg = jnp.zeros((n,), x.dtype).at[dst2].add(1.0)
    dis = jnp.where(deg > 0, deg ** -0.5, 0.0)
    coef = dis[src2] * dis[dst2]
    msg = jnp.take(xl, src2, axis=0) * coef[:, None]
    out = jnp.zeros_like(xl).at[dst2].add(msg)
    return out + b


def reference(feats, edges, batch, W1, b1, W2, b2, Wgc, bgc, Wc, bc):
    nfeats = jax.nn.elu(feats @ W1 + b1)
    nfeats = jax.nn.elu(nfeats @ W2 + b2)
    gc_in = jnp.concatenate([nfeats, feats], axis=1)
    gc_feats = _gcn_conv(gc_in, edges[0], edges[1], Wgc, bgc)
    out_feats = jax.nn.elu(jnp.concatenate([nfeats, gc_feats], axis=1) @ Wc + bc)
    return (out_feats, edges, batch)

if __name__ == "__main__":
    import jax
    _d = setup_inputs()
    print(jax.jit(kernel)(*tuple(_d.values())))

</pallas_src>

<mosaic_0001>
#map = affine_map<(d0, d1) -> (0)>
#map1 = affine_map<(d0, d1) -> (0, 0)>
module attributes {stable_mosaic.version = 14 : i64} {
  func.func @_agg_body(%arg0: i32, %arg1: i32, %arg2: memref<327680xi32, #tpu.memory_space<hbm>>, %arg3: memref<327680xi32, #tpu.memory_space<hbm>>, %arg4: memref<10112x128xf32, #tpu.memory_space<hbm>>, %arg5: memref<10112x128xf32, #tpu.memory_space<hbm>>, %arg6: memref<10112x128xf32, #tpu.memory_space<hbm>>, %arg7: memref<3x1x128xi32, #tpu.memory_space<vmem>>, %arg8: memref<4x1x128xi32, #tpu.memory_space<vmem>>, %arg9: memref<3x128x128xf32, #tpu.memory_space<vmem>>, %arg10: memref<10112x128xf32, #tpu.memory_space<vmem_shared>>, %arg11: memref<2x!tpu.dma_semaphore, #tpu.memory_space<semaphore_mem>>, %arg12: memref<2x!tpu.dma_semaphore, #tpu.memory_space<semaphore_mem>>, %arg13: memref<4x!tpu.dma_semaphore, #tpu.memory_space<semaphore_mem>>) attributes {dimension_semantics = [#tpu.dimension_semantics<core_parallel>, #tpu.dimension_semantics<subcore_parallel>], iteration_bounds = array<i64: 2, 16>, scalar_prefetch = 0 : i64, scratch_operands = 7 : i64, tpu.core_type = #tpu.core_type<sc_vector_subcore>, window_params = [{transform_indices = #map}, {transform_indices = #map}, {transform_indices = #map1}, {transform_indices = #map1}, {transform_indices = #map1}]} {
    %mul3A = arith.constant 632 : i32
    %mul3A_0 = arith.muli %arg1, %mul3A : i32
    %eq3A = arith.constant 0 : i32
    %eq3A_1 = arith.cmpi eq, %arg0, %eq3A : i32
    %convert_element_type3A = arith.extui %eq3A_1 : i1 to i32
    %cond3A = arith.constant 0 : i32
    %cond3A_2 = arith.cmpi ne, %convert_element_type3A, %cond3A : i32
    scf.if %cond3A_2 {
      %add3A_657 = arith.constant 0 : i32
      %add3A_658 = arith.addi %mul3A_0, %add3A_657 : i32
      %run_scoped3A = arith.constant 0 : i32
      "tpu.region"() ({
        %run_scoped3A_686 = tpu.sem_alloc : memref<!tpu.dma_semaphore, #tpu.memory_space<semaphore_mem>>
        %dma_start3A_687 = arith.constant 0 : i32
        %dma_start3A_688 = arith.constant 0 : i32
        %dma_start3A_689 = tpu.memref_slice %arg9[%run_scoped3A, %dma_start3A_687, %dma_start3A_688] : memref<3x128x128xf32, #tpu.memory_space<vmem>> -> memref<1x128x128xf32, #tpu.memory_space<vmem>>
        %dma_start3A_690 = tpu.memref_squeeze %dma_start3A_689 : memref<1x128x128xf32, #tpu.memory_space<vmem>> -> memref<128x128xf32, #tpu.memory_space<vmem>>
        %dma_start3A_691 = arith.constant 0 : i32
        %dma_start3A_692 = tpu.memref_slice %arg4[%add3A_658, %dma_start3A_691] : memref<10112x128xf32, #tpu.memory_space<hbm>> -> memref<128x128xf32, #tpu.memory_space<hbm>>
        %dma_start3A_693 = arith.constant 0 : i32
        %dma_start3A_694 = arith.constant 0 : i32
        %dma_start3A_695 = tpu.memref_slice %arg9[%run_scoped3A, %dma_start3A_693, %dma_start3A_694] : memref<3x128x128xf32, #tpu.memory_space<vmem>> -> memref<1x128x128xf32, #tpu.memory_space<vmem>>
        %dma_start3A_696 = tpu.memref_squeeze %dma_start3A_695 : memref<1x128x128xf32, #tpu.memory_space<vmem>> -> memref<128x128xf32, #tpu.memory_space<vmem>>
        %dma_start3A_697 = arith.constant 0 : i32
        %dma_start3A_698 = tpu.memref_slice %arg4[%add3A_658, %dma_start3A_697] : memref<10112x128xf32, #tpu.memory_space<hbm>> -> memref<128x128xf32, #tpu.memory_space<hbm>>
        tpu.enqueue_dma source(%dma_start3A_698 : memref<128x128xf32, #tpu.memory_space<hbm>>) target(%dma_start3A_696 : memref<128x128xf32, #tpu.memory_space<vmem>>) target_semaphore(%run_scoped3A_686 : memref<!tpu.dma_semaphore, #tpu.memory_space<semaphore_mem>>)
        %dma_wait3A_699 = arith.constant 0 : i32
        %dma_wait3A_700 = arith.constant 0 : i32
        %dma_wait3A_701 = tpu.memref_slice %arg9[%run_scoped3A, %dma_wait3A_699, %dma_wait3A_700] : memref<3x128x128xf32, #tpu.memory_space<vmem>> -> memref<1x128x128xf32, #tpu.memory_space<vmem>>
        %dma_wait3A_702 = tpu.memref_squeeze %dma_wait3A_701 : memref<1x128x128xf32, #tpu.memory_space<vmem>> -> memref<128x128xf32, #tpu.memory_space<vmem>>
        %dma_wait3A_703 = arith.constant 0 : i32
        %dma_wait3A_704 = tpu.memref_slice %arg4[%add3A_658, %dma_wait3A_703] : memref<10112x128xf32, #tpu.memory_space<hbm>> -> memref<128x128xf32, #tpu.memory_space<hbm>>
        %dma_wait3A_705 = arith.constant 0 : i32
        %dma_wait3A_706 = arith.constant 0 : i32
        %dma_wait3A_707 = tpu.memref_slice %arg9[%run_scoped3A, %dma_wait3A_705, %dma_wait3A_706] : memref<3x128x128xf32, #tpu.memory_space<vmem>> -> memref<1x128x128xf32, #tpu.memory_space<vmem>>
        %dma_wait3A_708 = tpu.memref_squeeze %dma_wait3A_707 : memref<1x128x128xf32, #tpu.memory_space<vmem>> -> memref<128x128xf32, #tpu.memory_space<vmem>>
        %dma_wait3A_709 = arith.constant 0 : i32
        %dma_wait3A_710 = tpu.memref_slice %arg4[%add3A_658, %dma_wait3A_709] : memref<10112x128xf32, #tpu.memory_space<hbm>> -> memref<128x128xf32, #tpu.memory_space<hbm>>
        tpu.wait_dma2 semaphore(%run_scoped3A_686 : memref<!tpu.dma_semaphore, #tpu.memory_space<semaphore_mem>>) src(%dma_wait3A_710 : memref<128x128xf32, #tpu.memory_space<hbm>>) dst(%dma_wait3A_708 : memref<128x128xf32, #tpu.memory_space<vmem>>)
        tpu.yield
      }) : () -> ()
      %add3A_659 = arith.constant 0 : i32
      %add3A_660 = arith.addi %mul3A_0, %add3A_659 : i32
      %run_scoped3A_661 = arith.constant 0 : i32
      "tpu.region"() ({
        %run_scoped3A_686 = tpu.sem_alloc : memref<!tpu.dma_semaphore, #tpu.memory_space<semaphore_mem>>
        %dma_start3A_687 = arith.constant 0 : i32
        %dma_start3A_688 = arith.constant 0 : i32
        %dma_start3A_689 = tpu.memref_slice %arg9[%run_scoped3A_661, %dma_start3A_687, %dma_start3A_688] : memref<3x128x128xf32, #tpu.memory_space<vmem>> -> memref<1x128x128xf32, #tpu.memory_space<vmem>>
        %dma_start3A_690 = tpu.memref_squeeze %dma_start3A_689 : memref<1x128x128xf32, #tpu.memory_space<vmem>> -> memref<128x128xf32, #tpu.memory_space<vmem>>
        %dma_start3A_691 = arith.constant 0 : i32
        %dma_start3A_692 = tpu.memref_slice %arg10[%add3A_660, %dma_start3A_691] : memref<10112x128xf32, #tpu.memory_space<vmem_shared>> -> memref<128x128xf32, #tpu.memory_space<vmem_shared>>
        %dma_start3A_693 = arith.constant 0 : i32
        %dma_start3A_694 = tpu.memref_slice %arg10[%add3A_660, %dma_start3A_693] : memref<10112x128xf32, #tpu.memory_space<vmem_shared>> -> memref<128x128xf32, #tpu.memory_space<vmem_shared>>
        %dma_start3A_695 = arith.constant 0 : i32
        %dma_start3A_696 = arith.constant 0 : i32
        %dma_start3A_697 = tpu.memref_slice %arg9[%run_scoped3A_661, %dma_start3A_695, %dma_start3A_696] : memref<3x128x128xf32, #tpu.memory_space<vmem>> -> memref<1x128x128xf32, #tpu.memory_space<vmem>>
        %dma_start3A_698 = tpu.memref_squeeze %dma_start3A_697 : memref<1x128x128xf32, #tpu.memory_space<vmem>> -> memref<128x128xf32, #tpu.memory_space<vmem>>
        tpu.enqueue_dma source(%dma_start3A_698 : memref<128x128xf32, #tpu.memory_space<vmem>>) target(%dma_start3A_694 : memref<128x128xf32, #tpu.memory_space<vmem_shared>>) target_semaphore(%run_scoped3A_686 : memref<!tpu.dma_semaphore, #tpu.memory_space<semaphore_mem>>)
        %dma_wait3A_699 = arith.constant 0 : i32
        %dma_wait3A_700 = arith.constant 0 : i32
        %dma_wait3A_701 = tpu.memref_slice %arg9[%run_scoped3A_661, %dma_wait3A_699, %dma_wait3A_700] : memref<3x128x128xf32, #tpu.memory_space<vmem>> -> memref<1x128x128xf32, #tpu.memory_space<vmem>>
        %dma_wait3A_702 = tpu.memref_squeeze %dma_wait3A_701 : memref<1x128x128xf32, #tpu.memory_space<vmem>> -> memref<128x128xf32, #tpu.memory_space<vmem>>
        %dma_wait3A_703 = arith.constant 0 : i32
        %dma_wait3A_704 = tpu.memref_slice %arg10[%add3A_660, %dma_wait3A_703] : memref<10112x128xf32, #tpu.memory_space<vmem_shared>> -> memref<128x128xf32, #tpu.memory_space<vmem_shared>>
        %dma_wait3A_705 = arith.constant 0 : i32
        %dma_wait3A_706 = tpu.memref_slice %arg10[%add3A_660, %dma_wait3A_705] : memref<10112x128xf32, #tpu.memory_space<vmem_shared>> -> memref<128x128xf32, #tpu.memory_space<vmem_shared>>
        %dma_wait3A_707 = arith.constant 0 : i32
        %dma_wait3A_708 = arith.constant 0 : i32
        %dma_wait3A_709 = tpu.memref_slice %arg9[%run_scoped3A_661, %dma_wait3A_707, %dma_wait3A_708] : memref<3x128x128xf32, #tpu.memory_space<vmem>> -> memref<1x128x128xf32, #tpu.memory_space<vmem>>
        %dma_wait3A_710 = tpu.memref_squeeze %dma_wait3A_709 : memref<1x128x128xf32, #tpu.memory_space<vmem>> -> memref<128x128xf32, #tpu.memory_space<vmem>>
        tpu.wait_dma2 semaphore(%run_scoped3A_686 : memref<!tpu.dma_semaphore, #tpu.memory_space<semaphore_mem>>) src(%dma_wait3A_710 : memref<128x128xf32, #tpu.memory_space<vmem>>) dst(%dma_wait3A_706 : memref<128x128xf32, #tpu.memory_space<vmem_shared>>)
        tpu.yield
      }) : () -> ()
      %add3A_662 = arith.constant 128 : i32
      %add3A_663 = arith.addi %mul3A_0, %add3A_662 : i32
      %run_scoped3A_664 = arith.constant 0 : i32
      "tpu.region"() ({
        %run_scoped3A_686 = tpu.sem_alloc : memref<!tpu.dma_semaphore, #tpu.memory_space<semaphore_mem>>
        %dma_start3A_687 = arith.constant 0 : i32
        %dma_start3A_688 = arith.constant 0 : i32
        %dma_start3A_689 = tpu.memref_slice %arg9[%run_scoped3A_664, %dma_start3A_687, %dma_start3A_688] : memref<3x128x128xf32, #tpu.memory_space<vmem>> -> memref<1x128x128xf32, #tpu.memory_space<vmem>>
        %dma_start3A_690 = tpu.memref_squeeze %dma_start3A_689 : memref<1x128x128xf32, #tpu.memory_space<vmem>> -> memref<128x128xf32, #tpu.memory_space<vmem>>
        %dma_start3A_691 = arith.constant 0 : i32
        %dma_start3A_692 = tpu.memref_slice %arg4[%add3A_663, %dma_start3A_691] : memref<10112x128xf32, #tpu.memory_space<hbm>> -> memref<128x128xf32, #tpu.memory_space<hbm>>
        %dma_start3A_693 = arith.constant 0 : i32
        %dma_start3A_694 = arith.constant 0 : i32
        %dma_start3A_695 = tpu.memref_slice %arg9[%run_scoped3A_664, %dma_start3A_693, %dma_start3A_694] : memref<3x128x128xf32, #tpu.memory_space<vmem>> -> memref<1x128x128xf32, #tpu.memory_space<vmem>>
        %dma_start3A_696 = tpu.memref_squeeze %dma_start3A_695 : memref<1x128x128xf32, #tpu.memory_space<vmem>> -> memref<128x128xf32, #tpu.memory_space<vmem>>
        %dma_start3A_697 = arith.constant 0 : i32
        %dma_start3A_698 = tpu.memref_slice %arg4[%add3A_663, %dma_start3A_697] : memref<10112x128xf32, #tpu.memory_space<hbm>> -> memref<128x128xf32, #tpu.memory_space<hbm>>
        tpu.enqueue_dma source(%dma_start3A_698 : memref<128x128xf32, #tpu.memory_space<hbm>>) target(%dma_start3A_696 : memref<128x128xf32, #tpu.memory_space<vmem>>) target_semaphore(%run_scoped3A_686 : memref<!tpu.dma_semaphore, #tpu.memory_space<semaphore_mem>>)
        %dma_wait3A_699 = arith.constant 0 : i32
        %dma_wait3A_700 = arith.constant 0 : i32
        %dma_wait3A_701 = tpu.memref_slice %arg9[%run_scoped3A_664, %dma_wait3A_699, %dma_wait3A_700] : memref<3x128x128xf32, #tpu.memory_space<vmem>> -> memref<1x128x128xf32, #tpu.memory_space<vmem>>
        %dma_wait3A_702 = tpu.memref_squeeze %dma_wait3A_701 : memref<1x128x128xf32, #tpu.memory_space<vmem>> -> memref<128x128xf32, #tpu.memory_space<vmem>>
        %dma_wait3A_703 = arith.constant 0 : i32
        %dma_wait3A_704 = tpu.memref_slice %arg4[%add3A_663, %dma_wait3A_703] : memref<10112x128xf32, #tpu.memory_space<hbm>> -> memref<128x128xf32, #tpu.memory_space<hbm>>
        %dma_wait3A_705 = arith.constant 0 : i32
        %dma_wait3A_706 = arith.constant 0 : i32
        %dma_wait3A_707 = tpu.memref_slice %arg9[%run_scoped3A_664, %dma_wait3A_705, %dma_wait3A_706] : memref<3x128x128xf32, #tpu.memory_space<vmem>> -> memref<1x128x128xf32, #tpu.memory_space<vmem>>
        %dma_wait3A_708 = tpu.memref_squeeze %dma_wait3A_707 : memref<1x128x128xf32, #tpu.memory_space<vmem>> -> memref<128x128xf32, #tpu.memory_space<vmem>>
        %dma_wait3A_709 = arith.constant 0 : i32
        %dma_wait3A_710 = tpu.memref_slice %arg4[%add3A_663, %dma_wait3A_709] : memref<10112x128xf32, #tpu.memory_space<hbm>> -> memref<128x128xf32, #tpu.memory_space<hbm>>
        tpu.wait_dma2 semaphore(%run_scoped3A_686 : memref<!tpu.dma_semaphore, #tpu.memory_space<semaphore_mem>>) src(%dma_wait3A_710 : memref<128x128xf32, #tpu.memory_space<hbm>>) dst(%dma_wait3A_708 : memref<128x128xf32, #tpu.memory_space<vmem>>)
        tpu.yield
      }) : () -> ()
      %add3A_665 = arith.constant 128 : i32
      %add3A_666 = arith.addi %mul3A_0, %add3A_665 : i32
      %run_scoped3A_667 = arith.constant 0 : i32
      "tpu.region"() ({
        %run_scoped3A_686 = tpu.sem_alloc : memref<!tpu.dma_semaphore, #tpu.memory_space<semaphore_mem>>
        %dma_start3A_687 = arith.constant 0 : i32
        %dma_start3A_688 = arith.constant 0 : i32
        %dma_start3A_689 = tpu.memref_slice %arg9[%run_scoped3A_667, %dma_start3A_687, %dma_start3A_688] : memref<3x128x128xf32, #tpu.memory_space<vmem>> -> memref<1x128x128xf32, #tpu.memory_space<vmem>>
        %dma_start3A_690 = tpu.memref_squeeze %dma_start3A_689 : memref<1x128x128xf32, #tpu.memory_space<vmem>> -> memref<128x128xf32, #tpu.memory_space<vmem>>
        %dma_start3A_691 = arith.constant 0 : i32
        %dma_start3A_692 = tpu.memref_slice %arg10[%add3A_666, %dma_start3A_691] : memref<10112x128xf32, #tpu.memory_space<vmem_shared>> -> memref<128x128xf32, #tpu.memory_space<vmem_shared>>
        %dma_start3A_693 = arith.constant 0 : i32
        %dma_start3A_694 = tpu.memref_slice %arg10[%add3A_666, %dma_start3A_693] : memref<10112x128xf32, #tpu.memory_space<vmem_shared>> -> memref<128x128xf32, #tpu.memory_space<vmem_shared>>
        %dma_start3A_695 = arith.constant 0 : i32
        %dma_start3A_696 = arith.constant 0 : i32
        %dma_start3A_697 = tpu.memref_slice %arg9[%run_scoped3A_667, %dma_start3A_695, %dma_start3A_696] : memref<3x128x128xf32, #tpu.memory_space<vmem>> -> memref<1x128x128xf32, #tpu.memory_space<vmem>>
        %dma_start3A_698 = tpu.memref_squeeze %dma_start3A_697 : memref<1x128x128xf32, #tpu.memory_space<vmem>> -> memref<128x128xf32, #tpu.memory_space<vmem>>
        tpu.enqueue_dma source(%dma_start3A_698 : memref<128x128xf32, #tpu.memory_space<vmem>>) target(%dma_start3A_694 : memref<128x128xf32, #tpu.memory_space<vmem_shared>>) target_semaphore(%run_scoped3A_686 : memref<!tpu.dma_semaphore, #tpu.memory_space<semaphore_mem>>)
        %dma_wait3A_699 = arith.constant 0 : i32
        %dma_wait3A_700 = arith.constant 0 : i32
        %dma_wait3A_701 = tpu.memref_slice %arg9[%run_scoped3A_667, %dma_wait3A_699, %dma_wait3A_700] : memref<3x128x128xf32, #tpu.memory_space<vmem>> -> memref<1x128x128xf32, #tpu.memory_space<vmem>>
        %dma_wait3A_702 = tpu.memref_squeeze %dma_wait3A_701 : memref<1x128x128xf32, #tpu.memory_space<vmem>> -> memref<128x128xf32, #tpu.memory_space<vmem>>
        %dma_wait3A_703 = arith.constant 0 : i32
        %dma_wait3A_704 = tpu.memref_slice %arg10[%add3A_666, %dma_wait3A_703] : memref<10112x128xf32, #tpu.memory_space<vmem_shared>> -> memref<128x128xf32, #tpu.memory_space<vmem_shared>>
        %dma_wait3A_705 = arith.constant 0 : i32
        %dma_wait3A_706 = tpu.memref_slice %arg10[%add3A_666, %dma_wait3A_705] : memref<10112x128xf32, #tpu.memory_space<vmem_shared>> -> memref<128x128xf32, #tpu.memory_space<vmem_shared>>
        %dma_wait3A_707 = arith.constant 0 : i32
        %dma_wait3A_708 = arith.constant 0 : i32
        %dma_wait3A_709 = tpu.memref_slice %arg9[%run_scoped3A_667, %dma_wait3A_707, %dma_wait3A_708] : memref<3x128x128xf32, #tpu.memory_space<vmem>> -> memref<1x128x128xf32, #tpu.memory_space<vmem>>
        %dma_wait3A_710 = tpu.memref_squeeze %dma_wait3A_709 : memref<1x128x128xf32, #tpu.memory_space<vmem>> -> memref<128x128xf32, #tpu.memory_space<vmem>>
        tpu.wait_dma2 semaphore(%run_scoped3A_686 : memref<!tpu.dma_semaphore, #tpu.memory_space<semaphore_mem>>) src(%dma_wait3A_710 : memref<128x128xf32, #tpu.memory_space<vmem>>) dst(%dma_wait3A_706 : memref<128x128xf32, #tpu.memory_space<vmem_shared>>)
        tpu.yield
      }) : () -> ()
      %add3A_668 = arith.constant 256 : i32
      %add3A_669 = arith.addi %mul3A_0, %add3A_668 : i32
      %run_scoped3A_670 = arith.constant 0 : i32
      "tpu.region"() ({
        %run_scoped3A_686 = tpu.sem_alloc : memref<!tpu.dma_semaphore, #tpu.memory_space<semaphore_mem>>
        %dma_start3A_687 = arith.constant 0 : i32
        %dma_start3A_688 = arith.constant 0 : i32
        %dma_start3A_689 = tpu.memref_slice %arg9[%run_scoped3A_670, %dma_start3A_687, %dma_start3A_688] : memref<3x128x128xf32, #tpu.memory_space<vmem>> -> memref<1x128x128xf32, #tpu.memory_space<vmem>>
        %dma_start3A_690 = tpu.memref_squeeze %dma_start3A_689 : memref<1x128x128xf32, #tpu.memory_space<vmem>> -> memref<128x128xf32, #tpu.memory_space<vmem>>
        %dma_start3A_691 = arith.constant 0 : i32
        %dma_start3A_692 = tpu.memref_slice %arg4[%add3A_669, %dma_start3A_691] : memref<10112x128xf32, #tpu.memory_space<hbm>> -> memref<128x128xf32, #tpu.memory_space<hbm>>
        %dma_start3A_693 = arith.constant 0 : i32
        %dma_start3A_694 = arith.constant 0 : i32
        %dma_start3A_695 = tpu.memref_slice %arg9[%run_scoped3A_670, %dma_start3A_693, %dma_start3A_694] : memref<3x128x128xf32, #tpu.memory_space<vmem>> -> memref<1x128x128xf32, #tpu.memory_space<vmem>>
        %dma_start3A_696 = tpu.memref_squeeze %dma_start3A_695 : memref<1x128x128xf32, #tpu.memory_space<vmem>> -> memref<128x128xf32, #tpu.memory_space<vmem>>
        %dma_start3A_697 = arith.constant 0 : i32
        %dma_start3A_698 = tpu.memref_slice %arg4[%add3A_669, %dma_start3A_697] : memref<10112x128xf32, #tpu.memory_space<hbm>> -> memref<128x128xf32, #tpu.memory_space<hbm>>
        tpu.enqueue_dma source(%dma_start3A_698 : memref<128x128xf32, #tpu.memory_space<hbm>>) target(%dma_start3A_696 : memref<128x128xf32, #tpu.memory_space<vmem>>) target_semaphore(%run_scoped3A_686 : memref<!tpu.dma_semaphore, #tpu.memory_space<semaphore_mem>>)
        %dma_wait3A_699 = arith.constant 0 : i32
        %dma_wait3A_700 = arith.constant 0 : i32
        %dma_wait3A_701 = tpu.memref_slice %arg9[%run_scoped3A_670, %dma_wait3A_699, %dma_wait3A_700] : memref<3x128x128xf32, #tpu.memory_space<vmem>> -> memref<1x128x128xf32, #tpu.memory_space<vmem>>
        %dma_wait3A_702 = tpu.memref_squeeze %dma_wait3A_701 : memref<1x128x128xf32, #tpu.memory_space<vmem>> -> memref<128x128xf32, #tpu.memory_space<vmem>>
        %dma_wait3A_703 = arith.constant 0 : i32
        %dma_wait3A_704 = tpu.memref_slice %arg4[%add3A_669, %dma_wait3A_703] : memref<10112x128xf32, #tpu.memory_space<hbm>> -> memref<128x128xf32, #tpu.memory_space<hbm>>
        %dma_wait3A_705 = arith.constant 0 : i32
        %dma_wait3A_706 = arith.constant 0 : i32
        %dma_wait3A_707 = tpu.memref_slice %arg9[%run_scoped3A_670, %dma_wait3A_705, %dma_wait3A_706] : memref<3x128x128xf32, #tpu.memory_space<vmem>> -> memref<1x128x128xf32, #tpu.memory_space<vmem>>
        %dma_wait3A_708 = tpu.memref_squeeze %dma_wait3A_707 : memref<1x128x128xf32, #tpu.memory_space<vmem>> -> memref<128x128xf32, #tpu.memory_space<vmem>>
        %dma_wait3A_709 = arith.constant 0 : i32
        %dma_wait3A_710 = tpu.memref_slice %arg4[%add3A_669, %dma_wait3A_709] : memref<10112x128xf32, #tpu.memory_space<hbm>> -> memref<128x128xf32, #tpu.memory_space<hbm>>
        tpu.wait_dma2 semaphore(%run_scoped3A_686 : memref<!tpu.dma_semaphore, #tpu.memory_space<semaphore_mem>>) src(%dma_wait3A_710 : memref<128x128xf32, #tpu.memory_space<hbm>>) dst(%dma_wait3A_708 : memref<128x128xf32, #tpu.memory_space<vmem>>)
        tpu.yield
      }) : () -> ()
      %add3A_671 = arith.constant 256 : i32
      %add3A_672 = arith.addi %mul3A_0, %add3A_671 : i32
      %run_scoped3A_673 = arith.constant 0 : i32
      "tpu.region"() ({
        %run_scoped3A_686 = tpu.sem_alloc : memref<!tpu.dma_semaphore, #tpu.memory_space<semaphore_mem>>
        %dma_start3A_687 = arith.constant 0 : i32
        %dma_start3A_688 = arith.constant 0 : i32
        %dma_start3A_689 = tpu.memref_slice %arg9[%run_scoped3A_673, %dma_start3A_687, %dma_start3A_688] : memref<3x128x128xf32, #tpu.memory_space<vmem>> -> memref<1x128x128xf32, #tpu.memory_space<vmem>>
        %dma_start3A_690 = tpu.memref_squeeze %dma_start3A_689 : memref<1x128x128xf32, #tpu.memory_space<vmem>> -> memref<128x128xf32, #tpu.memory_space<vmem>>
        %dma_start3A_691 = arith.constant 0 : i32
        %dma_start3A_692 = tpu.memref_slice %arg10[%add3A_672, %dma_start3A_691] : memref<10112x128xf32, #tpu.memory_space<vmem_shared>> -> memref<128x128xf32, #tpu.memory_space<vmem_shared>>
        %dma_start3A_693 = arith.constant 0 : i32
        %dma_start3A_694 = tpu.memref_slice %arg10[%add3A_672, %dma_start3A_693] : memref<10112x128xf32, #tpu.memory_space<vmem_shared>> -> memref<128x128xf32, #tpu.memory_space<vmem_shared>>
        %dma_start3A_695 = arith.constant 0 : i32
        %dma_start3A_696 = arith.constant 0 : i32
        %dma_start3A_697 = tpu.memref_slice %arg9[%run_scoped3A_673, %dma_start3A_695, %dma_start3A_696] : memref<3x128x128xf32, #tpu.memory_space<vmem>> -> memref<1x128x128xf32, #tpu.memory_space<vmem>>
        %dma_start3A_698 = tpu.memref_squeeze %dma_start3A_697 : memref<1x128x128xf32, #tpu.memory_space<vmem>> -> memref<128x128xf32, #tpu.memory_space<vmem>>
        tpu.enqueue_dma source(%dma_start3A_698 : memref<128x128xf32, #tpu.memory_space<vmem>>) target(%dma_start3A_694 : memref<128x128xf32, #tpu.memory_space<vmem_shared>>) target_semaphore(%run_scoped3A_686 : memref<!tpu.dma_semaphore, #tpu.memory_space<semaphore_mem>>)
        %dma_wait3A_699 = arith.constant 0 : i32
        %dma_wait3A_700 = arith.constant 0 : i32
        %dma_wait3A_701 = tpu.memref_slice %arg9[%run_scoped3A_673, %dma_wait3A_699, %dma_wait3A_700] : memref<3x128x128xf32, #tpu.memory_space<vmem>> -> memref<1x128x128xf32, #tpu.memory_space<vmem>>
        %dma_wait3A_702 = tpu.memref_squeeze %dma_wait3A_701 : memref<1x128x128xf32, #tpu.memory_space<vmem>> -> memref<128x128xf32, #tpu.memory_space<vmem>>
        %dma_wait3A_703 = arith.constant 0 : i32
        %dma_wait3A_704 = tpu.memref_slice %arg10[%add3A_672, %dma_wait3A_703] : memref<10112x128xf32, #tpu.memory_space<vmem_shared>> -> memref<128x128xf32, #tpu.memory_space<vmem_shared>>
        %dma_wait3A_705 = arith.constant 0 : i32
        %dma_wait3A_706 = tpu.memref_slice %arg10[%add3A_672, %dma_wait3A_705] : memref<10112x128xf32, #tpu.memory_space<vmem_shared>> -> memref<128x128xf32, #tpu.memory_space<vmem_shared>>
        %dma_wait3A_707 = arith.constant 0 : i32
        %dma_wait3A_708 = arith.constant 0 : i32
        %dma_wait3A_709 = tpu.memref_slice %arg9[%run_scoped3A_673, %dma_wait3A_707, %dma_wait3A_708] : memref<3x128x128xf32, #tpu.memory_space<vmem>> -> memref<1x128x128xf32, #tpu.memory_space<vmem>>
        %dma_wait3A_710 = tpu.memref_squeeze %dma_wait3A_709 : memref<1x128x128xf32, #tpu.memory_space<vmem>> -> memref<128x128xf32, #tpu.memory_space<vmem>>
        tpu.wait_dma2 semaphore(%run_scoped3A_686 : memref<!tpu.dma_semaphore, #tpu.memory_space<semaphore_mem>>) src(%dma_wait3A_710 : memref<128x128xf32, #tpu.memory_space<vmem>>) dst(%dma_wait3A_706 : memref<128x128xf32, #tpu.memory_space<vmem_shared>>)
        tpu.yield
      }) : () -> ()
      %add3A_674 = arith.constant 384 : i32
      %add3A_675 = arith.addi %mul3A_0, %add3A_674 : i32
      %run_scoped3A_676 = arith.constant 0 : i32
      "tpu.region"() ({
        %run_scoped3A_686 = tpu.sem_alloc : memref<!tpu.dma_semaphore, #tpu.memory_space<semaphore_mem>>
        %dma_start3A_687 = arith.constant 0 : i32
        %dma_start3A_688 = arith.constant 0 : i32
        %dma_start3A_689 = tpu.memref_slice %arg9[%run_scoped3A_676, %dma_start3A_687, %dma_start3A_688] : memref<3x128x128xf32, #tpu.memory_space<vmem>> -> memref<1x128x128xf32, #tpu.memory_space<vmem>>
        %dma_start3A_690 = tpu.memref_squeeze %dma_start3A_689 : memref<1x128x128xf32, #tpu.memory_space<vmem>> -> memref<128x128xf32, #tpu.memory_space<vmem>>
        %dma_start3A_691 = arith.constant 0 : i32
        %dma_start3A_692 = tpu.memref_slice %arg4[%add3A_675, %dma_start3A_691] : memref<10112x128xf32, #tpu.memory_space<hbm>> -> memref<128x128xf32, #tpu.memory_space<hbm>>
        %dma_start3A_693 = arith.constant 0 : i32
        %dma_start3A_694 = arith.constant 0 : i32
        %dma_start3A_695 = tpu.memref_slice %arg9[%run_scoped3A_676, %dma_start3A_693, %dma_start3A_694] : memref<3x128x128xf32, #tpu.memory_space<vmem>> -> memref<1x128x128xf32, #tpu.memory_space<vmem>>
        %dma_start3A_696 = tpu.memref_squeeze %dma_start3A_695 : memref<1x128x128xf32, #tpu.memory_space<vmem>> -> memref<128x128xf32, #tpu.memory_space<vmem>>
        %dma_start3A_697 = arith.constant 0 : i32
        %dma_start3A_698 = tpu.memref_slice %arg4[%add3A_675, %dma_start3A_697] : memref<10112x128xf32, #tpu.memory_space<hbm>> -> memref<128x128xf32, #tpu.memory_space<hbm>>
        tpu.enqueue_dma source(%dma_start3A_698 : memref<128x128xf32, #tpu.memory_space<hbm>>) target(%dma_start3A_696 : memref<128x128xf32, #tpu.memory_space<vmem>>) target_semaphore(%run_scoped3A_686 : memref<!tpu.dma_semaphore, #tpu.memory_space<semaphore_mem>>)
        %dma_wait3A_699 = arith.constant 0 : i32
        %dma_wait3A_700 = arith.constant 0 : i32
        %dma_wait3A_701 = tpu.memref_slice %arg9[%run_scoped3A_676, %dma_wait3A_699, %dma_wait3A_700] : memref<3x128x128xf32, #tpu.memory_space<vmem>> -> memref<1x128x128xf32, #tpu.memory_space<vmem>>
        %dma_wait3A_702 = tpu.memref_squeeze %dma_wait3A_701 : memref<1x128x128xf32, #tpu.memory_space<vmem>> -> memref<128x128xf32, #tpu.memory_space<vmem>>
        %dma_wait3A_703 = arith.constant 0 : i32
        %dma_wait3A_704 = tpu.memref_slice %arg4[%add3A_675, %dma_wait3A_703] : memref<10112x128xf32, #tpu.memory_space<hbm>> -> memref<128x128xf32, #tpu.memory_space<hbm>>
        %dma_wait3A_705 = arith.constant 0 : i32
        %dma_wait3A_706 = arith.constant 0 : i32
        %dma_wait3A_707 = tpu.memref_slice %arg9[%run_scoped3A_676, %dma_wait3A_705, %dma_wait3A_706] : memref<3x128x128xf32, #tpu.memory_space<vmem>> -> memref<1x128x128xf32, #tpu.memory_space<vmem>>
        %dma_wait3A_708 = tpu.memref_squeeze %dma_wait3A_707 : memref<1x128x128xf32, #tpu.memory_space<vmem>> -> memref<128x128xf32, #tpu.memory_space<vmem>>
        %dma_wait3A_709 = arith.constant 0 : i32
        %dma_wait3A_710 = tpu.memref_slice %arg4[%add3A_675, %dma_wait3A_709] : memref<10112x128xf32, #tpu.memory_space<hbm>> -> memref<128x128xf32, #tpu.memory_space<hbm>>
        tpu.wait_dma2 semaphore(%run_scoped3A_686 : memref<!tpu.dma_semaphore, #tpu.memory_space<semaphore_mem>>) src(%dma_wait3A_710 : memref<128x128xf32, #tpu.memory_space<hbm>>) dst(%dma_wait3A_708 : memref<128x128xf32, #tpu.memory_space<vmem>>)
        tpu.yield
      }) : () -> ()
      %add3A_677 = arith.constant 384 : i32
      %add3A_678 = arith.addi %mul3A_0, %add3A_677 : i32
      %run_scoped3A_679 = arith.constant 0 : i32
      "tpu.region"() ({
        %run_scoped3A_686 = tpu.sem_alloc : memref<!tpu.dma_semaphore, #tpu.memory_space<semaphore_mem>>
        %dma_start3A_687 = arith.constant 0 : i32
        %dma_start3A_688 = arith.constant 0 : i32
        %dma_start3A_689 = tpu.memref_slice %arg9[%run_scoped3A_679, %dma_start3A_687, %dma_start3A_688] : memref<3x128x128xf32, #tpu.memory_space<vmem>> -> memref<1x128x128xf32, #tpu.memory_space<vmem>>
        %dma_start3A_690 = tpu.memref_squeeze %dma_start3A_689 : memref<1x128x128xf32, #tpu.memory_space<vmem>> -> memref<128x128xf32, #tpu.memory_space<vmem>>
        %dma_start3A_691 = arith.constant 0 : i32
        %dma_start3A_692 = tpu.memref_slice %arg10[%add3A_678, %dma_start3A_691] : memref<10112x128xf32, #tpu.memory_space<vmem_shared>> -> memref<128x128xf32, #tpu.memory_space<vmem_shared>>
        %dma_start3A_693 = arith.constant 0 : i32
        %dma_start3A_694 = tpu.memref_slice %arg10[%add3A_678, %dma_start3A_693] : memref<10112x128xf32, #tpu.memory_space<vmem_shared>> -> memref<128x128xf32, #tpu.memory_space<vmem_shared>>
        %dma_start3A_695 = arith.constant 0 : i32
        %dma_start3A_696 = arith.constant 0 : i32
        %dma_start3A_697 = tpu.memref_slice %arg9[%run_scoped3A_679, %dma_start3A_695, %dma_start3A_696] : memref<3x128x128xf32, #tpu.memory_space<vmem>> -> memref<1x128x128xf32, #tpu.memory_space<vmem>>
        %dma_start3A_698 = tpu.memref_squeeze %dma_start3A_697 : memref<1x128x128xf32, #tpu.memory_space<vmem>> -> memref<128x128xf32, #tpu.memory_space<vmem>>
        tpu.enqueue_dma source(%dma_start3A_698 : memref<128x128xf32, #tpu.memory_space<vmem>>) target(%dma_start3A_694 : memref<128x128xf32, #tpu.memory_space<vmem_shared>>) target_semaphore(%run_scoped3A_686 : memref<!tpu.dma_semaphore, #tpu.memory_space<semaphore_mem>>)
        %dma_wait3A_699 = arith.constant 0 : i32
        %dma_wait3A_700 = arith.constant 0 : i32
        %dma_wait3A_701 = tpu.memref_slice %arg9[%run_scoped3A_679, %dma_wait3A_699, %dma_wait3A_700] : memref<3x128x128xf32, #tpu.memory_space<vmem>> -> memref<1x128x128xf32, #tpu.memory_space<vmem>>
        %dma_wait3A_702 = tpu.memref_squeeze %dma_wait3A_701 : memref<1x128x128xf32, #tpu.memory_space<vmem>> -> memref<128x128xf32, #tpu.memory_space<vmem>>
        %dma_wait3A_703 = arith.constant 0 : i32
        %dma_wait3A_704 = tpu.memref_slice %arg10[%add3A_678, %dma_wait3A_703] : memref<10112x128xf32, #tpu.memory_space<vmem_shared>> -> memref<128x128xf32, #tpu.memory_space<vmem_shared>>
        %dma_wait3A_705 = arith.constant 0 : i32
        %dma_wait3A_706 = tpu.memref_slice %arg10[%add3A_678, %dma_wait3A_705] : memref<10112x128xf32, #tpu.memory_space<vmem_shared>> -> memref<128x128xf32, #tpu.memory_space<vmem_shared>>
        %dma_wait3A_707 = arith.constant 0 : i32
        %dma_wait3A_708 = arith.constant 0 : i32
        %dma_wait3A_709 = tpu.memref_slice %arg9[%run_scoped3A_679, %dma_wait3A_707, %dma_wait3A_708] : memref<3x128x128xf32, #tpu.memory_space<vmem>> -> memref<1x128x128xf32, #tpu.memory_space<vmem>>
        %dma_wait3A_710 = tpu.memref_squeeze %dma_wait3A_709 : memref<1x128x128xf32, #tpu.memory_space<vmem>> -> memref<128x128xf32, #tpu.memory_space<vmem>>
        tpu.wait_dma2 semaphore(%run_scoped3A_686 : memref<!tpu.dma_semaphore, #tpu.memory_space<semaphore_mem>>) src(%dma_wait3A_710 : memref<128x128xf32, #tpu.memory_space<vmem>>) dst(%dma_wait3A_706 : memref<128x128xf32, #tpu.memory_space<vmem_shared>>)
        tpu.yield
      }) : () -> ()
      %add3A_680 = arith.constant 512 : i32
      %add3A_681 = arith.addi %mul3A_0, %add3A_680 : i32
      %run_scoped3A_682 = arith.constant 0 : i32
      "tpu.region"() ({
        %run_scoped3A_686 = tpu.sem_alloc : memref<!tpu.dma_semaphore, #tpu.memory_space<semaphore_mem>>
        %dma_start3A_687 = arith.constant 0 : i32
        %dma_start3A_688 = arith.constant 0 : i32
        %dma_start3A_689 = tpu.memref_slice %arg9[%run_scoped3A_682, %dma_start3A_687, %dma_start3A_688] : memref<3x128x128xf32, #tpu.memory_space<vmem>> -> memref<1x120x128xf32, #tpu.memory_space<vmem>>
        %dma_start3A_690 = tpu.memref_squeeze %dma_start3A_689 : memref<1x120x128xf32, #tpu.memory_space<vmem>> -> memref<120x128xf32, #tpu.memory_space<vmem>>
        %dma_start3A_691 = arith.constant 0 : i32
        %dma_start3A_692 = tpu.memref_slice %arg4[%add3A_681, %dma_start3A_691] : memref<10112x128xf32, #tpu.memory_space<hbm>> -> memref<120x128xf32, #tpu.memory_space<hbm>>
        %dma_start3A_693 = arith.constant 0 : i32
        %dma_start3A_694 = arith.constant 0 : i32
        %dma_start3A_695 = tpu.memref_slice %arg9[%run_scoped3A_682, %dma_start3A_693, %dma_start3A_694] : memref<3x128x128xf32, #tpu.memory_space<vmem>> -> memref<1x120x128xf32, #tpu.memory_space<vmem>>
        %dma_start3A_696 = tpu.memref_squeeze %dma_start3A_695 : memref<1x120x128xf32, #tpu.memory_space<vmem>> -> memref<120x128xf32, #tpu.memory_space<vmem>>
        %dma_start3A_697 = arith.constant 0 : i32
        %dma_start3A_698 = tpu.memref_slice %arg4[%add3A_681, %dma_start3A_697] : memref<10112x128xf32, #tpu.memory_space<hbm>> -> memref<120x128xf32, #tpu.memory_space<hbm>>
        tpu.enqueue_dma source(%dma_start3A_698 : memref<120x128xf32, #tpu.memory_space<hbm>>) target(%dma_start3A_696 : memref<120x128xf32, #tpu.memory_space<vmem>>) target_semaphore(%run_scoped3A_686 : memref<!tpu.dma_semaphore, #tpu.memory_space<semaphore_mem>>)
        %dma_wait3A_699 = arith.constant 0 : i32
        %dma_wait3A_700 = arith.constant 0 : i32
        %dma_wait3A_701 = tpu.memref_slice %arg9[%run_scoped3A_682, %dma_wait3A_699, %dma_wait3A_700] : memref<3x128x128xf32, #tpu.memory_space<vmem>> -> memref<1x120x128xf32, #tpu.memory_space<vmem>>
        %dma_wait3A_702 = tpu.memref_squeeze %dma_wait3A_701 : memref<1x120x128xf32, #tpu.memory_space<vmem>> -> memref<120x128xf32, #tpu.memory_space<vmem>>
        %dma_wait3A_703 = arith.constant 0 : i32
        %dma_wait3A_704 = tpu.memref_slice %arg4[%add3A_681, %dma_wait3A_703] : memref<10112x128xf32, #tpu.memory_space<hbm>> -> memref<120x128xf32, #tpu.memory_space<hbm>>
        %dma_wait3A_705 = arith.constant 0 : i32
        %dma_wait3A_706 = arith.constant 0 : i32
        %dma_wait3A_707 = tpu.memref_slice %arg9[%run_scoped3A_682, %dma_wait3A_705, %dma_wait3A_706] : memref<3x128x128xf32, #tpu.memory_space<vmem>> -> memref<1x120x128xf32, #tpu.memory_space<vmem>>
        %dma_wait3A_708 = tpu.memref_squeeze %dma_wait3A_707 : memref<1x120x128xf32, #tpu.memory_space<vmem>> -> memref<120x128xf32, #tpu.memory_space<vmem>>
        %dma_wait3A_709 = arith.constant 0 : i32
        %dma_wait3A_710 = tpu.memref_slice %arg4[%add3A_681, %dma_wait3A_709] : memref<10112x128xf32, #tpu.memory_space<hbm>> -> memref<120x128xf32, #tpu.memory_space<hbm>>
        tpu.wait_dma2 semaphore(%run_scoped3A_686 : memref<!tpu.dma_semaphore, #tpu.memory_space<semaphore_mem>>) src(%dma_wait3A_710 : memref<120x128xf32, #tpu.memory_space<hbm>>) dst(%dma_wait3A_708 : memref<120x128xf32, #tpu.memory_space<vmem>>)
        tpu.yield
      }) : () -> ()
      %add3A_683 = arith.constant 512 : i32
      %add3A_684 = arith.addi %mul3A_0, %add3A_683 : i32
      %run_scoped3A_685 = arith.constant 0 : i32
      "tpu.region"() ({
        %run_scoped3A_686 = tpu.sem_alloc : memref<!tpu.dma_semaphore, #tpu.memory_space<semaphore_mem>>
        %dma_start3A_687 = arith.constant 0 : i32
        %dma_start3A_688 = arith.constant 0 : i32
        %dma_start3A_689 = tpu.memref_slice %arg9[%run_scoped3A_685, %dma_start3A_687, %dma_start3A_688] : memref<3x128x128xf32, #tpu.memory_space<vmem>> -> memref<1x120x128xf32, #tpu.memory_space<vmem>>
        %dma_start3A_690 = tpu.memref_squeeze %dma_start3A_689 : memref<1x120x128xf32, #tpu.memory_space<vmem>> -> memref<120x128xf32, #tpu.memory_space<vmem>>
        %dma_start3A_691 = arith.constant 0 : i32
        %dma_start3A_692 = tpu.memref_slice %arg10[%add3A_684, %dma_start3A_691] : memref<10112x128xf32, #tpu.memory_space<vmem_shared>> -> memref<120x128xf32, #tpu.memory_space<vmem_shared>>
        %dma_start3A_693 = arith.constant 0 : i32
        %dma_start3A_694 = tpu.memref_slice %arg10[%add3A_684, %dma_start3A_693] : memref<10112x128xf32, #tpu.memory_space<vmem_shared>> -> memref<120x128xf32, #tpu.memory_space<vmem_shared>>
        %dma_start3A_695 = arith.constant 0 : i32
        %dma_start3A_696 = arith.constant 0 : i32
        %dma_start3A_697 = tpu.memref_slice %arg9[%run_scoped3A_685, %dma_start3A_695, %dma_start3A_696] : memref<3x128x128xf32, #tpu.memory_space<vmem>> -> memref<1x120x128xf32, #tpu.memory_space<vmem>>
        %dma_start3A_698 = tpu.memref_squeeze %dma_start3A_697 : memref<1x120x128xf32, #tpu.memory_space<vmem>> -> memref<120x128xf32, #tpu.memory_space<vmem>>
        tpu.enqueue_dma source(%dma_start3A_698 : memref<120x128xf32, #tpu.memory_space<vmem>>) target(%dma_start3A_694 : memref<120x128xf32, #tpu.memory_space<vmem_shared>>) target_semaphore(%run_scoped3A_686 : memref<!tpu.dma_semaphore, #tpu.memory_space<semaphore_mem>>)
        %dma_wait3A_699 = arith.constant 0 : i32
        %dma_wait3A_700 = arith.constant 0 : i32
        %dma_wait3A_701 = tpu.memref_slice %arg9[%run_scoped3A_685, %dma_wait3A_699, %dma_wait3A_700] : memref<3x128x128xf32, #tpu.memory_space<vmem>> -> memref<1x120x128xf32, #tpu.memory_space<vmem>>
        %dma_wait3A_702 = tpu.memref_squeeze %dma_wait3A_701 : memref<1x120x128xf32, #tpu.memory_space<vmem>> -> memref<120x128xf32, #tpu.memory_space<vmem>>
        %dma_wait3A_703 = arith.constant 0 : i32
        %dma_wait3A_704 = tpu.memref_slice %arg10[%add3A_684, %dma_wait3A_703] : memref<10112x128xf32, #tpu.memory_space<vmem_shared>> -> memref<120x128xf32, #tpu.memory_space<vmem_shared>>
        %dma_wait3A_705 = arith.constant 0 : i32
        %dma_wait3A_706 = tpu.memref_slice %arg10[%add3A_684, %dma_wait3A_705] : memref<10112x128xf32, #tpu.memory_space<vmem_shared>> -> memref<120x128xf32, #tpu.memory_space<vmem_shared>>
        %dma_wait3A_707 = arith.constant 0 : i32
        %dma_wait3A_708 = arith.constant 0 : i32
        %dma_wait3A_709 = tpu.memref_slice %arg9[%run_scoped3A_685, %dma_wait3A_707, %dma_wait3A_708] : memref<3x128x128xf32, #tpu.memory_space<vmem>> -> memref<1x120x128xf32, #tpu.memory_space<vmem>>
        %dma_wait3A_710 = tpu.memref_squeeze %dma_wait3A_709 : memref<1x120x128xf32, #tpu.memory_space<vmem>> -> memref<120x128xf32, #tpu.memory_space<vmem>>
        tpu.wait_dma2 semaphore(%run_scoped3A_686 : memref<!tpu.dma_semaphore, #tpu.memory_space<semaphore_mem>>) src(%dma_wait3A_710 : memref<120x128xf32, #tpu.memory_space<vmem>>) dst(%dma_wait3A_706 : memref<120x128xf32, #tpu.memory_space<vmem_shared>>)
        tpu.yield
      }) : () -> ()
    } else {
    }
    %eq3A_3 = arith.constant 1 : i32
    %eq3A_4 = arith.cmpi eq, %arg0, %eq3A_3 : i32
    %convert_element_type3A_5 = arith.extui %eq3A_4 : i1 to i32
    %cond3A_6 = arith.constant 0 : i32
    %cond3A_7 = arith.cmpi ne, %convert_element_type3A_5, %cond3A_6 : i32
    scf.if %cond3A_7 {
      %broadcast_in_dim3A = arith.constant 0.000000e+00 : f32
      %broadcast_in_dim3A_657 = vector.broadcast %broadcast_in_dim3A : f32 to vector<16xf32>
      %scan3A_658 = arith.constant 0 : i32
      %scan3A_659 = arith.constant 0 : i32
      %scan3A_660 = arith.constant 1024 : i32
      %scan3A_661 = arith.addi %scan3A_659, %scan3A_660 : i32
      %scan3A_662 = arith.constant 1 : i32
      scf.for %scan3A_678 = %scan3A_659 to %scan3A_661 step %scan3A_662  : i32 {
        %div3A = arith.constant 8 : i32
        %div3A_679 = arith.divsi %scan3A_678, %div3A : i32
        %rem3A_680 = arith.constant 8 : i32
        %rem3A_681 = arith.remsi %scan3A_678, %rem3A_680 : i32
        %mul3A_682 = arith.constant 16 : i32
        %mul3A_683 = arith.muli %rem3A_681, %mul3A_682 : i32
        %swap3A = arith.constant 0 : i32
        %swap3A_684 = arith.index_cast %swap3A : i32 to index
        %swap3A_685 = arith.index_cast %div3A_679 : i32 to index
        %swap3A_686 = arith.index_cast %mul3A_683 : i32 to index
        %swap3A_687 = tpu.vector_load %arg9[%swap3A_684, %swap3A_685, %swap3A_686] {strides = array<i32>} : memref<3x128x128xf32, #tpu.memory_space<vmem>>, vector<1x1x16xf32>,
        %swap3A_688 = vector.shape_cast %swap3A_687 : vector<1x1x16xf32> to vector<16xf32>
        %swap3A_689 = vector.shape_cast %broadcast_in_dim3A_657 : vector<16xf32> to vector<1x1x16xf32>
        tpu.vector_store %arg9[%swap3A_684, %swap3A_685, %swap3A_686], %swap3A_689 {strides = array<i32>} : memref<3x128x128xf32, #tpu.memory_space<vmem>>, vector<1x1x16xf32>,
      }
      %scan3A_663 = arith.constant 1024 : i32
      %add3A_664 = arith.constant 0 : i32
      %add3A_665 = arith.addi %mul3A_0, %add3A_664 : i32
      %run_scoped3A = arith.constant 0 : i32
      "tpu.region"() ({
        %run_scoped3A_678 = tpu.sem_alloc : memref<!tpu.dma_semaphore, #tpu.memory_space<semaphore_mem>>
        %dma_start3A_679 = arith.constant 0 : i32
        %dma_start3A_680 = arith.constant 0 : i32
        %dma_start3A_681 = tpu.memref_slice %arg9[%run_scoped3A, %dma_start3A_679, %dma_start3A_680] : memref<3x128x128xf32, #tpu.memory_space<vmem>> -> memref<1x128x128xf32, #tpu.memory_space<vmem>>
        %dma_start3A_682 = tpu.memref_squeeze %dma_start3A_681 : memref<1x128x128xf32, #tpu.memory_space<vmem>> -> memref<128x128xf32, #tpu.memory_space<vmem>>
        %dma_start3A_683 = arith.constant 0 : i32
        %dma_start3A_684 = tpu.memref_slice %arg10[%add3A_665, %dma_start3A_683] : memref<10112x128xf32, #tpu.memory_space<vmem_shared>> -> memref<128x128xf32, #tpu.memory_space<vmem_shared>>
        %dma_start3A_685 = arith.constant 0 : i32
        %dma_start3A_686 = tpu.memref_slice %arg10[%add3A_665, %dma_start3A_685] : memref<10112x128xf32, #tpu.memory_space<vmem_shared>> -> memref<128x128xf32, #tpu.memory_space<vmem_shared>>
        %dma_start3A_687 = arith.constant 0 : i32
        %dma_start3A_688 = arith.constant 0 : i32
        %dma_start3A_689 = tpu.memref_slice %arg9[%run_scoped3A, %dma_start3A_687, %dma_start3A_688] : memref<3x128x128xf32, #tpu.memory_space<vmem>> -> memref<1x128x128xf32, #tpu.memory_space<vmem>>
        %dma_start3A_690 = tpu.memref_squeeze %dma_start3A_689 : memref<1x128x128xf32, #tpu.memory_space<vmem>> -> memref<128x128xf32, #tpu.memory_space<vmem>>
        tpu.enqueue_dma source(%dma_start3A_690 : memref<128x128xf32, #tpu.memory_space<vmem>>) target(%dma_start3A_686 : memref<128x128xf32, #tpu.memory_space<vmem_shared>>) target_semaphore(%run_scoped3A_678 : memref<!tpu.dma_semaphore, #tpu.memory_space<semaphore_mem>>)
        %dma_wait3A_691 = arith.constant 0 : i32
        %dma_wait3A_692 = arith.constant 0 : i32
        %dma_wait3A_693 = tpu.memref_slice %arg9[%run_scoped3A, %dma_wait3A_691, %dma_wait3A_692] : memref<3x128x128xf32, #tpu.memory_space<vmem>> -> memref<1x128x128xf32, #tpu.memory_space<vmem>>
        %dma_wait3A_694 = tpu.memref_squeeze %dma_wait3A_693 : memref<1x128x128xf32, #tpu.memory_space<vmem>> -> memref<128x128xf32, #tpu.memory_space<vmem>>
        %dma_wait3A_695 = arith.constant 0 : i32
        %dma_wait3A_696 = tpu.memref_slice %arg10[%add3A_665, %dma_wait3A_695] : memref<10112x128xf32, #tpu.memory_space<vmem_shared>> -> memref<128x128xf32, #tpu.memory_space<vmem_shared>>
        %dma_wait3A_697 = arith.constant 0 : i32
        %dma_wait3A_698 = tpu.memref_slice %arg10[%add3A_665, %dma_wait3A_697] : memref<10112x128xf32, #tpu.memory_space<vmem_shared>> -> memref<128x128xf32, #tpu.memory_space<vmem_shared>>
        %dma_wait3A_699 = arith.constant 0 : i32
        %dma_wait3A_700 = arith.constant 0 : i32
        %dma_wait3A_701 = tpu.memref_slice %arg9[%run_scoped3A, %dma_wait3A_699, %dma_wait3A_700] : memref<3x128x128xf32, #tpu.memory_space<vmem>> -> memref<1x128x128xf32, #tpu.memory_space<vmem>>
        %dma_wait3A_702 = tpu.memref_squeeze %dma_wait3A_701 : memref<1x128x128xf32, #tpu.memory_space<vmem>> -> memref<128x128xf32, #tpu.memory_space<vmem>>
        tpu.wait_dma2 semaphore(%run_scoped3A_678 : memref<!tpu.dma_semaphore, #tpu.memory_space<semaphore_mem>>) src(%dma_wait3A_702 : memref<128x128xf32, #tpu.memory_space<vmem>>) dst(%dma_wait3A_698 : memref<128x128xf32, #tpu.memory_space<vmem_shared>>)
        tpu.yield
      }) : () -> ()
      %add3A_666 = arith.constant 128 : i32
      %add3A_667 = arith.addi %mul3A_0, %add3A_666 : i32
      %run_scoped3A_668 = arith.constant 0 : i32
      "tpu.region"() ({
        %run_scoped3A_678 = tpu.sem_alloc : memref<!tpu.dma_semaphore, #tpu.memory_space<semaphore_mem>>
        %dma_start3A_679 = arith.constant 0 : i32
        %dma_start3A_680 = arith.constant 0 : i32
        %dma_start3A_681 = tpu.memref_slice %arg9[%run_scoped3A_668, %dma_start3A_679, %dma_start3A_680] : memref<3x128x128xf32, #tpu.memory_space<vmem>> -> memref<1x128x128xf32, #tpu.memory_space<vmem>>
        %dma_start3A_682 = tpu.memref_squeeze %dma_start3A_681 : memref<1x128x128xf32, #tpu.memory_space<vmem>> -> memref<128x128xf32, #tpu.memory_space<vmem>>
        %dma_start3A_683 = arith.constant 0 : i32
        %dma_start3A_684 = tpu.memref_slice %arg10[%add3A_667, %dma_start3A_683] : memref<10112x128xf32, #tpu.memory_space<vmem_shared>> -> memref<128x128xf32, #tpu.memory_space<vmem_shared>>
        %dma_start3A_685 = arith.constant 0 : i32
        %dma_start3A_686 = tpu.memref_slice %arg10[%add3A_667, %dma_start3A_685] : memref<10112x128xf32, #tpu.memory_space<vmem_shared>> -> memref<128x128xf32, #tpu.memory_space<vmem_shared>>
        %dma_start3A_687 = arith.constant 0 : i32
        %dma_start3A_688 = arith.constant 0 : i32
        %dma_start3A_689 = tpu.memref_slice %arg9[%run_scoped3A_668, %dma_start3A_687, %dma_start3A_688] : memref<3x128x128xf32, #tpu.memory_space<vmem>> -> memref<1x128x128xf32, #tpu.memory_space<vmem>>
        %dma_start3A_690 = tpu.memref_squeeze %dma_start3A_689 : memref<1x128x128xf32, #tpu.memory_space<vmem>> -> memref<128x128xf32, #tpu.memory_space<vmem>>
        tpu.enqueue_dma source(%dma_start3A_690 : memref<128x128xf32, #tpu.memory_space<vmem>>) target(%dma_start3A_686 : memref<128x128xf32, #tpu.memory_space<vmem_shared>>) target_semaphore(%run_scoped3A_678 : memref<!tpu.dma_semaphore, #tpu.memory_space<semaphore_mem>>)
        %dma_wait3A_691 = arith.constant 0 : i32
        %dma_wait3A_692 = arith.constant 0 : i32
        %dma_wait3A_693 = tpu.memref_slice %arg9[%run_scoped3A_668, %dma_wait3A_691, %dma_wait3A_692] : memref<3x128x128xf32, #tpu.memory_space<vmem>> -> memref<1x128x128xf32, #tpu.memory_space<vmem>>
        %dma_wait3A_694 = tpu.memref_squeeze %dma_wait3A_693 : memref<1x128x128xf32, #tpu.memory_space<vmem>> -> memref<128x128xf32, #tpu.memory_space<vmem>>
        %dma_wait3A_695 = arith.constant 0 : i32
        %dma_wait3A_696 = tpu.memref_slice %arg10[%add3A_667, %dma_wait3A_695] : memref<10112x128xf32, #tpu.memory_space<vmem_shared>> -> memref<128x128xf32, #tpu.memory_space<vmem_shared>>
        %dma_wait3A_697 = arith.constant 0 : i32
        %dma_wait3A_698 = tpu.memref_slice %arg10[%add3A_667, %dma_wait3A_697] : memref<10112x128xf32, #tpu.memory_space<vmem_shared>> -> memref<128x128xf32, #tpu.memory_space<vmem_shared>>
        %dma_wait3A_699 = arith.constant 0 : i32
        %dma_wait3A_700 = arith.constant 0 : i32
        %dma_wait3A_701 = tpu.memref_slice %arg9[%run_scoped3A_668, %dma_wait3A_699, %dma_wait3A_700] : memref<3x128x128xf32, #tpu.memory_space<vmem>> -> memref<1x128x128xf32, #tpu.memory_space<vmem>>
        %dma_wait3A_702 = tpu.memref_squeeze %dma_wait3A_701 : memref<1x128x128xf32, #tpu.memory_space<vmem>> -> memref<128x128xf32, #tpu.memory_space<vmem>>
        tpu.wait_dma2 semaphore(%run_scoped3A_678 : memref<!tpu.dma_semaphore, #tpu.memory_space<semaphore_mem>>) src(%dma_wait3A_702 : memref<128x128xf32, #tpu.memory_space<vmem>>) dst(%dma_wait3A_698 : memref<128x128xf32, #tpu.memory_space<vmem_shared>>)
        tpu.yield
      }) : () -> ()
      %add3A_669 = arith.constant 256 : i32
      %add3A_670 = arith.addi %mul3A_0, %add3A_669 : i32
      %run_scoped3A_671 = arith.constant 0 : i32
      "tpu.region"() ({
        %run_scoped3A_678 = tpu.sem_alloc : memref<!tpu.dma_semaphore, #tpu.memory_space<semaphore_mem>>
        %dma_start3A_679 = arith.constant 0 : i32
        %dma_start3A_680 = arith.constant 0 : i32
        %dma_start3A_681 = tpu.memref_slice %arg9[%run_scoped3A_671, %dma_start3A_679, %dma_start3A_680] : memref<3x128x128xf32, #tpu.memory_space<vmem>> -> memref<1x128x128xf32, #tpu.memory_space<vmem>>
        %dma_start3A_682 = tpu.memref_squeeze %dma_start3A_681 : memref<1x128x128xf32, #tpu.memory_space<vmem>> -> memref<128x128xf32, #tpu.memory_space<vmem>>
        %dma_start3A_683 = arith.constant 0 : i32
        %dma_start3A_684 = tpu.memref_slice %arg10[%add3A_670, %dma_start3A_683] : memref<10112x128xf32, #tpu.memory_space<vmem_shared>> -> memref<128x128xf32, #tpu.memory_space<vmem_shared>>
        %dma_start3A_685 = arith.constant 0 : i32
        %dma_start3A_686 = tpu.memref_slice %arg10[%add3A_670, %dma_start3A_685] : memref<10112x128xf32, #tpu.memory_space<vmem_shared>> -> memref<128x128xf32, #tpu.memory_space<vmem_shared>>
        %dma_start3A_687 = arith.constant 0 : i32
        %dma_start3A_688 = arith.constant 0 : i32
        %dma_start3A_689 = tpu.memref_slice %arg9[%run_scoped3A_671, %dma_start3A_687, %dma_start3A_688] : memref<3x128x128xf32, #tpu.memory_space<vmem>> -> memref<1x128x128xf32, #tpu.memory_space<vmem>>
        %dma_start3A_690 = tpu.memref_squeeze %dma_start3A_689 : memref<1x128x128xf32, #tpu.memory_space<vmem>> -> memref<128x128xf32, #tpu.memory_space<vmem>>
        tpu.enqueue_dma source(%dma_start3A_690 : memref<128x128xf32, #tpu.memory_space<vmem>>) target(%dma_start3A_686 : memref<128x128xf32, #tpu.memory_space<vmem_shared>>) target_semaphore(%run_scoped3A_678 : memref<!tpu.dma_semaphore, #tpu.memory_space<semaphore_mem>>)
        %dma_wait3A_691 = arith.constant 0 : i32
        %dma_wait3A_692 = arith.constant 0 : i32
        %dma_wait3A_693 = tpu.memref_slice %arg9[%run_scoped3A_671, %dma_wait3A_691, %dma_wait3A_692] : memref<3x128x128xf32, #tpu.memory_space<vmem>> -> memref<1x128x128xf32, #tpu.memory_space<vmem>>
        %dma_wait3A_694 = tpu.memref_squeeze %dma_wait3A_693 : memref<1x128x128xf32, #tpu.memory_space<vmem>> -> memref<128x128xf32, #tpu.memory_space<vmem>>
        %dma_wait3A_695 = arith.constant 0 : i32
        %dma_wait3A_696 = tpu.memref_slice %arg10[%add3A_670, %dma_wait3A_695] : memref<10112x128xf32, #tpu.memory_space<vmem_shared>> -> memref<128x128xf32, #tpu.memory_space<vmem_shared>>
        %dma_wait3A_697 = arith.constant 0 : i32
        %dma_wait3A_698 = tpu.memref_slice %arg10[%add3A_670, %dma_wait3A_697] : memref<10112x128xf32, #tpu.memory_space<vmem_shared>> -> memref<128x128xf32, #tpu.memory_space<vmem_shared>>
        %dma_wait3A_699 = arith.constant 0 : i32
        %dma_wait3A_700 = arith.constant 0 : i32
        %dma_wait3A_701 = tpu.memref_slice %arg9[%run_scoped3A_671, %dma_wait3A_699, %dma_wait3A_700] : memref<3x128x128xf32, #tpu.memory_space<vmem>> -> memref<1x128x128xf32, #tpu.memory_space<vmem>>
        %dma_wait3A_702 = tpu.memref_squeeze %dma_wait3A_701 : memref<1x128x128xf32, #tpu.memory_space<vmem>> -> memref<128x128xf32, #tpu.memory_space<vmem>>
        tpu.wait_dma2 semaphore(%run_scoped3A_678 : memref<!tpu.dma_semaphore, #tpu.memory_space<semaphore_mem>>) src(%dma_wait3A_702 : memref<128x128xf32, #tpu.memory_space<vmem>>) dst(%dma_wait3A_698 : memref<128x128xf32, #tpu.memory_space<vmem_shared>>)
        tpu.yield
      }) : () -> ()
      %add3A_672 = arith.constant 384 : i32
      %add3A_673 = arith.addi %mul3A_0, %add3A_672 : i32
      %run_scoped3A_674 = arith.constant 0 : i32
      "tpu.region"() ({
        %run_scoped3A_678 = tpu.sem_alloc : memref<!tpu.dma_semaphore, #tpu.memory_space<semaphore_mem>>
        %dma_start3A_679 = arith.constant 0 : i32
        %dma_start3A_680 = arith.constant 0 : i32
        %dma_start3A_681 = tpu.memref_slice %arg9[%run_scoped3A_674, %dma_start3A_679, %dma_start3A_680] : memref<3x128x128xf32, #tpu.memory_space<vmem>> -> memref<1x128x128xf32, #tpu.memory_space<vmem>>
        %dma_start3A_682 = tpu.memref_squeeze %dma_start3A_681 : memref<1x128x128xf32, #tpu.memory_space<vmem>> -> memref<128x128xf32, #tpu.memory_space<vmem>>
        %dma_start3A_683 = arith.constant 0 : i32
        %dma_start3A_684 = tpu.memref_slice %arg10[%add3A_673, %dma_start3A_683] : memref<10112x128xf32, #tpu.memory_space<vmem_shared>> -> memref<128x128xf32, #tpu.memory_space<vmem_shared>>
        %dma_start3A_685 = arith.constant 0 : i32
        %dma_start3A_686 = tpu.memref_slice %arg10[%add3A_673, %dma_start3A_685] : memref<10112x128xf32, #tpu.memory_space<vmem_shared>> -> memref<128x128xf32, #tpu.memory_space<vmem_shared>>
        %dma_start3A_687 = arith.constant 0 : i32
        %dma_start3A_688 = arith.constant 0 : i32
        %dma_start3A_689 = tpu.memref_slice %arg9[%run_scoped3A_674, %dma_start3A_687, %dma_start3A_688] : memref<3x128x128xf32, #tpu.memory_space<vmem>> -> memref<1x128x128xf32, #tpu.memory_space<vmem>>
        %dma_start3A_690 = tpu.memref_squeeze %dma_start3A_689 : memref<1x128x128xf32, #tpu.memory_space<vmem>> -> memref<128x128xf32, #tpu.memory_space<vmem>>
        tpu.enqueue_dma source(%dma_start3A_690 : memref<128x128xf32, #tpu.memory_space<vmem>>) target(%dma_start3A_686 : memref<128x128xf32, #tpu.memory_space<vmem_shared>>) target_semaphore(%run_scoped3A_678 : memref<!tpu.dma_semaphore, #tpu.memory_space<semaphore_mem>>)
        %dma_wait3A_691 = arith.constant 0 : i32
        %dma_wait3A_692 = arith.constant 0 : i32
        %dma_wait3A_693 = tpu.memref_slice %arg9[%run_scoped3A_674, %dma_wait3A_691, %dma_wait3A_692] : memref<3x128x128xf32, #tpu.memory_space<vmem>> -> memref<1x128x128xf32, #tpu.memory_space<vmem>>
        %dma_wait3A_694 = tpu.memref_squeeze %dma_wait3A_693 : memref<1x128x128xf32, #tpu.memory_space<vmem>> -> memref<128x128xf32, #tpu.memory_space<vmem>>
        %dma_wait3A_695 = arith.constant 0 : i32
        %dma_wait3A_696 = tpu.memref_slice %arg10[%add3A_673, %dma_wait3A_695] : memref<10112x128xf32, #tpu.memory_space<vmem_shared>> -> memref<128x128xf32, #tpu.memory_space<vmem_shared>>
        %dma_wait3A_697 = arith.constant 0 : i32
        %dma_wait3A_698 = tpu.memref_slice %arg10[%add3A_673, %dma_wait3A_697] : memref<10112x128xf32, #tpu.memory_space<vmem_shared>> -> memref<128x128xf32, #tpu.memory_space<vmem_shared>>
        %dma_wait3A_699 = arith.constant 0 : i32
        %dma_wait3A_700 = arith.constant 0 : i32
        %dma_wait3A_701 = tpu.memref_slice %arg9[%run_scoped3A_674, %dma_wait3A_699, %dma_wait3A_700] : memref<3x128x128xf32, #tpu.memory_space<vmem>> -> memref<1x128x128xf32, #tpu.memory_space<vmem>>
        %dma_wait3A_702 = tpu.memref_squeeze %dma_wait3A_701 : memref<1x128x128xf32, #tpu.memory_space<vmem>> -> memref<128x128xf32, #tpu.memory_space<vmem>>
        tpu.wait_dma2 semaphore(%run_scoped3A_678 : memref<!tpu.dma_semaphore, #tpu.memory_space<semaphore_mem>>) src(%dma_wait3A_702 : memref<128x128xf32, #tpu.memory_space<vmem>>) dst(%dma_wait3A_698 : memref<128x128xf32, #tpu.memory_space<vmem_shared>>)
        tpu.yield
      }) : () -> ()
      %add3A_675 = arith.constant 512 : i32
      %add3A_676 = arith.addi %mul3A_0, %add3A_675 : i32
      %run_scoped3A_677 = arith.constant 0 : i32
      "tpu.region"() ({
        %run_scoped3A_678 = tpu.sem_alloc : memref<!tpu.dma_semaphore, #tpu.memory_space<semaphore_mem>>
        %dma_start3A_679 = arith.constant 0 : i32
        %dma_start3A_680 = arith.constant 0 : i32
        %dma_start3A_681 = tpu.memref_slice %arg9[%run_scoped3A_677, %dma_start3A_679, %dma_start3A_680] : memref<3x128x128xf32, #tpu.memory_space<vmem>> -> memref<1x120x128xf32, #tpu.memory_space<vmem>>
        %dma_start3A_682 = tpu.memref_squeeze %dma_start3A_681 : memref<1x120x128xf32, #tpu.memory_space<vmem>> -> memref<120x128xf32, #tpu.memory_space<vmem>>
        %dma_start3A_683 = arith.constant 0 : i32
        %dma_start3A_684 = tpu.memref_slice %arg10[%add3A_676, %dma_start3A_683] : memref<10112x128xf32, #tpu.memory_space<vmem_shared>> -> memref<120x128xf32, #tpu.memory_space<vmem_shared>>
        %dma_start3A_685 = arith.constant 0 : i32
        %dma_start3A_686 = tpu.memref_slice %arg10[%add3A_676, %dma_start3A_685] : memref<10112x128xf32, #tpu.memory_space<vmem_shared>> -> memref<120x128xf32, #tpu.memory_space<vmem_shared>>
        %dma_start3A_687 = arith.constant 0 : i32
        %dma_start3A_688 = arith.constant 0 : i32
        %dma_start3A_689 = tpu.memref_slice %arg9[%run_scoped3A_677, %dma_start3A_687, %dma_start3A_688] : memref<3x128x128xf32, #tpu.memory_space<vmem>> -> memref<1x120x128xf32, #tpu.memory_space<vmem>>
        %dma_start3A_690 = tpu.memref_squeeze %dma_start3A_689 : memref<1x120x128xf32, #tpu.memory_space<vmem>> -> memref<120x128xf32, #tpu.memory_space<vmem>>
        tpu.enqueue_dma source(%dma_start3A_690 : memref<120x128xf32, #tpu.memory_space<vmem>>) target(%dma_start3A_686 : memref<120x128xf32, #tpu.memory_space<vmem_shared>>) target_semaphore(%run_scoped3A_678 : memref<!tpu.dma_semaphore, #tpu.memory_space<semaphore_mem>>)
        %dma_wait3A_691 = arith.constant 0 : i32
        %dma_wait3A_692 = arith.constant 0 : i32
        %dma_wait3A_693 = tpu.memref_slice %arg9[%run_scoped3A_677, %dma_wait3A_691, %dma_wait3A_692] : memref<3x128x128xf32, #tpu.memory_space<vmem>> -> memref<1x120x128xf32, #tpu.memory_space<vmem>>
        %dma_wait3A_694 = tpu.memref_squeeze %dma_wait3A_693 : memref<1x120x128xf32, #tpu.memory_space<vmem>> -> memref<120x128xf32, #tpu.memory_space<vmem>>
        %dma_wait3A_695 = arith.constant 0 : i32
        %dma_wait3A_696 = tpu.memref_slice %arg10[%add3A_676, %dma_wait3A_695] : memref<10112x128xf32, #tpu.memory_space<vmem_shared>> -> memref<120x128xf32, #tpu.memory_space<vmem_shared>>
        %dma_wait3A_697 = arith.constant 0 : i32
        %dma_wait3A_698 = tpu.memref_slice %arg10[%add3A_676, %dma_wait3A_697] : memref<10112x128xf32, #tpu.memory_space<vmem_shared>> -> memref<120x128xf32, #tpu.memory_space<vmem_shared>>
        %dma_wait3A_699 = arith.constant 0 : i32
        %dma_wait3A_700 = arith.constant 0 : i32
        %dma_wait3A_701 = tpu.memref_slice %arg9[%run_scoped3A_677, %dma_wait3A_699, %dma_wait3A_700] : memref<3x128x128xf32, #tpu.memory_space<vmem>> -> memref<1x120x128xf32, #tpu.memory_space<vmem>>
        %dma_wait3A_702 = tpu.memref_squeeze %dma_wait3A_701 : memref<1x120x128xf32, #tpu.memory_space<vmem>> -> memref<120x128xf32, #tpu.memory_space<vmem>>
        tpu.wait_dma2 semaphore(%run_scoped3A_678 : memref<!tpu.dma_semaphore, #tpu.memory_space<semaphore_mem>>) src(%dma_wait3A_702 : memref<120x128xf32, #tpu.memory_space<vmem>>) dst(%dma_wait3A_698 : memref<120x128xf32, #tpu.memory_space<vmem_shared>>)
        tpu.yield
      }) : () -> ()
    } else {
    }
    %barrier3A = arith.constant 0 : index
    tpu.barrier barrier_id(%barrier3A)
    %mul3A_8 = arith.constant 1280 : i32
    %mul3A_9 = arith.muli %arg0, %mul3A_8 : i32
    %mul3A_10 = arith.constant 80 : i32
    %mul3A_11 = arith.muli %arg1, %mul3A_10 : i32
    %add3A = arith.addi %mul3A_9, %mul3A_11 : i32
    %add3A_12 = arith.constant 0 : i32
    %add3A_13 = arith.addi %add3A, %add3A_12 : i32
    %mul3A_14 = arith.constant 128 : i32
    %mul3A_15 = arith.muli %add3A_13, %mul3A_14 : i32
    %rem3A = arith.constant 0 : i32
    %rem3A_16 = arith.constant 2 : i32
    %rem3A_17 = arith.remsi %rem3A, %rem3A_16 : i32
    %rem3A_18 = arith.constant 0 : i32
    %rem3A_19 = arith.constant 3 : i32
    %rem3A_20 = arith.remsi %rem3A_18, %rem3A_19 : i32
    %dma_start3A = arith.constant 0 : i32
    %dma_start3A_21 = arith.constant 0 : i32
    %dma_start3A_22 = tpu.memref_slice %arg7[%rem3A_20, %dma_start3A, %dma_start3A_21] : memref<3x1x128xi32, #tpu.memory_space<vmem>> -> memref<1x1x128xi32, #tpu.memory_space<vmem>>
    %dma_start3A_23 = tpu.memref_squeeze %dma_start3A_22 : memref<1x1x128xi32, #tpu.memory_space<vmem>> -> memref<128xi32, #tpu.memory_space<vmem>>
    %dma_start3A_24 = tpu.memref_slice %arg2[%mul3A_15] : memref<327680xi32, #tpu.memory_space<hbm>> -> memref<128xi32, #tpu.memory_space<hbm>>
    %dma_start3A_25 = tpu.memref_slice %arg11[%rem3A_17] : memref<2x!tpu.dma_semaphore, #tpu.memory_space<semaphore_mem>> -> memref<1x!tpu.dma_semaphore, #tpu.memory_space<semaphore_mem>>
    %dma_start3A_26 = tpu.memref_squeeze %dma_start3A_25 : memref<1x!tpu.dma_semaphore, #tpu.memory_space<semaphore_mem>> -> memref<!tpu.dma_semaphore, #tpu.memory_space<semaphore_mem>>
    %dma_start3A_27 = arith.constant 0 : i32
    %dma_start3A_28 = tpu.memref_slice %arg7[%rem3A_20, %dma_start3A, %dma_start3A_27] : memref<3x1x128xi32, #tpu.memory_space<vmem>> -> memref<1x1x128xi32, #tpu.memory_space<vmem>>
    %dma_start3A_29 = tpu.memref_squeeze %dma_start3A_28 : memref<1x1x128xi32, #tpu.memory_space<vmem>> -> memref<128xi32, #tpu.memory_space<vmem>>
    %dma_start3A_30 = tpu.memref_slice %arg2[%mul3A_15] : memref<327680xi32, #tpu.memory_space<hbm>> -> memref<128xi32, #tpu.memory_space<hbm>>
    tpu.enqueue_dma source(%dma_start3A_30 : memref<128xi32, #tpu.memory_space<hbm>>) target(%dma_start3A_29 : memref<128xi32, #tpu.memory_space<vmem>>) target_semaphore(%dma_start3A_26 : memref<!tpu.dma_semaphore, #tpu.memory_space<semaphore_mem>>)
    %rem3A_31 = arith.constant 0 : i32
    %rem3A_32 = arith.constant 4 : i32
    %rem3A_33 = arith.remsi %rem3A_31, %rem3A_32 : i32
    %dma_start3A_34 = arith.constant 0 : i32
    %dma_start3A_35 = arith.constant 0 : i32
    %dma_start3A_36 = tpu.memref_slice %arg8[%rem3A_33, %dma_start3A_34, %dma_start3A_35] : memref<4x1x128xi32, #tpu.memory_space<vmem>> -> memref<1x1x128xi32, #tpu.memory_space<vmem>>
    %dma_start3A_37 = tpu.memref_squeeze %dma_start3A_36 : memref<1x1x128xi32, #tpu.memory_space<vmem>> -> memref<128xi32, #tpu.memory_space<vmem>>
    %dma_start3A_38 = tpu.memref_slice %arg3[%mul3A_15] : memref<327680xi32, #tpu.memory_space<hbm>> -> memref<128xi32, #tpu.memory_space<hbm>>
    %dma_start3A_39 = tpu.memref_slice %arg11[%rem3A_17] : memref<2x!tpu.dma_semaphore, #tpu.memory_space<semaphore_mem>> -> memref<1x!tpu.dma_semaphore, #tpu.memory_space<semaphore_mem>>
    %dma_start3A_40 = tpu.memref_squeeze %dma_start3A_39 : memref<1x!tpu.dma_semaphore, #tpu.memory_space<semaphore_mem>> -> memref<!tpu.dma_semaphore, #tpu.memory_space<semaphore_mem>>
    %dma_start3A_41 = arith.constant 0 : i32
    %dma_start3A_42 = tpu.memref_slice %arg8[%rem3A_33, %dma_start3A_34, %dma_start3A_41] : memref<4x1x128xi32, #tpu.memory_space<vmem>> -> memref<1x1x128xi32, #tpu.memory_space<vmem>>
    %dma_start3A_43 = tpu.memref_squeeze %dma_start3A_42 : memref<1x1x128xi32, #tpu.memory_space<vmem>> -> memref<128xi32, #tpu.memory_space<vmem>>
    %dma_start3A_44 = tpu.memref_slice %arg3[%mul3A_15] : memref<327680xi32, #tpu.memory_space<hbm>> -> memref<128xi32, #tpu.memory_space<hbm>>
    tpu.enqueue_dma source(%dma_start3A_44 : memref<128xi32, #tpu.memory_space<hbm>>) target(%dma_start3A_43 : memref<128xi32, #tpu.memory_space<vmem>>) target_semaphore(%dma_start3A_40 : memref<!tpu.dma_semaphore, #tpu.memory_space<semaphore_mem>>)
    %add3A_45 = arith.constant 1 : i32
    %add3A_46 = arith.addi %add3A, %add3A_45 : i32
    %mul3A_47 = arith.constant 128 : i32
    %mul3A_48 = arith.muli %add3A_46, %mul3A_47 : i32
    %rem3A_49 = arith.constant 1 : i32
    %rem3A_50 = arith.constant 2 : i32
    %rem3A_51 = arith.remsi %rem3A_49, %rem3A_50 : i32
    %rem3A_52 = arith.constant 1 : i32
    %rem3A_53 = arith.constant 3 : i32
    %rem3A_54 = arith.remsi %rem3A_52, %rem3A_53 : i32
    %dma_start3A_55 = arith.constant 0 : i32
    %dma_start3A_56 = arith.constant 0 : i32
    %dma_start3A_57 = tpu.memref_slice %arg7[%rem3A_54, %dma_start3A_55, %dma_start3A_56] : memref<3x1x128xi32, #tpu.memory_space<vmem>> -> memref<1x1x128xi32, #tpu.memory_space<vmem>>
    %dma_start3A_58 = tpu.memref_squeeze %dma_start3A_57 : memref<1x1x128xi32, #tpu.memory_space<vmem>> -> memref<128xi32, #tpu.memory_space<vmem>>
    %dma_start3A_59 = tpu.memref_slice %arg2[%mul3A_48] : memref<327680xi32, #tpu.memory_space<hbm>> -> memref<128xi32, #tpu.memory_space<hbm>>
    %dma_start3A_60 = tpu.memref_slice %arg11[%rem3A_51] : memref<2x!tpu.dma_semaphore, #tpu.memory_space<semaphore_mem>> -> memref<1x!tpu.dma_semaphore, #tpu.memory_space<semaphore_mem>>
    %dma_start3A_61 = tpu.memref_squeeze %dma_start3A_60 : memref<1x!tpu.dma_semaphore, #tpu.memory_space<semaphore_mem>> -> memref<!tpu.dma_semaphore, #tpu.memory_space<semaphore_mem>>
    %dma_start3A_62 = arith.constant 0 : i32
    %dma_start3A_63 = tpu.memref_slice %arg7[%rem3A_54, %dma_start3A_55, %dma_start3A_62] : memref<3x1x128xi32, #tpu.memory_space<vmem>> -> memref<1x1x128xi32, #tpu.memory_space<vmem>>
    %dma_start3A_64 = tpu.memref_squeeze %dma_start3A_63 : memref<1x1x128xi32, #tpu.memory_space<vmem>> -> memref<128xi32, #tpu.memory_space<vmem>>
    %dma_start3A_65 = tpu.memref_slice %arg2[%mul3A_48] : memref<327680xi32, #tpu.memory_space<hbm>> -> memref<128xi32, #tpu.memory_space<hbm>>
    tpu.enqueue_dma source(%dma_start3A_65 : memref<128xi32, #tpu.memory_space<hbm>>) target(%dma_start3A_64 : memref<128xi32, #tpu.memory_space<vmem>>) target_semaphore(%dma_start3A_61 : memref<!tpu.dma_semaphore, #tpu.memory_space<semaphore_mem>>)
    %rem3A_66 = arith.constant 1 : i32
    %rem3A_67 = arith.constant 4 : i32
    %rem3A_68 = arith.remsi %rem3A_66, %rem3A_67 : i32
    %dma_start3A_69 = arith.constant 0 : i32
    %dma_start3A_70 = arith.constant 0 : i32
    %dma_start3A_71 = tpu.memref_slice %arg8[%rem3A_68, %dma_start3A_69, %dma_start3A_70] : memref<4x1x128xi32, #tpu.memory_space<vmem>> -> memref<1x1x128xi32, #tpu.memory_space<vmem>>
    %dma_start3A_72 = tpu.memref_squeeze %dma_start3A_71 : memref<1x1x128xi32, #tpu.memory_space<vmem>> -> memref<128xi32, #tpu.memory_space<vmem>>
    %dma_start3A_73 = tpu.memref_slice %arg3[%mul3A_48] : memref<327680xi32, #tpu.memory_space<hbm>> -> memref<128xi32, #tpu.memory_space<hbm>>
    %dma_start3A_74 = tpu.memref_slice %arg11[%rem3A_51] : memref<2x!tpu.dma_semaphore, #tpu.memory_space<semaphore_mem>> -> memref<1x!tpu.dma_semaphore, #tpu.memory_space<semaphore_mem>>
    %dma_start3A_75 = tpu.memref_squeeze %dma_start3A_74 : memref<1x!tpu.dma_semaphore, #tpu.memory_space<semaphore_mem>> -> memref<!tpu.dma_semaphore, #tpu.memory_space<semaphore_mem>>
    %dma_start3A_76 = arith.constant 0 : i32
    %dma_start3A_77 = tpu.memref_slice %arg8[%rem3A_68, %dma_start3A_69, %dma_start3A_76] : memref<4x1x128xi32, #tpu.memory_space<vmem>> -> memref<1x1x128xi32, #tpu.memory_space<vmem>>
    %dma_start3A_78 = tpu.memref_squeeze %dma_start3A_77 : memref<1x1x128xi32, #tpu.memory_space<vmem>> -> memref<128xi32, #tpu.memory_space<vmem>>
    %dma_start3A_79 = tpu.memref_slice %arg3[%mul3A_48] : memref<327680xi32, #tpu.memory_space<hbm>> -> memref<128xi32, #tpu.memory_space<hbm>>
    tpu.enqueue_dma source(%dma_start3A_79 : memref<128xi32, #tpu.memory_space<hbm>>) target(%dma_start3A_78 : memref<128xi32, #tpu.memory_space<vmem>>) target_semaphore(%dma_start3A_75 : memref<!tpu.dma_semaphore, #tpu.memory_space<semaphore_mem>>)
    %rem3A_80 = arith.constant 0 : i32
    %rem3A_81 = arith.constant 2 : i32
    %rem3A_82 = arith.remsi %rem3A_80, %rem3A_81 : i32
    %rem3A_83 = arith.constant 0 : i32
    %rem3A_84 = arith.constant 3 : i32
    %rem3A_85 = arith.remsi %rem3A_83, %rem3A_84 : i32
    %dma_wait3A = arith.constant 0 : i32
    %dma_wait3A_86 = arith.constant 0 : i32
    %dma_wait3A_87 = tpu.memref_slice %arg7[%rem3A_85, %dma_wait3A, %dma_wait3A_86] : memref<3x1x128xi32, #tpu.memory_space<vmem>> -> memref<1x1x128xi32, #tpu.memory_space<vmem>>
    %dma_wait3A_88 = tpu.memref_squeeze %dma_wait3A_87 : memref<1x1x128xi32, #tpu.memory_space<vmem>> -> memref<128xi32, #tpu.memory_space<vmem>>
    %dma_wait3A_89 = arith.constant 0 : i32
    %dma_wait3A_90 = tpu.memref_slice %arg2[%dma_wait3A_89] : memref<327680xi32, #tpu.memory_space<hbm>> -> memref<128xi32, #tpu.memory_space<hbm>>
    %dma_wait3A_91 = tpu.memref_slice %arg11[%rem3A_82] : memref<2x!tpu.dma_semaphore, #tpu.memory_space<semaphore_mem>> -> memref<1x!tpu.dma_semaphore, #tpu.memory_space<semaphore_mem>>
    %dma_wait3A_92 = tpu.memref_squeeze %dma_wait3A_91 : memref<1x!tpu.dma_semaphore, #tpu.memory_space<semaphore_mem>> -> memref<!tpu.dma_semaphore, #tpu.memory_space<semaphore_mem>>
    %dma_wait3A_93 = arith.constant 0 : i32
    %dma_wait3A_94 = tpu.memref_slice %arg7[%rem3A_85, %dma_wait3A, %dma_wait3A_93] : memref<3x1x128xi32, #tpu.memory_space<vmem>> -> memref<1x1x128xi32, #tpu.memory_space<vmem>>
    %dma_wait3A_95 = tpu.memref_squeeze %dma_wait3A_94 : memref<1x1x128xi32, #tpu.memory_space<vmem>> -> memref<128xi32, #tpu.memory_space<vmem>>
    %dma_wait3A_96 = arith.constant 0 : i32
    %dma_wait3A_97 = tpu.memref_slice %arg2[%dma_wait3A_96] : memref<327680xi32, #tpu.memory_space<hbm>> -> memref<128xi32, #tpu.memory_space<hbm>>
    tpu.wait_dma2 semaphore(%dma_wait3A_92 : memref<!tpu.dma_semaphore, #tpu.memory_space<semaphore_mem>>) src(%dma_wait3A_97 : memref<128xi32, #tpu.memory_space<hbm>>) dst(%dma_wait3A_95 : memref<128xi32, #tpu.memory_space<vmem>>)
    %rem3A_98 = arith.constant 0 : i32
    %rem3A_99 = arith.constant 4 : i32
    %rem3A_100 = arith.remsi %rem3A_98, %rem3A_99 : i32
    %dma_wait3A_101 = arith.constant 0 : i32
    %dma_wait3A_102 = arith.constant 0 : i32
    %dma_wait3A_103 = tpu.memref_slice %arg8[%rem3A_100, %dma_wait3A_101, %dma_wait3A_102] : memref<4x1x128xi32, #tpu.memory_space<vmem>> -> memref<1x1x128xi32, #tpu.memory_space<vmem>>
    %dma_wait3A_104 = tpu.memref_squeeze %dma_wait3A_103 : memref<1x1x128xi32, #tpu.memory_space<vmem>> -> memref<128xi32, #tpu.memory_space<vmem>>
    %dma_wait3A_105 = arith.constant 0 : i32
    %dma_wait3A_106 = tpu.memref_slice %arg3[%dma_wait3A_105] : memref<327680xi32, #tpu.memory_space<hbm>> -> memref<128xi32, #tpu.memory_space<hbm>>
    %dma_wait3A_107 = tpu.memref_slice %arg11[%rem3A_82] : memref<2x!tpu.dma_semaphore, #tpu.memory_space<semaphore_mem>> -> memref<1x!tpu.dma_semaphore, #tpu.memory_space<semaphore_mem>>
    %dma_wait3A_108 = tpu.memref_squeeze %dma_wait3A_107 : memref<1x!tpu.dma_semaphore, #tpu.memory_space<semaphore_mem>> -> memref<!tpu.dma_semaphore, #tpu.memory_space<semaphore_mem>>
    %dma_wait3A_109 = arith.constant 0 : i32
    %dma_wait3A_110 = tpu.memref_slice %arg8[%rem3A_100, %dma_wait3A_101, %dma_wait3A_109] : memref<4x1x128xi32, #tpu.memory_space<vmem>> -> memref<1x1x128xi32, #tpu.memory_space<vmem>>
    %dma_wait3A_111 = tpu.memref_squeeze %dma_wait3A_110 : memref<1x1x128xi32, #tpu.memory_space<vmem>> -> memref<128xi32, #tpu.memory_space<vmem>>
    %dma_wait3A_112 = arith.constant 0 : i32
    %dma_wait3A_113 = tpu.memref_slice %arg3[%dma_wait3A_112] : memref<327680xi32, #tpu.memory_space<hbm>> -> memref<128xi32, #tpu.memory_space<hbm>>
    tpu.wait_dma2 semaphore(%dma_wait3A_108 : memref<!tpu.dma_semaphore, #tpu.memory_space<semaphore_mem>>) src(%dma_wait3A_113 : memref<128xi32, #tpu.memory_space<hbm>>) dst(%dma_wait3A_111 : memref<128xi32, #tpu.memory_space<vmem>>)
    %rem3A_114 = arith.constant 0 : i32
    %rem3A_115 = arith.constant 3 : i32
    %rem3A_116 = arith.remsi %rem3A_114, %rem3A_115 : i32
    %rem3A_117 = arith.constant 0 : i32
    %rem3A_118 = arith.constant 3 : i32
    %rem3A_119 = arith.remsi %rem3A_117, %rem3A_118 : i32
    %rem3A_120 = arith.constant 0 : i32
    %rem3A_121 = arith.constant 2 : i32
    %rem3A_122 = arith.remsi %rem3A_120, %rem3A_121 : i32
    %dma_start3A_123 = arith.constant 0 : i32
    %dma_start3A_124 = arith.constant 0 : i32
    %dma_start3A_125 = arith.constant 0 : i32
    %dma_start3A_126 = tpu.memref_slice %arg9[%rem3A_119, %dma_start3A_124, %dma_start3A_125] : memref<3x128x128xf32, #tpu.memory_space<vmem>> -> memref<1x128x128xf32, #tpu.memory_space<vmem>>
    %dma_start3A_127 = tpu.memref_squeeze %dma_start3A_126 : memref<1x128x128xf32, #tpu.memory_space<vmem>> -> memref<128x128xf32, #tpu.memory_space<vmem>>
    %dma_start3A_128 = arith.constant 0 : i32
    %dma_start3A_129 = tpu.memref_slice %arg7[%rem3A_116, %dma_start3A_123, %dma_start3A_128] : memref<3x1x128xi32, #tpu.memory_space<vmem>> -> memref<1x1x128xi32, #tpu.memory_space<vmem>>
    %dma_start3A_130 = tpu.memref_squeeze %dma_start3A_129 : memref<1x1x128xi32, #tpu.memory_space<vmem>> -> memref<128xi32, #tpu.memory_space<vmem>>
    %dma_start3A_131 = arith.constant 0 : i32
    %dma_start3A_132 = arith.constant 0 : i32
    %dma_start3A_133 = tpu.memref_slice %arg4[%dma_start3A_131, %dma_start3A_132] : memref<10112x128xf32, #tpu.memory_space<hbm>> -> memref<10112x128xf32, #tpu.memory_space<hbm>>
    %dma_start3A_134 = tpu.memref_slice %arg12[%rem3A_122] : memref<2x!tpu.dma_semaphore, #tpu.memory_space<semaphore_mem>> -> memref<1x!tpu.dma_semaphore, #tpu.memory_space<semaphore_mem>>
    %dma_start3A_135 = tpu.memref_squeeze %dma_start3A_134 : memref<1x!tpu.dma_semaphore, #tpu.memory_space<semaphore_mem>> -> memref<!tpu.dma_semaphore, #tpu.memory_space<semaphore_mem>>
    tpu.enqueue_indirect_dma source(%dma_start3A_133 : memref<10112x128xf32, #tpu.memory_space<hbm>>) target(%dma_start3A_127 : memref<128x128xf32, #tpu.memory_space<vmem>>) offsets(%dma_start3A_130 : memref<128xi32, #tpu.memory_space<vmem>>) semaphore(%dma_start3A_135 : memref<!tpu.dma_semaphore, #tpu.memory_space<semaphore_mem>>)
    %rem3A_136 = arith.constant 0 : i32
    %rem3A_137 = arith.constant 3 : i32
    %rem3A_138 = arith.remsi %rem3A_136, %rem3A_137 : i32
    %rem3A_139 = arith.constant 0 : i32
    %rem3A_140 = arith.constant 3 : i32
    %rem3A_141 = arith.remsi %rem3A_139, %rem3A_140 : i32
    %rem3A_142 = arith.constant 0 : i32
    %rem3A_143 = arith.constant 2 : i32
    %rem3A_144 = arith.remsi %rem3A_142, %rem3A_143 : i32
    %dma_wait3A_145 = arith.constant 0 : i32
    %dma_wait3A_146 = arith.constant 0 : i32
    %dma_wait3A_147 = arith.constant 0 : i32
    %dma_wait3A_148 = tpu.memref_slice %arg9[%rem3A_141, %dma_wait3A_146, %dma_wait3A_147] : memref<3x128x128xf32, #tpu.memory_space<vmem>> -> memref<1x128x128xf32, #tpu.memory_space<vmem>>
    %dma_wait3A_149 = tpu.memref_squeeze %dma_wait3A_148 : memref<1x128x128xf32, #tpu.memory_space<vmem>> -> memref<128x128xf32, #tpu.memory_space<vmem>>
    %dma_wait3A_150 = arith.constant 0 : i32
    %dma_wait3A_151 = tpu.memref_slice %arg7[%rem3A_138, %dma_wait3A_145, %dma_wait3A_150] : memref<3x1x128xi32, #tpu.memory_space<vmem>> -> memref<1x1x128xi32, #tpu.memory_space<vmem>>
    %dma_wait3A_152 = tpu.memref_squeeze %dma_wait3A_151 : memref<1x1x128xi32, #tpu.memory_space<vmem>> -> memref<128xi32, #tpu.memory_space<vmem>>
    %dma_wait3A_153 = arith.constant 0 : i32
    %dma_wait3A_154 = arith.constant 0 : i32
    %dma_wait3A_155 = tpu.memref_slice %arg4[%dma_wait3A_153, %dma_wait3A_154] : memref<10112x128xf32, #tpu.memory_space<hbm>> -> memref<10112x128xf32, #tpu.memory_space<hbm>>
    %dma_wait3A_156 = tpu.memref_slice %arg12[%rem3A_144] : memref<2x!tpu.dma_semaphore, #tpu.memory_space<semaphore_mem>> -> memref<1x!tpu.dma_semaphore, #tpu.memory_space<semaphore_mem>>
    %dma_wait3A_157 = tpu.memref_squeeze %dma_wait3A_156 : memref<1x!tpu.dma_semaphore, #tpu.memory_space<semaphore_mem>> -> memref<!tpu.dma_semaphore, #tpu.memory_space<semaphore_mem>>
    tpu.wait_indirect_dma semaphore(%dma_wait3A_157 : memref<!tpu.dma_semaphore, #tpu.memory_space<semaphore_mem>>) src(%dma_wait3A_155 : memref<10112x128xf32, #tpu.memory_space<hbm>>) dst(%dma_wait3A_149 : memref<128x128xf32, #tpu.memory_space<vmem>>)
    %rem3A_158 = arith.constant 0 : i32
    %rem3A_159 = arith.constant 3 : i32
    %rem3A_160 = arith.remsi %rem3A_158, %rem3A_159 : i32
    %rem3A_161 = arith.constant 0 : i32
    %rem3A_162 = arith.constant 4 : i32
    %rem3A_163 = arith.remsi %rem3A_161, %rem3A_162 : i32
    %rem3A_164 = arith.constant 0 : i32
    %rem3A_165 = arith.constant 4 : i32
    %rem3A_166 = arith.remsi %rem3A_164, %rem3A_165 : i32
    %dma_start3A_167 = arith.constant 0 : i32
    %dma_start3A_168 = arith.constant 0 : i32
    %dma_start3A_169 = arith.constant 0 : i32
    %dma_start3A_170 = tpu.memref_slice %arg9[%rem3A_160, %dma_start3A_168, %dma_start3A_169] : memref<3x128x128xf32, #tpu.memory_space<vmem>> -> memref<1x128x128xf32, #tpu.memory_space<vmem>>
    %dma_start3A_171 = tpu.memref_squeeze %dma_start3A_170 : memref<1x128x128xf32, #tpu.memory_space<vmem>> -> memref<128x128xf32, #tpu.memory_space<vmem>>
    %dma_start3A_172 = arith.constant 0 : i32
    %dma_start3A_173 = tpu.memref_slice %arg8[%rem3A_163, %dma_start3A_167, %dma_start3A_172] : memref<4x1x128xi32, #tpu.memory_space<vmem>> -> memref<1x1x128xi32, #tpu.memory_space<vmem>>
    %dma_start3A_174 = tpu.memref_squeeze %dma_start3A_173 : memref<1x1x128xi32, #tpu.memory_space<vmem>> -> memref<128xi32, #tpu.memory_space<vmem>>
    %dma_start3A_175 = arith.constant 0 : i32
    %dma_start3A_176 = arith.constant 0 : i32
    %dma_start3A_177 = tpu.memref_slice %arg10[%dma_start3A_175, %dma_start3A_176] : memref<10112x128xf32, #tpu.memory_space<vmem_shared>> -> memref<10112x128xf32, #tpu.memory_space<vmem_shared>>
    %dma_start3A_178 = tpu.memref_slice %arg13[%rem3A_166] : memref<4x!tpu.dma_semaphore, #tpu.memory_space<semaphore_mem>> -> memref<1x!tpu.dma_semaphore, #tpu.memory_space<semaphore_mem>>
    %dma_start3A_179 = tpu.memref_squeeze %dma_start3A_178 : memref<1x!tpu.dma_semaphore, #tpu.memory_space<semaphore_mem>> -> memref<!tpu.dma_semaphore, #tpu.memory_space<semaphore_mem>>
    tpu.enqueue_indirect_dma source(%dma_start3A_171 : memref<128x128xf32, #tpu.memory_space<vmem>>) target(%dma_start3A_177 : memref<10112x128xf32, #tpu.memory_space<vmem_shared>>) offsets(%dma_start3A_174 : memref<128xi32, #tpu.memory_space<vmem>>) semaphore(%dma_start3A_179 : memref<!tpu.dma_semaphore, #tpu.memory_space<semaphore_mem>>) {add = true}
    %add3A_180 = arith.constant 2 : i32
    %add3A_181 = arith.addi %add3A, %add3A_180 : i32
    %mul3A_182 = arith.constant 128 : i32
    %mul3A_183 = arith.muli %add3A_181, %mul3A_182 : i32
    %rem3A_184 = arith.constant 2 : i32
    %rem3A_185 = arith.constant 2 : i32
    %rem3A_186 = arith.remsi %rem3A_184, %rem3A_185 : i32
    %rem3A_187 = arith.constant 2 : i32
    %rem3A_188 = arith.constant 3 : i32
    %rem3A_189 = arith.remsi %rem3A_187, %rem3A_188 : i32
    %dma_start3A_190 = arith.constant 0 : i32
    %dma_start3A_191 = arith.constant 0 : i32
    %dma_start3A_192 = tpu.memref_slice %arg7[%rem3A_189, %dma_start3A_190, %dma_start3A_191] : memref<3x1x128xi32, #tpu.memory_space<vmem>> -> memref<1x1x128xi32, #tpu.memory_space<vmem>>
    %dma_start3A_193 = tpu.memref_squeeze %dma_start3A_192 : memref<1x1x128xi32, #tpu.memory_space<vmem>> -> memref<128xi32, #tpu.memory_space<vmem>>
    %dma_start3A_194 = tpu.memref_slice %arg2[%mul3A_183] : memref<327680xi32, #tpu.memory_space<hbm>> -> memref<128xi32, #tpu.memory_space<hbm>>
    %dma_start3A_195 = tpu.memref_slice %arg11[%rem3A_186] : memref<2x!tpu.dma_semaphore, #tpu.memory_space<semaphore_mem>> -> memref<1x!tpu.dma_semaphore, #tpu.memory_space<semaphore_mem>>
    %dma_start3A_196 = tpu.memref_squeeze %dma_start3A_195 : memref<1x!tpu.dma_semaphore, #tpu.memory_space<semaphore_mem>> -> memref<!tpu.dma_semaphore, #tpu.memory_space<semaphore_mem>>
    %dma_start3A_197 = arith.constant 0 : i32
    %dma_start3A_198 = tpu.memref_slice %arg7[%rem3A_189, %dma_start3A_190, %dma_start3A_197] : memref<3x1x128xi32, #tpu.memory_space<vmem>> -> memref<1x1x128xi32, #tpu.memory_space<vmem>>
    %dma_start3A_199 = tpu.memref_squeeze %dma_start3A_198 : memref<1x1x128xi32, #tpu.memory_space<vmem>> -> memref<128xi32, #tpu.memory_space<vmem>>
    %dma_start3A_200 = tpu.memref_slice %arg2[%mul3A_183] : memref<327680xi32, #tpu.memory_space<hbm>> -> memref<128xi32, #tpu.memory_space<hbm>>
    tpu.enqueue_dma source(%dma_start3A_200 : memref<128xi32, #tpu.memory_space<hbm>>) target(%dma_start3A_199 : memref<128xi32, #tpu.memory_space<vmem>>) target_semaphore(%dma_start3A_196 : memref<!tpu.dma_semaphore, #tpu.memory_space<semaphore_mem>>)
    %rem3A_201 = arith.constant 2 : i32
    %rem3A_202 = arith.constant 4 : i32
    %rem3A_203 = arith.remsi %rem3A_201, %rem3A_202 : i32
    %dma_start3A_204 = arith.constant 0 : i32
    %dma_start3A_205 = arith.constant 0 : i32
    %dma_start3A_206 = tpu.memref_slice %arg8[%rem3A_203, %dma_start3A_204, %dma_start3A_205] : memref<4x1x128xi32, #tpu.memory_space<vmem>> -> memref<1x1x128xi32, #tpu.memory_space<vmem>>
    %dma_start3A_207 = tpu.memref_squeeze %dma_start3A_206 : memref<1x1x128xi32, #tpu.memory_space<vmem>> -> memref<128xi32, #tpu.memory_space<vmem>>
    %dma_start3A_208 = tpu.memref_slice %arg3[%mul3A_183] : memref<327680xi32, #tpu.memory_space<hbm>> -> memref<128xi32, #tpu.memory_space<hbm>>
    %dma_start3A_209 = tpu.memref_slice %arg11[%rem3A_186] : memref<2x!tpu.dma_semaphore, #tpu.memory_space<semaphore_mem>> -> memref<1x!tpu.dma_semaphore, #tpu.memory_space<semaphore_mem>>
    %dma_start3A_210 = tpu.memref_squeeze %dma_start3A_209 : memref<1x!tpu.dma_semaphore, #tpu.memory_space<semaphore_mem>> -> memref<!tpu.dma_semaphore, #tpu.memory_space<semaphore_mem>>
    %dma_start3A_211 = arith.constant 0 : i32
    %dma_start3A_212 = tpu.memref_slice %arg8[%rem3A_203, %dma_start3A_204, %dma_start3A_211] : memref<4x1x128xi32, #tpu.memory_space<vmem>> -> memref<1x1x128xi32, #tpu.memory_space<vmem>>
    %dma_start3A_213 = tpu.memref_squeeze %dma_start3A_212 : memref<1x1x128xi32, #tpu.memory_space<vmem>> -> memref<128xi32, #tpu.memory_space<vmem>>
    %dma_start3A_214 = tpu.memref_slice %arg3[%mul3A_183] : memref<327680xi32, #tpu.memory_space<hbm>> -> memref<128xi32, #tpu.memory_space<hbm>>
    tpu.enqueue_dma source(%dma_start3A_214 : memref<128xi32, #tpu.memory_space<hbm>>) target(%dma_start3A_213 : memref<128xi32, #tpu.memory_space<vmem>>) target_semaphore(%dma_start3A_210 : memref<!tpu.dma_semaphore, #tpu.memory_space<semaphore_mem>>)
    %rem3A_215 = arith.constant 1 : i32
    %rem3A_216 = arith.constant 2 : i32
    %rem3A_217 = arith.remsi %rem3A_215, %rem3A_216 : i32
    %rem3A_218 = arith.constant 1 : i32
    %rem3A_219 = arith.constant 3 : i32
    %rem3A_220 = arith.remsi %rem3A_218, %rem3A_219 : i32
    %dma_wait3A_221 = arith.constant 0 : i32
    %dma_wait3A_222 = arith.constant 0 : i32
    %dma_wait3A_223 = tpu.memref_slice %arg7[%rem3A_220, %dma_wait3A_221, %dma_wait3A_222] : memref<3x1x128xi32, #tpu.memory_space<vmem>> -> memref<1x1x128xi32, #tpu.memory_space<vmem>>
    %dma_wait3A_224 = tpu.memref_squeeze %dma_wait3A_223 : memref<1x1x128xi32, #tpu.memory_space<vmem>> -> memref<128xi32, #tpu.memory_space<vmem>>
    %dma_wait3A_225 = arith.constant 0 : i32
    %dma_wait3A_226 = tpu.memref_slice %arg2[%dma_wait3A_225] : memref<327680xi32, #tpu.memory_space<hbm>> -> memref<128xi32, #tpu.memory_space<hbm>>
    %dma_wait3A_227 = tpu.memref_slice %arg11[%rem3A_217] : memref<2x!tpu.dma_semaphore, #tpu.memory_space<semaphore_mem>> -> memref<1x!tpu.dma_semaphore, #tpu.memory_space<semaphore_mem>>
    %dma_wait3A_228 = tpu.memref_squeeze %dma_wait3A_227 : memref<1x!tpu.dma_semaphore, #tpu.memory_space<semaphore_mem>> -> memref<!tpu.dma_semaphore, #tpu.memory_space<semaphore_mem>>
    %dma_wait3A_229 = arith.constant 0 : i32
    %dma_wait3A_230 = tpu.memref_slice %arg7[%rem3A_220, %dma_wait3A_221, %dma_wait3A_229] : memref<3x1x128xi32, #tpu.memory_space<vmem>> -> memref<1x1x128xi32, #tpu.memory_space<vmem>>
    %dma_wait3A_231 = tpu.memref_squeeze %dma_wait3A_230 : memref<1x1x128xi32, #tpu.memory_space<vmem>> -> memref<128xi32, #tpu.memory_space<vmem>>
    %dma_wait3A_232 = arith.constant 0 : i32
    %dma_wait3A_233 = tpu.memref_slice %arg2[%dma_wait3A_232] : memref<327680xi32, #tpu.memory_space<hbm>> -> memref<128xi32, #tpu.memory_space<hbm>>
    tpu.wait_dma2 semaphore(%dma_wait3A_228 : memref<!tpu.dma_semaphore, #tpu.memory_space<semaphore_mem>>) src(%dma_wait3A_233 : memref<128xi32, #tpu.memory_space<hbm>>) dst(%dma_wait3A_231 : memref<128xi32, #tpu.memory_space<vmem>>)
    %rem3A_234 = arith.constant 1 : i32
    %rem3A_235 = arith.constant 4 : i32
    %rem3A_236 = arith.remsi %rem3A_234, %rem3A_235 : i32
    %dma_wait3A_237 = arith.constant 0 : i32
    %dma_wait3A_238 = arith.constant 0 : i32
    %dma_wait3A_239 = tpu.memref_slice %arg8[%rem3A_236, %dma_wait3A_237, %dma_wait3A_238] : memref<4x1x128xi32, #tpu.memory_space<vmem>> -> memref<1x1x128xi32, #tpu.memory_space<vmem>>
    %dma_wait3A_240 = tpu.memref_squeeze %dma_wait3A_239 : memref<1x1x128xi32, #tpu.memory_space<vmem>> -> memref<128xi32, #tpu.memory_space<vmem>>
    %dma_wait3A_241 = arith.constant 0 : i32
    %dma_wait3A_242 = tpu.memref_slice %arg3[%dma_wait3A_241] : memref<327680xi32, #tpu.memory_space<hbm>> -> memref<128xi32, #tpu.memory_space<hbm>>
    %dma_wait3A_243 = tpu.memref_slice %arg11[%rem3A_217] : memref<2x!tpu.dma_semaphore, #tpu.memory_space<semaphore_mem>> -> memref<1x!tpu.dma_semaphore, #tpu.memory_space<semaphore_mem>>
    %dma_wait3A_244 = tpu.memref_squeeze %dma_wait3A_243 : memref<1x!tpu.dma_semaphore, #tpu.memory_space<semaphore_mem>> -> memref<!tpu.dma_semaphore, #tpu.memory_space<semaphore_mem>>
    %dma_wait3A_245 = arith.constant 0 : i32
    %dma_wait3A_246 = tpu.memref_slice %arg8[%rem3A_236, %dma_wait3A_237, %dma_wait3A_245] : memref<4x1x128xi32, #tpu.memory_space<vmem>> -> memref<1x1x128xi32, #tpu.memory_space<vmem>>
    %dma_wait3A_247 = tpu.memref_squeeze %dma_wait3A_246 : memref<1x1x128xi32, #tpu.memory_space<vmem>> -> memref<128xi32, #tpu.memory_space<vmem>>
    %dma_wait3A_248 = arith.constant 0 : i32
    %dma_wait3A_249 = tpu.memref_slice %arg3[%dma_wait3A_248] : memref<327680xi32, #tpu.memory_space<hbm>> -> memref<128xi32, #tpu.memory_space<hbm>>
    tpu.wait_dma2 semaphore(%dma_wait3A_244 : memref<!tpu.dma_semaphore, #tpu.memory_space<semaphore_mem>>) src(%dma_wait3A_249 : memref<128xi32, #tpu.memory_space<hbm>>) dst(%dma_wait3A_247 : memref<128xi32, #tpu.memory_space<vmem>>)
    %rem3A_250 = arith.constant 1 : i32
    %rem3A_251 = arith.constant 3 : i32
    %rem3A_252 = arith.remsi %rem3A_250, %rem3A_251 : i32
    %rem3A_253 = arith.constant 1 : i32
    %rem3A_254 = arith.constant 3 : i32
    %rem3A_255 = arith.remsi %rem3A_253, %rem3A_254 : i32
    %rem3A_256 = arith.constant 1 : i32
    %rem3A_257 = arith.constant 2 : i32
    %rem3A_258 = arith.remsi %rem3A_256, %rem3A_257 : i32
    %dma_start3A_259 = arith.constant 0 : i32
    %dma_start3A_260 = arith.constant 0 : i32
    %dma_start3A_261 = arith.constant 0 : i32
    %dma_start3A_262 = tpu.memref_slice %arg9[%rem3A_255, %dma_start3A_260, %dma_start3A_261] : memref<3x128x128xf32, #tpu.memory_space<vmem>> -> memref<1x128x128xf32, #tpu.memory_space<vmem>>
    %dma_start3A_263 = tpu.memref_squeeze %dma_start3A_262 : memref<1x128x128xf32, #tpu.memory_space<vmem>> -> memref<128x128xf32, #tpu.memory_space<vmem>>
    %dma_start3A_264 = arith.constant 0 : i32
    %dma_start3A_265 = tpu.memref_slice %arg7[%rem3A_252, %dma_start3A_259, %dma_start3A_264] : memref<3x1x128xi32, #tpu.memory_space<vmem>> -> memref<1x1x128xi32, #tpu.memory_space<vmem>>
    %dma_start3A_266 = tpu.memref_squeeze %dma_start3A_265 : memref<1x1x128xi32, #tpu.memory_space<vmem>> -> memref<128xi32, #tpu.memory_space<vmem>>
    %dma_start3A_267 = arith.constant 0 : i32
    %dma_start3A_268 = arith.constant 0 : i32
    %dma_start3A_269 = tpu.memref_slice %arg4[%dma_start3A_267, %dma_start3A_268] : memref<10112x128xf32, #tpu.memory_space<hbm>> -> memref<10112x128xf32, #tpu.memory_space<hbm>>
    %dma_start3A_270 = tpu.memref_slice %arg12[%rem3A_258] : memref<2x!tpu.dma_semaphore, #tpu.memory_space<semaphore_mem>> -> memref<1x!tpu.dma_semaphore, #tpu.memory_space<semaphore_mem>>
    %dma_start3A_271 = tpu.memref_squeeze %dma_start3A_270 : memref<1x!tpu.dma_semaphore, #tpu.memory_space<semaphore_mem>> -> memref<!tpu.dma_semaphore, #tpu.memory_space<semaphore_mem>>
    tpu.enqueue_indirect_dma source(%dma_start3A_269 : memref<10112x128xf32, #tpu.memory_space<hbm>>) target(%dma_start3A_263 : memref<128x128xf32, #tpu.memory_space<vmem>>) offsets(%dma_start3A_266 : memref<128xi32, #tpu.memory_space<vmem>>) semaphore(%dma_start3A_271 : memref<!tpu.dma_semaphore, #tpu.memory_space<semaphore_mem>>)
    %rem3A_272 = arith.constant 1 : i32
    %rem3A_273 = arith.constant 3 : i32
    %rem3A_274 = arith.remsi %rem3A_272, %rem3A_273 : i32
    %rem3A_275 = arith.constant 1 : i32
    %rem3A_276 = arith.constant 3 : i32
    %rem3A_277 = arith.remsi %rem3A_275, %rem3A_276 : i32
    %rem3A_278 = arith.constant 1 : i32
    %rem3A_279 = arith.constant 2 : i32
    %rem3A_280 = arith.remsi %rem3A_278, %rem3A_279 : i32
    %dma_wait3A_281 = arith.constant 0 : i32
    %dma_wait3A_282 = arith.constant 0 : i32
    %dma_wait3A_283 = arith.constant 0 : i32
    %dma_wait3A_284 = tpu.memref_slice %arg9[%rem3A_277, %dma_wait3A_282, %dma_wait3A_283] : memref<3x128x128xf32, #tpu.memory_space<vmem>> -> memref<1x128x128xf32, #tpu.memory_space<vmem>>
    %dma_wait3A_285 = tpu.memref_squeeze %dma_wait3A_284 : memref<1x128x128xf32, #tpu.memory_space<vmem>> -> memref<128x128xf32, #tpu.memory_space<vmem>>
    %dma_wait3A_286 = arith.constant 0 : i32
    %dma_wait3A_287 = tpu.memref_slice %arg7[%rem3A_274, %dma_wait3A_281, %dma_wait3A_286] : memref<3x1x128xi32, #tpu.memory_space<vmem>> -> memref<1x1x128xi32, #tpu.memory_space<vmem>>
    %dma_wait3A_288 = tpu.memref_squeeze %dma_wait3A_287 : memref<1x1x128xi32, #tpu.memory_space<vmem>> -> memref<128xi32, #tpu.memory_space<vmem>>
    %dma_wait3A_289 = arith.constant 0 : i32
    %dma_wait3A_290 = arith.constant 0 : i32
    %dma_wait3A_291 = tpu.memref_slice %arg4[%dma_wait3A_289, %dma_wait3A_290] : memref<10112x128xf32, #tpu.memory_space<hbm>> -> memref<10112x128xf32, #tpu.memory_space<hbm>>
    %dma_wait3A_292 = tpu.memref_slice %arg12[%rem3A_280] : memref<2x!tpu.dma_semaphore, #tpu.memory_space<semaphore_mem>> -> memref<1x!tpu.dma_semaphore, #tpu.memory_space<semaphore_mem>>
    %dma_wait3A_293 = tpu.memref_squeeze %dma_wait3A_292 : memref<1x!tpu.dma_semaphore, #tpu.memory_space<semaphore_mem>> -> memref<!tpu.dma_semaphore, #tpu.memory_space<semaphore_mem>>
    tpu.wait_indirect_dma semaphore(%dma_wait3A_293 : memref<!tpu.dma_semaphore, #tpu.memory_space<semaphore_mem>>) src(%dma_wait3A_291 : memref<10112x128xf32, #tpu.memory_space<hbm>>) dst(%dma_wait3A_285 : memref<128x128xf32, #tpu.memory_space<vmem>>)
    %rem3A_294 = arith.constant 1 : i32
    %rem3A_295 = arith.constant 3 : i32
    %rem3A_296 = arith.remsi %rem3A_294, %rem3A_295 : i32
    %rem3A_297 = arith.constant 1 : i32
    %rem3A_298 = arith.constant 4 : i32
    %rem3A_299 = arith.remsi %rem3A_297, %rem3A_298 : i32
    %rem3A_300 = arith.constant 1 : i32
    %rem3A_301 = arith.constant 4 : i32
    %rem3A_302 = arith.remsi %rem3A_300, %rem3A_301 : i32
    %dma_start3A_303 = arith.constant 0 : i32
    %dma_start3A_304 = arith.constant 0 : i32
    %dma_start3A_305 = arith.constant 0 : i32
    %dma_start3A_306 = tpu.memref_slice %arg9[%rem3A_296, %dma_start3A_304, %dma_start3A_305] : memref<3x128x128xf32, #tpu.memory_space<vmem>> -> memref<1x128x128xf32, #tpu.memory_space<vmem>>
    %dma_start3A_307 = tpu.memref_squeeze %dma_start3A_306 : memref<1x128x128xf32, #tpu.memory_space<vmem>> -> memref<128x128xf32, #tpu.memory_space<vmem>>
    %dma_start3A_308 = arith.constant 0 : i32
    %dma_start3A_309 = tpu.memref_slice %arg8[%rem3A_299, %dma_start3A_303, %dma_start3A_308] : memref<4x1x128xi32, #tpu.memory_space<vmem>> -> memref<1x1x128xi32, #tpu.memory_space<vmem>>
    %dma_start3A_310 = tpu.memref_squeeze %dma_start3A_309 : memref<1x1x128xi32, #tpu.memory_space<vmem>> -> memref<128xi32, #tpu.memory_space<vmem>>
    %dma_start3A_311 = arith.constant 0 : i32
    %dma_start3A_312 = arith.constant 0 : i32
    %dma_start3A_313 = tpu.memref_slice %arg10[%dma_start3A_311, %dma_start3A_312] : memref<10112x128xf32, #tpu.memory_space<vmem_shared>> -> memref<10112x128xf32, #tpu.memory_space<vmem_shared>>
    %dma_start3A_314 = tpu.memref_slice %arg13[%rem3A_302] : memref<4x!tpu.dma_semaphore, #tpu.memory_space<semaphore_mem>> -> memref<1x!tpu.dma_semaphore, #tpu.memory_space<semaphore_mem>>
    %dma_start3A_315 = tpu.memref_squeeze %dma_start3A_314 : memref<1x!tpu.dma_semaphore, #tpu.memory_space<semaphore_mem>> -> memref<!tpu.dma_semaphore, #tpu.memory_space<semaphore_mem>>
    tpu.enqueue_indirect_dma source(%dma_start3A_307 : memref<128x128xf32, #tpu.memory_space<vmem>>) target(%dma_start3A_313 : memref<10112x128xf32, #tpu.memory_space<vmem_shared>>) offsets(%dma_start3A_310 : memref<128xi32, #tpu.memory_space<vmem>>) semaphore(%dma_start3A_315 : memref<!tpu.dma_semaphore, #tpu.memory_space<semaphore_mem>>) {add = true}
    %add3A_316 = arith.constant 3 : i32
    %add3A_317 = arith.addi %add3A, %add3A_316 : i32
    %mul3A_318 = arith.constant 128 : i32
    %mul3A_319 = arith.muli %add3A_317, %mul3A_318 : i32
    %rem3A_320 = arith.constant 3 : i32
    %rem3A_321 = arith.constant 2 : i32
    %rem3A_322 = arith.remsi %rem3A_320, %rem3A_321 : i32
    %rem3A_323 = arith.constant 3 : i32
    %rem3A_324 = arith.constant 3 : i32
    %rem3A_325 = arith.remsi %rem3A_323, %rem3A_324 : i32
    %dma_start3A_326 = arith.constant 0 : i32
    %dma_start3A_327 = arith.constant 0 : i32
    %dma_start3A_328 = tpu.memref_slice %arg7[%rem3A_325, %dma_start3A_326, %dma_start3A_327] : memref<3x1x128xi32, #tpu.memory_space<vmem>> -> memref<1x1x128xi32, #tpu.memory_space<vmem>>
    %dma_start3A_329 = tpu.memref_squeeze %dma_start3A_328 : memref<1x1x128xi32, #tpu.memory_space<vmem>> -> memref<128xi32, #tpu.memory_space<vmem>>
    %dma_start3A_330 = tpu.memref_slice %arg2[%mul3A_319] : memref<327680xi32, #tpu.memory_space<hbm>> -> memref<128xi32, #tpu.memory_space<hbm>>
    %dma_start3A_331 = tpu.memref_slice %arg11[%rem3A_322] : memref<2x!tpu.dma_semaphore, #tpu.memory_space<semaphore_mem>> -> memref<1x!tpu.dma_semaphore, #tpu.memory_space<semaphore_mem>>
    %dma_start3A_332 = tpu.memref_squeeze %dma_start3A_331 : memref<1x!tpu.dma_semaphore, #tpu.memory_space<semaphore_mem>> -> memref<!tpu.dma_semaphore, #tpu.memory_space<semaphore_mem>>
    %dma_start3A_333 = arith.constant 0 : i32
    %dma_start3A_334 = tpu.memref_slice %arg7[%rem3A_325, %dma_start3A_326, %dma_start3A_333] : memref<3x1x128xi32, #tpu.memory_space<vmem>> -> memref<1x1x128xi32, #tpu.memory_space<vmem>>
    %dma_start3A_335 = tpu.memref_squeeze %dma_start3A_334 : memref<1x1x128xi32, #tpu.memory_space<vmem>> -> memref<128xi32, #tpu.memory_space<vmem>>
    %dma_start3A_336 = tpu.memref_slice %arg2[%mul3A_319] : memref<327680xi32, #tpu.memory_space<hbm>> -> memref<128xi32, #tpu.memory_space<hbm>>
    tpu.enqueue_dma source(%dma_start3A_336 : memref<128xi32, #tpu.memory_space<hbm>>) target(%dma_start3A_335 : memref<128xi32, #tpu.memory_space<vmem>>) target_semaphore(%dma_start3A_332 : memref<!tpu.dma_semaphore, #tpu.memory_space<semaphore_mem>>)
    %rem3A_337 = arith.constant 3 : i32
    %rem3A_338 = arith.constant 4 : i32
    %rem3A_339 = arith.remsi %rem3A_337, %rem3A_338 : i32
    %dma_start3A_340 = arith.constant 0 : i32
    %dma_start3A_341 = arith.constant 0 : i32
    %dma_start3A_342 = tpu.memref_slice %arg8[%rem3A_339, %dma_start3A_340, %dma_start3A_341] : memref<4x1x128xi32, #tpu.memory_space<vmem>> -> memref<1x1x128xi32, #tpu.memory_space<vmem>>
    %dma_start3A_343 = tpu.memref_squeeze %dma_start3A_342 : memref<1x1x128xi32, #tpu.memory_space<vmem>> -> memref<128xi32, #tpu.memory_space<vmem>>
    %dma_start3A_344 = tpu.memref_slice %arg3[%mul3A_319] : memref<327680xi32, #tpu.memory_space<hbm>> -> memref<128xi32, #tpu.memory_space<hbm>>
    %dma_start3A_345 = tpu.memref_slice %arg11[%rem3A_322] : memref<2x!tpu.dma_semaphore, #tpu.memory_space<semaphore_mem>> -> memref<1x!tpu.dma_semaphore, #tpu.memory_space<semaphore_mem>>
    %dma_start3A_346 = tpu.memref_squeeze %dma_start3A_345 : memref<1x!tpu.dma_semaphore, #tpu.memory_space<semaphore_mem>> -> memref<!tpu.dma_semaphore, #tpu.memory_space<semaphore_mem>>
    %dma_start3A_347 = arith.constant 0 : i32
    %dma_start3A_348 = tpu.memref_slice %arg8[%rem3A_339, %dma_start3A_340, %dma_start3A_347] : memref<4x1x128xi32, #tpu.memory_space<vmem>> -> memref<1x1x128xi32, #tpu.memory_space<vmem>>
    %dma_start3A_349 = tpu.memref_squeeze %dma_start3A_348 : memref<1x1x128xi32, #tpu.memory_space<vmem>> -> memref<128xi32, #tpu.memory_space<vmem>>
    %dma_start3A_350 = tpu.memref_slice %arg3[%mul3A_319] : memref<327680xi32, #tpu.memory_space<hbm>> -> memref<128xi32, #tpu.memory_space<hbm>>
    tpu.enqueue_dma source(%dma_start3A_350 : memref<128xi32, #tpu.memory_space<hbm>>) target(%dma_start3A_349 : memref<128xi32, #tpu.memory_space<vmem>>) target_semaphore(%dma_start3A_346 : memref<!tpu.dma_semaphore, #tpu.memory_space<semaphore_mem>>)
    %rem3A_351 = arith.constant 2 : i32
    %rem3A_352 = arith.constant 2 : i32
    %rem3A_353 = arith.remsi %rem3A_351, %rem3A_352 : i32
    %rem3A_354 = arith.constant 2 : i32
    %rem3A_355 = arith.constant 3 : i32
    %rem3A_356 = arith.remsi %rem3A_354, %rem3A_355 : i32
    %dma_wait3A_357 = arith.constant 0 : i32
    %dma_wait3A_358 = arith.constant 0 : i32
    %dma_wait3A_359 = tpu.memref_slice %arg7[%rem3A_356, %dma_wait3A_357, %dma_wait3A_358] : memref<3x1x128xi32, #tpu.memory_space<vmem>> -> memref<1x1x128xi32, #tpu.memory_space<vmem>>
    %dma_wait3A_360 = tpu.memref_squeeze %dma_wait3A_359 : memref<1x1x128xi32, #tpu.memory_space<vmem>> -> memref<128xi32, #tpu.memory_space<vmem>>
    %dma_wait3A_361 = arith.constant 0 : i32
    %dma_wait3A_362 = tpu.memref_slice %arg2[%dma_wait3A_361] : memref<327680xi32, #tpu.memory_space<hbm>> -> memref<128xi32, #tpu.memory_space<hbm>>
    %dma_wait3A_363 = tpu.memref_slice %arg11[%rem3A_353] : memref<2x!tpu.dma_semaphore, #tpu.memory_space<semaphore_mem>> -> memref<1x!tpu.dma_semaphore, #tpu.memory_space<semaphore_mem>>
    %dma_wait3A_364 = tpu.memref_squeeze %dma_wait3A_363 : memref<1x!tpu.dma_semaphore, #tpu.memory_space<semaphore_mem>> -> memref<!tpu.dma_semaphore, #tpu.memory_space<semaphore_mem>>
    %dma_wait3A_365 = arith.constant 0 : i32
    %dma_wait3A_366 = tpu.memref_slice %arg7[%rem3A_356, %dma_wait3A_357, %dma_wait3A_365] : memref<3x1x128xi32, #tpu.memory_space<vmem>> -> memref<1x1x128xi32, #tpu.memory_space<vmem>>
    %dma_wait3A_367 = tpu.memref_squeeze %dma_wait3A_366 : memref<1x1x128xi32, #tpu.memory_space<vmem>> -> memref<128xi32, #tpu.memory_space<vmem>>
    %dma_wait3A_368 = arith.constant 0 : i32
    %dma_wait3A_369 = tpu.memref_slice %arg2[%dma_wait3A_368] : memref<327680xi32, #tpu.memory_space<hbm>> -> memref<128xi32, #tpu.memory_space<hbm>>
    tpu.wait_dma2 semaphore(%dma_wait3A_364 : memref<!tpu.dma_semaphore, #tpu.memory_space<semaphore_mem>>) src(%dma_wait3A_369 : memref<128xi32, #tpu.memory_space<hbm>>) dst(%dma_wait3A_367 : memref<128xi32, #tpu.memory_space<vmem>>)
    %rem3A_370 = arith.constant 2 : i32
    %rem3A_371 = arith.constant 4 : i32
    %rem3A_372 = arith.remsi %rem3A_370, %rem3A_371 : i32
    %dma_wait3A_373 = arith.constant 0 : i32
    %dma_wait3A_374 = arith.constant 0 : i32
    %dma_wait3A_375 = tpu.memref_slice %arg8[%rem3A_372, %dma_wait3A_373, %dma_wait3A_374] : memref<4x1x128xi32, #tpu.memory_space<vmem>> -> memref<1x1x128xi32, #tpu.memory_space<vmem>>
    %dma_wait3A_376 = tpu.memref_squeeze %dma_wait3A_375 : memref<1x1x128xi32, #tpu.memory_space<vmem>> -> memref<128xi32, #tpu.memory_space<vmem>>
    %dma_wait3A_377 = arith.constant 0 : i32
    %dma_wait3A_378 = tpu.memref_slice %arg3[%dma_wait3A_377] : memref<327680xi32, #tpu.memory_space<hbm>> -> memref<128xi32, #tpu.memory_space<hbm>>
    %dma_wait3A_379 = tpu.memref_slice %arg11[%rem3A_353] : memref<2x!tpu.dma_semaphore, #tpu.memory_space<semaphore_mem>> -> memref<1x!tpu.dma_semaphore, #tpu.memory_space<semaphore_mem>>
    %dma_wait3A_380 = tpu.memref_squeeze %dma_wait3A_379 : memref<1x!tpu.dma_semaphore, #tpu.memory_space<semaphore_mem>> -> memref<!tpu.dma_semaphore, #tpu.memory_space<semaphore_mem>>
    %dma_wait3A_381 = arith.constant 0 : i32
    %dma_wait3A_382 = tpu.memref_slice %arg8[%rem3A_372, %dma_wait3A_373, %dma_wait3A_381] : memref<4x1x128xi32, #tpu.memory_space<vmem>> -> memref<1x1x128xi32, #tpu.memory_space<vmem>>
    %dma_wait3A_383 = tpu.memref_squeeze %dma_wait3A_382 : memref<1x1x128xi32, #tpu.memory_space<vmem>> -> memref<128xi32, #tpu.memory_space<vmem>>
    %dma_wait3A_384 = arith.constant 0 : i32
    %dma_wait3A_385 = tpu.memref_slice %arg3[%dma_wait3A_384] : memref<327680xi32, #tpu.memory_space<hbm>> -> memref<128xi32, #tpu.memory_space<hbm>>
    tpu.wait_dma2 semaphore(%dma_wait3A_380 : memref<!tpu.dma_semaphore, #tpu.memory_space<semaphore_mem>>) src(%dma_wait3A_385 : memref<128xi32, #tpu.memory_space<hbm>>) dst(%dma_wait3A_383 : memref<128xi32, #tpu.memory_space<vmem>>)
    %rem3A_386 = arith.constant 2 : i32
    %rem3A_387 = arith.constant 3 : i32
    %rem3A_388 = arith.remsi %rem3A_386, %rem3A_387 : i32
    %rem3A_389 = arith.constant 2 : i32
    %rem3A_390 = arith.constant 3 : i32
    %rem3A_391 = arith.remsi %rem3A_389, %rem3A_390 : i32
    %rem3A_392 = arith.constant 2 : i32
    %rem3A_393 = arith.constant 2 : i32
    %rem3A_394 = arith.remsi %rem3A_392, %rem3A_393 : i32
    %dma_start3A_395 = arith.constant 0 : i32
    %dma_start3A_396 = arith.constant 0 : i32
    %dma_start3A_397 = arith.constant 0 : i32
    %dma_start3A_398 = tpu.memref_slice %arg9[%rem3A_391, %dma_start3A_396, %dma_start3A_397] : memref<3x128x128xf32, #tpu.memory_space<vmem>> -> memref<1x128x128xf32, #tpu.memory_space<vmem>>
    %dma_start3A_399 = tpu.memref_squeeze %dma_start3A_398 : memref<1x128x128xf32, #tpu.memory_space<vmem>> -> memref<128x128xf32, #tpu.memory_space<vmem>>
    %dma_start3A_400 = arith.constant 0 : i32
    %dma_start3A_401 = tpu.memref_slice %arg7[%rem3A_388, %dma_start3A_395, %dma_start3A_400] : memref<3x1x128xi32, #tpu.memory_space<vmem>> -> memref<1x1x128xi32, #tpu.memory_space<vmem>>
    %dma_start3A_402 = tpu.memref_squeeze %dma_start3A_401 : memref<1x1x128xi32, #tpu.memory_space<vmem>> -> memref<128xi32, #tpu.memory_space<vmem>>
    %dma_start3A_403 = arith.constant 0 : i32
    %dma_start3A_404 = arith.constant 0 : i32
    %dma_start3A_405 = tpu.memref_slice %arg4[%dma_start3A_403, %dma_start3A_404] : memref<10112x128xf32, #tpu.memory_space<hbm>> -> memref<10112x128xf32, #tpu.memory_space<hbm>>
    %dma_start3A_406 = tpu.memref_slice %arg12[%rem3A_394] : memref<2x!tpu.dma_semaphore, #tpu.memory_space<semaphore_mem>> -> memref<1x!tpu.dma_semaphore, #tpu.memory_space<semaphore_mem>>
    %dma_start3A_407 = tpu.memref_squeeze %dma_start3A_406 : memref<1x!tpu.dma_semaphore, #tpu.memory_space<semaphore_mem>> -> memref<!tpu.dma_semaphore, #tpu.memory_space<semaphore_mem>>
    tpu.enqueue_indirect_dma source(%dma_start3A_405 : memref<10112x128xf32, #tpu.memory_space<hbm>>) target(%dma_start3A_399 : memref<128x128xf32, #tpu.memory_space<vmem>>) offsets(%dma_start3A_402 : memref<128xi32, #tpu.memory_space<vmem>>) semaphore(%dma_start3A_407 : memref<!tpu.dma_semaphore, #tpu.memory_space<semaphore_mem>>)
    %scan3A = arith.constant 0 : i32
    %scan3A_408 = arith.constant 2 : i32
    %scan3A_409 = arith.constant 76 : i32
    %scan3A_410 = arith.addi %scan3A_408, %scan3A_409 : i32
    %scan3A_411 = arith.constant 1 : i32
    scf.for %scan3A_657 = %scan3A_408 to %scan3A_410 step %scan3A_411  : i32 {
      %rem3A_658 = arith.constant 3 : i32
      %rem3A_659 = arith.remsi %scan3A_657, %rem3A_658 : i32
      %rem3A_660 = arith.constant 3 : i32
      %rem3A_661 = arith.remsi %scan3A_657, %rem3A_660 : i32
      %rem3A_662 = arith.constant 2 : i32
      %rem3A_663 = arith.remsi %scan3A_657, %rem3A_662 : i32
      %dma_wait3A_664 = arith.constant 0 : i32
      %dma_wait3A_665 = arith.constant 0 : i32
      %dma_wait3A_666 = arith.constant 0 : i32
      %dma_wait3A_667 = tpu.memref_slice %arg9[%rem3A_661, %dma_wait3A_665, %dma_wait3A_666] : memref<3x128x128xf32, #tpu.memory_space<vmem>> -> memref<1x128x128xf32, #tpu.memory_space<vmem>>
      %dma_wait3A_668 = tpu.memref_squeeze %dma_wait3A_667 : memref<1x128x128xf32, #tpu.memory_space<vmem>> -> memref<128x128xf32, #tpu.memory_space<vmem>>
      %dma_wait3A_669 = arith.constant 0 : i32
      %dma_wait3A_670 = tpu.memref_slice %arg7[%rem3A_659, %dma_wait3A_664, %dma_wait3A_669] : memref<3x1x128xi32, #tpu.memory_space<vmem>> -> memref<1x1x128xi32, #tpu.memory_space<vmem>>
      %dma_wait3A_671 = tpu.memref_squeeze %dma_wait3A_670 : memref<1x1x128xi32, #tpu.memory_space<vmem>> -> memref<128xi32, #tpu.memory_space<vmem>>
      %dma_wait3A_672 = arith.constant 0 : i32
      %dma_wait3A_673 = arith.constant 0 : i32
      %dma_wait3A_674 = tpu.memref_slice %arg4[%dma_wait3A_672, %dma_wait3A_673] : memref<10112x128xf32, #tpu.memory_space<hbm>> -> memref<10112x128xf32, #tpu.memory_space<hbm>>
      %dma_wait3A_675 = tpu.memref_slice %arg12[%rem3A_663] : memref<2x!tpu.dma_semaphore, #tpu.memory_space<semaphore_mem>> -> memref<1x!tpu.dma_semaphore, #tpu.memory_space<semaphore_mem>>
      %dma_wait3A_676 = tpu.memref_squeeze %dma_wait3A_675 : memref<1x!tpu.dma_semaphore, #tpu.memory_space<semaphore_mem>> -> memref<!tpu.dma_semaphore, #tpu.memory_space<semaphore_mem>>
      tpu.wait_indirect_dma semaphore(%dma_wait3A_676 : memref<!tpu.dma_semaphore, #tpu.memory_space<semaphore_mem>>) src(%dma_wait3A_674 : memref<10112x128xf32, #tpu.memory_space<hbm>>) dst(%dma_wait3A_668 : memref<128x128xf32, #tpu.memory_space<vmem>>)
      %rem3A_677 = arith.constant 3 : i32
      %rem3A_678 = arith.remsi %scan3A_657, %rem3A_677 : i32
      %rem3A_679 = arith.constant 4 : i32
      %rem3A_680 = arith.remsi %scan3A_657, %rem3A_679 : i32
      %rem3A_681 = arith.constant 4 : i32
      %rem3A_682 = arith.remsi %scan3A_657, %rem3A_681 : i32
      %dma_start3A_683 = arith.constant 0 : i32
      %dma_start3A_684 = arith.constant 0 : i32
      %dma_start3A_685 = arith.constant 0 : i32
      %dma_start3A_686 = tpu.memref_slice %arg9[%rem3A_678, %dma_start3A_684, %dma_start3A_685] : memref<3x128x128xf32, #tpu.memory_space<vmem>> -> memref<1x128x128xf32, #tpu.memory_space<vmem>>
      %dma_start3A_687 = tpu.memref_squeeze %dma_start3A_686 : memref<1x128x128xf32, #tpu.memory_space<vmem>> -> memref<128x128xf32, #tpu.memory_space<vmem>>
      %dma_start3A_688 = arith.constant 0 : i32
      %dma_start3A_689 = tpu.memref_slice %arg8[%rem3A_680, %dma_start3A_683, %dma_start3A_688] : memref<4x1x128xi32, #tpu.memory_space<vmem>> -> memref<1x1x128xi32, #tpu.memory_space<vmem>>
      %dma_start3A_690 = tpu.memref_squeeze %dma_start3A_689 : memref<1x1x128xi32, #tpu.memory_space<vmem>> -> memref<128xi32, #tpu.memory_space<vmem>>
      %dma_start3A_691 = arith.constant 0 : i32
      %dma_start3A_692 = arith.constant 0 : i32
      %dma_start3A_693 = tpu.memref_slice %arg10[%dma_start3A_691, %dma_start3A_692] : memref<10112x128xf32, #tpu.memory_space<vmem_shared>> -> memref<10112x128xf32, #tpu.memory_space<vmem_shared>>
      %dma_start3A_694 = tpu.memref_slice %arg13[%rem3A_682] : memref<4x!tpu.dma_semaphore, #tpu.memory_space<semaphore_mem>> -> memref<1x!tpu.dma_semaphore, #tpu.memory_space<semaphore_mem>>
      %dma_start3A_695 = tpu.memref_squeeze %dma_start3A_694 : memref<1x!tpu.dma_semaphore, #tpu.memory_space<semaphore_mem>> -> memref<!tpu.dma_semaphore, #tpu.memory_space<semaphore_mem>>
      tpu.enqueue_indirect_dma source(%dma_start3A_687 : memref<128x128xf32, #tpu.memory_space<vmem>>) target(%dma_start3A_693 : memref<10112x128xf32, #tpu.memory_space<vmem_shared>>) offsets(%dma_start3A_690 : memref<128xi32, #tpu.memory_space<vmem>>) semaphore(%dma_start3A_695 : memref<!tpu.dma_semaphore, #tpu.memory_space<semaphore_mem>>) {add = true}
      %sub3A = arith.constant 2 : i32
      %sub3A_696 = arith.subi %scan3A_657, %sub3A : i32
      %rem3A_697 = arith.constant 3 : i32
      %rem3A_698 = arith.remsi %sub3A_696, %rem3A_697 : i32
      %rem3A_699 = arith.constant 4 : i32
      %rem3A_700 = arith.remsi %sub3A_696, %rem3A_699 : i32
      %rem3A_701 = arith.constant 4 : i32
      %rem3A_702 = arith.remsi %sub3A_696, %rem3A_701 : i32
      %dma_wait3A_703 = arith.constant 0 : i32
      %dma_wait3A_704 = arith.constant 0 : i32
      %dma_wait3A_705 = arith.constant 0 : i32
      %dma_wait3A_706 = tpu.memref_slice %arg9[%rem3A_698, %dma_wait3A_704, %dma_wait3A_705] : memref<3x128x128xf32, #tpu.memory_space<vmem>> -> memref<1x128x128xf32, #tpu.memory_space<vmem>>
      %dma_wait3A_707 = tpu.memref_squeeze %dma_wait3A_706 : memref<1x128x128xf32, #tpu.memory_space<vmem>> -> memref<128x128xf32, #tpu.memory_space<vmem>>
      %dma_wait3A_708 = arith.constant 0 : i32
      %dma_wait3A_709 = tpu.memref_slice %arg8[%rem3A_700, %dma_wait3A_703, %dma_wait3A_708] : memref<4x1x128xi32, #tpu.memory_space<vmem>> -> memref<1x1x128xi32, #tpu.memory_space<vmem>>
      %dma_wait3A_710 = tpu.memref_squeeze %dma_wait3A_709 : memref<1x1x128xi32, #tpu.memory_space<vmem>> -> memref<128xi32, #tpu.memory_space<vmem>>
      %dma_wait3A_711 = arith.constant 0 : i32
      %dma_wait3A_712 = arith.constant 0 : i32
      %dma_wait3A_713 = tpu.memref_slice %arg10[%dma_wait3A_711, %dma_wait3A_712] : memref<10112x128xf32, #tpu.memory_space<vmem_shared>> -> memref<10112x128xf32, #tpu.memory_space<vmem_shared>>
      %dma_wait3A_714 = tpu.memref_slice %arg13[%rem3A_702] : memref<4x!tpu.dma_semaphore, #tpu.memory_space<semaphore_mem>> -> memref<1x!tpu.dma_semaphore, #tpu.memory_space<semaphore_mem>>
      %dma_wait3A_715 = tpu.memref_squeeze %dma_wait3A_714 : memref<1x!tpu.dma_semaphore, #tpu.memory_space<semaphore_mem>> -> memref<!tpu.dma_semaphore, #tpu.memory_space<semaphore_mem>>
      tpu.wait_indirect_dma semaphore(%dma_wait3A_715 : memref<!tpu.dma_semaphore, #tpu.memory_space<semaphore_mem>>) src(%dma_wait3A_707 : memref<128x128xf32, #tpu.memory_space<vmem>>) dst(%dma_wait3A_713 : memref<10112x128xf32, #tpu.memory_space<vmem_shared>>)
      %add3A_716 = arith.constant 2 : i32
      %add3A_717 = arith.addi %scan3A_657, %add3A_716 : i32
      %add3A_718 = arith.addi %add3A, %add3A_717 : i32
      %mul3A_719 = arith.constant 128 : i32
      %mul3A_720 = arith.muli %add3A_718, %mul3A_719 : i32
      %rem3A_721 = arith.constant 2 : i32
      %rem3A_722 = arith.remsi %add3A_717, %rem3A_721 : i32
      %rem3A_723 = arith.constant 3 : i32
      %rem3A_724 = arith.remsi %add3A_717, %rem3A_723 : i32
      %dma_start3A_725 = arith.constant 0 : i32
      %dma_start3A_726 = arith.constant 0 : i32
      %dma_start3A_727 = tpu.memref_slice %arg7[%rem3A_724, %dma_start3A_725, %dma_start3A_726] : memref<3x1x128xi32, #tpu.memory_space<vmem>> -> memref<1x1x128xi32, #tpu.memory_space<vmem>>
      %dma_start3A_728 = tpu.memref_squeeze %dma_start3A_727 : memref<1x1x128xi32, #tpu.memory_space<vmem>> -> memref<128xi32, #tpu.memory_space<vmem>>
      %dma_start3A_729 = tpu.memref_slice %arg2[%mul3A_720] : memref<327680xi32, #tpu.memory_space<hbm>> -> memref<128xi32, #tpu.memory_space<hbm>>
      %dma_start3A_730 = tpu.memref_slice %arg11[%rem3A_722] : memref<2x!tpu.dma_semaphore, #tpu.memory_space<semaphore_mem>> -> memref<1x!tpu.dma_semaphore, #tpu.memory_space<semaphore_mem>>
      %dma_start3A_731 = tpu.memref_squeeze %dma_start3A_730 : memref<1x!tpu.dma_semaphore, #tpu.memory_space<semaphore_mem>> -> memref<!tpu.dma_semaphore, #tpu.memory_space<semaphore_mem>>
      %dma_start3A_732 = arith.constant 0 : i32
      %dma_start3A_733 = tpu.memref_slice %arg7[%rem3A_724, %dma_start3A_725, %dma_start3A_732] : memref<3x1x128xi32, #tpu.memory_space<vmem>> -> memref<1x1x128xi32, #tpu.memory_space<vmem>>
      %dma_start3A_734 = tpu.memref_squeeze %dma_start3A_733 : memref<1x1x128xi32, #tpu.memory_space<vmem>> -> memref<128xi32, #tpu.memory_space<vmem>>
      %dma_start3A_735 = tpu.memref_slice %arg2[%mul3A_720] : memref<327680xi32, #tpu.memory_space<hbm>> -> memref<128xi32, #tpu.memory_space<hbm>>
      tpu.enqueue_dma source(%dma_start3A_735 : memref<128xi32, #tpu.memory_space<hbm>>) target(%dma_start3A_734 : memref<128xi32, #tpu.memory_space<vmem>>) target_semaphore(%dma_start3A_731 : memref<!tpu.dma_semaphore, #tpu.memory_space<semaphore_mem>>)
      %rem3A_736 = arith.constant 4 : i32
      %rem3A_737 = arith.remsi %add3A_717, %rem3A_736 : i32
      %dma_start3A_738 = arith.constant 0 : i32
      %dma_start3A_739 = arith.constant 0 : i32
      %dma_start3A_740 = tpu.memref_slice %arg8[%rem3A_737, %dma_start3A_738, %dma_start3A_739] : memref<4x1x128xi32, #tpu.memory_space<vmem>> -> memref<1x1x128xi32, #tpu.memory_space<vmem>>
      %dma_start3A_741 = tpu.memref_squeeze %dma_start3A_740 : memref<1x1x128xi32, #tpu.memory_space<vmem>> -> memref<128xi32, #tpu.memory_space<vmem>>
      %dma_start3A_742 = tpu.memref_slice %arg3[%mul3A_720] : memref<327680xi32, #tpu.memory_space<hbm>> -> memref<128xi32, #tpu.memory_space<hbm>>
      %dma_start3A_743 = tpu.memref_slice %arg11[%rem3A_722] : memref<2x!tpu.dma_semaphore, #tpu.memory_space<semaphore_mem>> -> memref<1x!tpu.dma_semaphore, #tpu.memory_space<semaphore_mem>>
      %dma_start3A_744 = tpu.memref_squeeze %dma_start3A_743 : memref<1x!tpu.dma_semaphore, #tpu.memory_space<semaphore_mem>> -> memref<!tpu.dma_semaphore, #tpu.memory_space<semaphore_mem>>
      %dma_start3A_745 = arith.constant 0 : i32
      %dma_start3A_746 = tpu.memref_slice %arg8[%rem3A_737, %dma_start3A_738, %dma_start3A_745] : memref<4x1x128xi32, #tpu.memory_space<vmem>> -> memref<1x1x128xi32, #tpu.memory_space<vmem>>
      %dma_start3A_747 = tpu.memref_squeeze %dma_start3A_746 : memref<1x1x128xi32, #tpu.memory_space<vmem>> -> memref<128xi32, #tpu.memory_space<vmem>>
      %dma_start3A_748 = tpu.memref_slice %arg3[%mul3A_720] : memref<327680xi32, #tpu.memory_space<hbm>> -> memref<128xi32, #tpu.memory_space<hbm>>
      tpu.enqueue_dma source(%dma_start3A_748 : memref<128xi32, #tpu.memory_space<hbm>>) target(%dma_start3A_747 : memref<128xi32, #tpu.memory_space<vmem>>) target_semaphore(%dma_start3A_744 : memref<!tpu.dma_semaphore, #tpu.memory_space<semaphore_mem>>)
      %add3A_749 = arith.constant 1 : i32
      %add3A_750 = arith.addi %scan3A_657, %add3A_749 : i32
      %rem3A_751 = arith.constant 2 : i32
      %rem3A_752 = arith.remsi %add3A_750, %rem3A_751 : i32
      %rem3A_753 = arith.constant 3 : i32
      %rem3A_754 = arith.remsi %add3A_750, %rem3A_753 : i32
      %dma_wait3A_755 = arith.constant 0 : i32
      %dma_wait3A_756 = arith.constant 0 : i32
      %dma_wait3A_757 = tpu.memref_slice %arg7[%rem3A_754, %dma_wait3A_755, %dma_wait3A_756] : memref<3x1x128xi32, #tpu.memory_space<vmem>> -> memref<1x1x128xi32, #tpu.memory_space<vmem>>
      %dma_wait3A_758 = tpu.memref_squeeze %dma_wait3A_757 : memref<1x1x128xi32, #tpu.memory_space<vmem>> -> memref<128xi32, #tpu.memory_space<vmem>>
      %dma_wait3A_759 = arith.constant 0 : i32
      %dma_wait3A_760 = tpu.memref_slice %arg2[%dma_wait3A_759] : memref<327680xi32, #tpu.memory_space<hbm>> -> memref<128xi32, #tpu.memory_space<hbm>>
      %dma_wait3A_761 = tpu.memref_slice %arg11[%rem3A_752] : memref<2x!tpu.dma_semaphore, #tpu.memory_space<semaphore_mem>> -> memref<1x!tpu.dma_semaphore, #tpu.memory_space<semaphore_mem>>
      %dma_wait3A_762 = tpu.memref_squeeze %dma_wait3A_761 : memref<1x!tpu.dma_semaphore, #tpu.memory_space<semaphore_mem>> -> memref<!tpu.dma_semaphore, #tpu.memory_space<semaphore_mem>>
      %dma_wait3A_763 = arith.constant 0 : i32
      %dma_wait3A_764 = tpu.memref_slice %arg7[%rem3A_754, %dma_wait3A_755, %dma_wait3A_763] : memref<3x1x128xi32, #tpu.memory_space<vmem>> -> memref<1x1x128xi32, #tpu.memory_space<vmem>>
      %dma_wait3A_765 = tpu.memref_squeeze %dma_wait3A_764 : memref<1x1x128xi32, #tpu.memory_space<vmem>> -> memref<128xi32, #tpu.memory_space<vmem>>
      %dma_wait3A_766 = arith.constant 0 : i32
      %dma_wait3A_767 = tpu.memref_slice %arg2[%dma_wait3A_766] : memref<327680xi32, #tpu.memory_space<hbm>> -> memref<128xi32, #tpu.memory_space<hbm>>
      tpu.wait_dma2 semaphore(%dma_wait3A_762 : memref<!tpu.dma_semaphore, #tpu.memory_space<semaphore_mem>>) src(%dma_wait3A_767 : memref<128xi32, #tpu.memory_space<hbm>>) dst(%dma_wait3A_765 : memref<128xi32, #tpu.memory_space<vmem>>)
      %rem3A_768 = arith.constant 4 : i32
      %rem3A_769 = arith.remsi %add3A_750, %rem3A_768 : i32
      %dma_wait3A_770 = arith.constant 0 : i32
      %dma_wait3A_771 = arith.constant 0 : i32
      %dma_wait3A_772 = tpu.memref_slice %arg8[%rem3A_769, %dma_wait3A_770, %dma_wait3A_771] : memref<4x1x128xi32, #tpu.memory_space<vmem>> -> memref<1x1x128xi32, #tpu.memory_space<vmem>>
      %dma_wait3A_773 = tpu.memref_squeeze %dma_wait3A_772 : memref<1x1x128xi32, #tpu.memory_space<vmem>> -> memref<128xi32, #tpu.memory_space<vmem>>
      %dma_wait3A_774 = arith.constant 0 : i32
      %dma_wait3A_775 = tpu.memref_slice %arg3[%dma_wait3A_774] : memref<327680xi32, #tpu.memory_space<hbm>> -> memref<128xi32, #tpu.memory_space<hbm>>
      %dma_wait3A_776 = tpu.memref_slice %arg11[%rem3A_752] : memref<2x!tpu.dma_semaphore, #tpu.memory_space<semaphore_mem>> -> memref<1x!tpu.dma_semaphore, #tpu.memory_space<semaphore_mem>>
      %dma_wait3A_777 = tpu.memref_squeeze %dma_wait3A_776 : memref<1x!tpu.dma_semaphore, #tpu.memory_space<semaphore_mem>> -> memref<!tpu.dma_semaphore, #tpu.memory_space<semaphore_mem>>
      %dma_wait3A_778 = arith.constant 0 : i32
      %dma_wait3A_779 = tpu.memref_slice %arg8[%rem3A_769, %dma_wait3A_770, %dma_wait3A_778] : memref<4x1x128xi32, #tpu.memory_space<vmem>> -> memref<1x1x128xi32, #tpu.memory_space<vmem>>
      %dma_wait3A_780 = tpu.memref_squeeze %dma_wait3A_779 : memref<1x1x128xi32, #tpu.memory_space<vmem>> -> memref<128xi32, #tpu.memory_space<vmem>>
      %dma_wait3A_781 = arith.constant 0 : i32
      %dma_wait3A_782 = tpu.memref_slice %arg3[%dma_wait3A_781] : memref<327680xi32, #tpu.memory_space<hbm>> -> memref<128xi32, #tpu.memory_space<hbm>>
      tpu.wait_dma2 semaphore(%dma_wait3A_777 : memref<!tpu.dma_semaphore, #tpu.memory_space<semaphore_mem>>) src(%dma_wait3A_782 : memref<128xi32, #tpu.memory_space<hbm>>) dst(%dma_wait3A_780 : memref<128xi32, #tpu.memory_space<vmem>>)
      %add3A_783 = arith.constant 1 : i32
      %add3A_784 = arith.addi %scan3A_657, %add3A_783 : i32
      %rem3A_785 = arith.constant 3 : i32
      %rem3A_786 = arith.remsi %add3A_784, %rem3A_785 : i32
      %rem3A_787 = arith.constant 3 : i32
      %rem3A_788 = arith.remsi %add3A_784, %rem3A_787 : i32
      %rem3A_789 = arith.constant 2 : i32
      %rem3A_790 = arith.remsi %add3A_784, %rem3A_789 : i32
      %dma_start3A_791 = arith.constant 0 : i32
      %dma_start3A_792 = arith.constant 0 : i32
      %dma_start3A_793 = arith.constant 0 : i32
      %dma_start3A_794 = tpu.memref_slice %arg9[%rem3A_788, %dma_start3A_792, %dma_start3A_793] : memref<3x128x128xf32, #tpu.memory_space<vmem>> -> memref<1x128x128xf32, #tpu.memory_space<vmem>>
      %dma_start3A_795 = tpu.memref_squeeze %dma_start3A_794 : memref<1x128x128xf32, #tpu.memory_space<vmem>> -> memref<128x128xf32, #tpu.memory_space<vmem>>
      %dma_start3A_796 = arith.constant 0 : i32
      %dma_start3A_797 = tpu.memref_slice %arg7[%rem3A_786, %dma_start3A_791, %dma_start3A_796] : memref<3x1x128xi32, #tpu.memory_space<vmem>> -> memref<1x1x128xi32, #tpu.memory_space<vmem>>
      %dma_start3A_798 = tpu.memref_squeeze %dma_start3A_797 : memref<1x1x128xi32, #tpu.memory_space<vmem>> -> memref<128xi32, #tpu.memory_space<vmem>>
      %dma_start3A_799 = arith.constant 0 : i32
      %dma_start3A_800 = arith.constant 0 : i32
      %dma_start3A_801 = tpu.memref_slice %arg4[%dma_start3A_799, %dma_start3A_800] : memref<10112x128xf32, #tpu.memory_space<hbm>> -> memref<10112x128xf32, #tpu.memory_space<hbm>>
      %dma_start3A_802 = tpu.memref_slice %arg12[%rem3A_790] : memref<2x!tpu.dma_semaphore, #tpu.memory_space<semaphore_mem>> -> memref<1x!tpu.dma_semaphore, #tpu.memory_space<semaphore_mem>>
      %dma_start3A_803 = tpu.memref_squeeze %dma_start3A_802 : memref<1x!tpu.dma_semaphore, #tpu.memory_space<semaphore_mem>> -> memref<!tpu.dma_semaphore, #tpu.memory_space<semaphore_mem>>
      tpu.enqueue_indirect_dma source(%dma_start3A_801 : memref<10112x128xf32, #tpu.memory_space<hbm>>) target(%dma_start3A_795 : memref<128x128xf32, #tpu.memory_space<vmem>>) offsets(%dma_start3A_798 : memref<128xi32, #tpu.memory_space<vmem>>) semaphore(%dma_start3A_803 : memref<!tpu.dma_semaphore, #tpu.memory_space<semaphore_mem>>)
    }
    %scan3A_412 = arith.constant 76 : i32
    %rem3A_413 = arith.constant 78 : i32
    %rem3A_414 = arith.constant 3 : i32
    %rem3A_415 = arith.remsi %rem3A_413, %rem3A_414 : i32
    %rem3A_416 = arith.constant 78 : i32
    %rem3A_417 = arith.constant 3 : i32
    %rem3A_418 = arith.remsi %rem3A_416, %rem3A_417 : i32
    %rem3A_419 = arith.constant 78 : i32
    %rem3A_420 = arith.constant 2 : i32
    %rem3A_421 = arith.remsi %rem3A_419, %rem3A_420 : i32
    %dma_wait3A_422 = arith.constant 0 : i32
    %dma_wait3A_423 = arith.constant 0 : i32
    %dma_wait3A_424 = arith.constant 0 : i32
    %dma_wait3A_425 = tpu.memref_slice %arg9[%rem3A_418, %dma_wait3A_423, %dma_wait3A_424] : memref<3x128x128xf32, #tpu.memory_space<vmem>> -> memref<1x128x128xf32, #tpu.memory_space<vmem>>
    %dma_wait3A_426 = tpu.memref_squeeze %dma_wait3A_425 : memref<1x128x128xf32, #tpu.memory_space<vmem>> -> memref<128x128xf32, #tpu.memory_space<vmem>>
    %dma_wait3A_427 = arith.constant 0 : i32
    %dma_wait3A_428 = tpu.memref_slice %arg7[%rem3A_415, %dma_wait3A_422, %dma_wait3A_427] : memref<3x1x128xi32, #tpu.memory_space<vmem>> -> memref<1x1x128xi32, #tpu.memory_space<vmem>>
    %dma_wait3A_429 = tpu.memref_squeeze %dma_wait3A_428 : memref<1x1x128xi32, #tpu.memory_space<vmem>> -> memref<128xi32, #tpu.memory_space<vmem>>
    %dma_wait3A_430 = arith.constant 0 : i32
    %dma_wait3A_431 = arith.constant 0 : i32
    %dma_wait3A_432 = tpu.memref_slice %arg4[%dma_wait3A_430, %dma_wait3A_431] : memref<10112x128xf32, #tpu.memory_space<hbm>> -> memref<10112x128xf32, #tpu.memory_space<hbm>>
    %dma_wait3A_433 = tpu.memref_slice %arg12[%rem3A_421] : memref<2x!tpu.dma_semaphore, #tpu.memory_space<semaphore_mem>> -> memref<1x!tpu.dma_semaphore, #tpu.memory_space<semaphore_mem>>
    %dma_wait3A_434 = tpu.memref_squeeze %dma_wait3A_433 : memref<1x!tpu.dma_semaphore, #tpu.memory_space<semaphore_mem>> -> memref<!tpu.dma_semaphore, #tpu.memory_space<semaphore_mem>>
    tpu.wait_indirect_dma semaphore(%dma_wait3A_434 : memref<!tpu.dma_semaphore, #tpu.memory_space<semaphore_mem>>) src(%dma_wait3A_432 : memref<10112x128xf32, #tpu.memory_space<hbm>>) dst(%dma_wait3A_426 : memref<128x128xf32, #tpu.memory_space<vmem>>)
    %rem3A_435 = arith.constant 78 : i32
    %rem3A_436 = arith.constant 3 : i32
    %rem3A_437 = arith.remsi %rem3A_435, %rem3A_436 : i32
    %rem3A_438 = arith.constant 78 : i32
    %rem3A_439 = arith.constant 4 : i32
    %rem3A_440 = arith.remsi %rem3A_438, %rem3A_439 : i32
    %rem3A_441 = arith.constant 78 : i32
    %rem3A_442 = arith.constant 4 : i32
    %rem3A_443 = arith.remsi %rem3A_441, %rem3A_442 : i32
    %dma_start3A_444 = arith.constant 0 : i32
    %dma_start3A_445 = arith.constant 0 : i32
    %dma_start3A_446 = arith.constant 0 : i32
    %dma_start3A_447 = tpu.memref_slice %arg9[%rem3A_437, %dma_start3A_445, %dma_start3A_446] : memref<3x128x128xf32, #tpu.memory_space<vmem>> -> memref<1x128x128xf32, #tpu.memory_space<vmem>>
    %dma_start3A_448 = tpu.memref_squeeze %dma_start3A_447 : memref<1x128x128xf32, #tpu.memory_space<vmem>> -> memref<128x128xf32, #tpu.memory_space<vmem>>
    %dma_start3A_449 = arith.constant 0 : i32
    %dma_start3A_450 = tpu.memref_slice %arg8[%rem3A_440, %dma_start3A_444, %dma_start3A_449] : memref<4x1x128xi32, #tpu.memory_space<vmem>> -> memref<1x1x128xi32, #tpu.memory_space<vmem>>
    %dma_start3A_451 = tpu.memref_squeeze %dma_start3A_450 : memref<1x1x128xi32, #tpu.memory_space<vmem>> -> memref<128xi32, #tpu.memory_space<vmem>>
    %dma_start3A_452 = arith.constant 0 : i32
    %dma_start3A_453 = arith.constant 0 : i32
    %dma_start3A_454 = tpu.memref_slice %arg10[%dma_start3A_452, %dma_start3A_453] : memref<10112x128xf32, #tpu.memory_space<vmem_shared>> -> memref<10112x128xf32, #tpu.memory_space<vmem_shared>>
    %dma_start3A_455 = tpu.memref_slice %arg13[%rem3A_443] : memref<4x!tpu.dma_semaphore, #tpu.memory_space<semaphore_mem>> -> memref<1x!tpu.dma_semaphore, #tpu.memory_space<semaphore_mem>>
    %dma_start3A_456 = tpu.memref_squeeze %dma_start3A_455 : memref<1x!tpu.dma_semaphore, #tpu.memory_space<semaphore_mem>> -> memref<!tpu.dma_semaphore, #tpu.memory_space<semaphore_mem>>
    tpu.enqueue_indirect_dma source(%dma_start3A_448 : memref<128x128xf32, #tpu.memory_space<vmem>>) target(%dma_start3A_454 : memref<10112x128xf32, #tpu.memory_space<vmem_shared>>) offsets(%dma_start3A_451 : memref<128xi32, #tpu.memory_space<vmem>>) semaphore(%dma_start3A_456 : memref<!tpu.dma_semaphore, #tpu.memory_space<semaphore_mem>>) {add = true}
    %rem3A_457 = arith.constant 76 : i32
    %rem3A_458 = arith.constant 3 : i32
    %rem3A_459 = arith.remsi %rem3A_457, %rem3A_458 : i32
    %rem3A_460 = arith.constant 76 : i32
    %rem3A_461 = arith.constant 4 : i32
    %rem3A_462 = arith.remsi %rem3A_460, %rem3A_461 : i32
    %rem3A_463 = arith.constant 76 : i32
    %rem3A_464 = arith.constant 4 : i32
    %rem3A_465 = arith.remsi %rem3A_463, %rem3A_464 : i32
    %dma_wait3A_466 = arith.constant 0 : i32
    %dma_wait3A_467 = arith.constant 0 : i32
    %dma_wait3A_468 = arith.constant 0 : i32
    %dma_wait3A_469 = tpu.memref_slice %arg9[%rem3A_459, %dma_wait3A_467, %dma_wait3A_468] : memref<3x128x128xf32, #tpu.memory_space<vmem>> -> memref<1x128x128xf32, #tpu.memory_space<vmem>>
    %dma_wait3A_470 = tpu.memref_squeeze %dma_wait3A_469 : memref<1x128x128xf32, #tpu.memory_space<vmem>> -> memref<128x128xf32, #tpu.memory_space<vmem>>
    %dma_wait3A_471 = arith.constant 0 : i32
    %dma_wait3A_472 = tpu.memref_slice %arg8[%rem3A_462, %dma_wait3A_466, %dma_wait3A_471] : memref<4x1x128xi32, #tpu.memory_space<vmem>> -> memref<1x1x128xi32, #tpu.memory_space<vmem>>
    %dma_wait3A_473 = tpu.memref_squeeze %dma_wait3A_472 : memref<1x1x128xi32, #tpu.memory_space<vmem>> -> memref<128xi32, #tpu.memory_space<vmem>>
    %dma_wait3A_474 = arith.constant 0 : i32
    %dma_wait3A_475 = arith.constant 0 : i32
    %dma_wait3A_476 = tpu.memref_slice %arg10[%dma_wait3A_474, %dma_wait3A_475] : memref<10112x128xf32, #tpu.memory_space<vmem_shared>> -> memref<10112x128xf32, #tpu.memory_space<vmem_shared>>
    %dma_wait3A_477 = tpu.memref_slice %arg13[%rem3A_465] : memref<4x!tpu.dma_semaphore, #tpu.memory_space<semaphore_mem>> -> memref<1x!tpu.dma_semaphore, #tpu.memory_space<semaphore_mem>>
    %dma_wait3A_478 = tpu.memref_squeeze %dma_wait3A_477 : memref<1x!tpu.dma_semaphore, #tpu.memory_space<semaphore_mem>> -> memref<!tpu.dma_semaphore, #tpu.memory_space<semaphore_mem>>
    tpu.wait_indirect_dma semaphore(%dma_wait3A_478 : memref<!tpu.dma_semaphore, #tpu.memory_space<semaphore_mem>>) src(%dma_wait3A_470 : memref<128x128xf32, #tpu.memory_space<vmem>>) dst(%dma_wait3A_476 : memref<10112x128xf32, #tpu.memory_space<vmem_shared>>)
    %rem3A_479 = arith.constant 79 : i32
    %rem3A_480 = arith.constant 2 : i32
    %rem3A_481 = arith.remsi %rem3A_479, %rem3A_480 : i32
    %rem3A_482 = arith.constant 79 : i32
    %rem3A_483 = arith.constant 3 : i32
    %rem3A_484 = arith.remsi %rem3A_482, %rem3A_483 : i32
    %dma_wait3A_485 = arith.constant 0 : i32
    %dma_wait3A_486 = arith.constant 0 : i32
    %dma_wait3A_487 = tpu.memref_slice %arg7[%rem3A_484, %dma_wait3A_485, %dma_wait3A_486] : memref<3x1x128xi32, #tpu.memory_space<vmem>> -> memref<1x1x128xi32, #tpu.memory_space<vmem>>
    %dma_wait3A_488 = tpu.memref_squeeze %dma_wait3A_487 : memref<1x1x128xi32, #tpu.memory_space<vmem>> -> memref<128xi32, #tpu.memory_space<vmem>>
    %dma_wait3A_489 = arith.constant 0 : i32
    %dma_wait3A_490 = tpu.memref_slice %arg2[%dma_wait3A_489] : memref<327680xi32, #tpu.memory_space<hbm>> -> memref<128xi32, #tpu.memory_space<hbm>>
    %dma_wait3A_491 = tpu.memref_slice %arg11[%rem3A_481] : memref<2x!tpu.dma_semaphore, #tpu.memory_space<semaphore_mem>> -> memref<1x!tpu.dma_semaphore, #tpu.memory_space<semaphore_mem>>
    %dma_wait3A_492 = tpu.memref_squeeze %dma_wait3A_491 : memref<1x!tpu.dma_semaphore, #tpu.memory_space<semaphore_mem>> -> memref<!tpu.dma_semaphore, #tpu.memory_space<semaphore_mem>>
    %dma_wait3A_493 = arith.constant 0 : i32
    %dma_wait3A_494 = tpu.memref_slice %arg7[%rem3A_484, %dma_wait3A_485, %dma_wait3A_493] : memref<3x1x128xi32, #tpu.memory_space<vmem>> -> memref<1x1x128xi32, #tpu.memory_space<vmem>>
    %dma_wait3A_495 = tpu.memref_squeeze %dma_wait3A_494 : memref<1x1x128xi32, #tpu.memory_space<vmem>> -> memref<128xi32, #tpu.memory_space<vmem>>
    %dma_wait3A_496 = arith.constant 0 : i32
    %dma_wait3A_497 = tpu.memref_slice %arg2[%dma_wait3A_496] : memref<327680xi32, #tpu.memory_space<hbm>> -> memref<128xi32, #tpu.memory_space<hbm>>
    tpu.wait_dma2 semaphore(%dma_wait3A_492 : memref<!tpu.dma_semaphore, #tpu.memory_space<semaphore_mem>>) src(%dma_wait3A_497 : memref<128xi32, #tpu.memory_space<hbm>>) dst(%dma_wait3A_495 : memref<128xi32, #tpu.memory_space<vmem>>)
    %rem3A_498 = arith.constant 79 : i32
    %rem3A_499 = arith.constant 4 : i32
    %rem3A_500 = arith.remsi %rem3A_498, %rem3A_499 : i32
    %dma_wait3A_501 = arith.constant 0 : i32
    %dma_wait3A_502 = arith.constant 0 : i32
    %dma_wait3A_503 = tpu.memref_slice %arg8[%rem3A_500, %dma_wait3A_501, %dma_wait3A_502] : memref<4x1x128xi32, #tpu.memory_space<vmem>> -> memref<1x1x128xi32, #tpu.memory_space<vmem>>
    %dma_wait3A_504 = tpu.memref_squeeze %dma_wait3A_503 : memref<1x1x128xi32, #tpu.memory_space<vmem>> -> memref<128xi32, #tpu.memory_space<vmem>>
    %dma_wait3A_505 = arith.constant 0 : i32
    %dma_wait3A_506 = tpu.memref_slice %arg3[%dma_wait3A_505] : memref<327680xi32, #tpu.memory_space<hbm>> -> memref<128xi32, #tpu.memory_space<hbm>>
    %dma_wait3A_507 = tpu.memref_slice %arg11[%rem3A_481] : memref<2x!tpu.dma_semaphore, #tpu.memory_space<semaphore_mem>> -> memref<1x!tpu.dma_semaphore, #tpu.memory_space<semaphore_mem>>
    %dma_wait3A_508 = tpu.memref_squeeze %dma_wait3A_507 : memref<1x!tpu.dma_semaphore, #tpu.memory_space<semaphore_mem>> -> memref<!tpu.dma_semaphore, #tpu.memory_space<semaphore_mem>>
    %dma_wait3A_509 = arith.constant 0 : i32
    %dma_wait3A_510 = tpu.memref_slice %arg8[%rem3A_500, %dma_wait3A_501, %dma_wait3A_509] : memref<4x1x128xi32, #tpu.memory_space<vmem>> -> memref<1x1x128xi32, #tpu.memory_space<vmem>>
    %dma_wait3A_511 = tpu.memref_squeeze %dma_wait3A_510 : memref<1x1x128xi32, #tpu.memory_space<vmem>> -> memref<128xi32, #tpu.memory_space<vmem>>
    %dma_wait3A_512 = arith.constant 0 : i32
    %dma_wait3A_513 = tpu.memref_slice %arg3[%dma_wait3A_512] : memref<327680xi32, #tpu.memory_space<hbm>> -> memref<128xi32, #tpu.memory_space<hbm>>
    tpu.wait_dma2 semaphore(%dma_wait3A_508 : memref<!tpu.dma_semaphore, #tpu.memory_space<semaphore_mem>>) src(%dma_wait3A_513 : memref<128xi32, #tpu.memory_space<hbm>>) dst(%dma_wait3A_511 : memref<128xi32, #tpu.memory_space<vmem>>)
    %rem3A_514 = arith.constant 79 : i32
    %rem3A_515 = arith.constant 3 : i32
    %rem3A_516 = arith.remsi %rem3A_514, %rem3A_515 : i32
    %rem3A_517 = arith.constant 79 : i32
    %rem3A_518 = arith.constant 3 : i32
    %rem3A_519 = arith.remsi %rem3A_517, %rem3A_518 : i32
    %rem3A_520 = arith.constant 79 : i32
    %rem3A_521 = arith.constant 2 : i32
    %rem3A_522 = arith.remsi %rem3A_520, %rem3A_521 : i32
    %dma_start3A_523 = arith.constant 0 : i32
    %dma_start3A_524 = arith.constant 0 : i32
    %dma_start3A_525 = arith.constant 0 : i32
    %dma_start3A_526 = tpu.memref_slice %arg9[%rem3A_519, %dma_start3A_524, %dma_start3A_525] : memref<3x128x128xf32, #tpu.memory_space<vmem>> -> memref<1x128x128xf32, #tpu.memory_space<vmem>>
    %dma_start3A_527 = tpu.memref_squeeze %dma_start3A_526 : memref<1x128x128xf32, #tpu.memory_space<vmem>> -> memref<128x128xf32, #tpu.memory_space<vmem>>
    %dma_start3A_528 = arith.constant 0 : i32
    %dma_start3A_529 = tpu.memref_slice %arg7[%rem3A_516, %dma_start3A_523, %dma_start3A_528] : memref<3x1x128xi32, #tpu.memory_space<vmem>> -> memref<1x1x128xi32, #tpu.memory_space<vmem>>
    %dma_start3A_530 = tpu.memref_squeeze %dma_start3A_529 : memref<1x1x128xi32, #tpu.memory_space<vmem>> -> memref<128xi32, #tpu.memory_space<vmem>>
    %dma_start3A_531 = arith.constant 0 : i32
    %dma_start3A_532 = arith.constant 0 : i32
    %dma_start3A_533 = tpu.memref_slice %arg4[%dma_start3A_531, %dma_start3A_532] : memref<10112x128xf32, #tpu.memory_space<hbm>> -> memref<10112x128xf32, #tpu.memory_space<hbm>>
    %dma_start3A_534 = tpu.memref_slice %arg12[%rem3A_522] : memref<2x!tpu.dma_semaphore, #tpu.memory_space<semaphore_mem>> -> memref<1x!tpu.dma_semaphore, #tpu.memory_space<semaphore_mem>>
    %dma_start3A_535 = tpu.memref_squeeze %dma_start3A_534 : memref<1x!tpu.dma_semaphore, #tpu.memory_space<semaphore_mem>> -> memref<!tpu.dma_semaphore, #tpu.memory_space<semaphore_mem>>
    tpu.enqueue_indirect_dma source(%dma_start3A_533 : memref<10112x128xf32, #tpu.memory_space<hbm>>) target(%dma_start3A_527 : memref<128x128xf32, #tpu.memory_space<vmem>>) offsets(%dma_start3A_530 : memref<128xi32, #tpu.memory_space<vmem>>) semaphore(%dma_start3A_535 : memref<!tpu.dma_semaphore, #tpu.memory_space<semaphore_mem>>)
    %rem3A_536 = arith.constant 79 : i32
    %rem3A_537 = arith.constant 3 : i32
    %rem3A_538 = arith.remsi %rem3A_536, %rem3A_537 : i32
    %rem3A_539 = arith.constant 79 : i32
    %rem3A_540 = arith.constant 3 : i32
    %rem3A_541 = arith.remsi %rem3A_539, %rem3A_540 : i32
    %rem3A_542 = arith.constant 79 : i32
    %rem3A_543 = arith.constant 2 : i32
    %rem3A_544 = arith.remsi %rem3A_542, %rem3A_543 : i32
    %dma_wait3A_545 = arith.constant 0 : i32
    %dma_wait3A_546 = arith.constant 0 : i32
    %dma_wait3A_547 = arith.constant 0 : i32
    %dma_wait3A_548 = tpu.memref_slice %arg9[%rem3A_541, %dma_wait3A_546, %dma_wait3A_547] : memref<3x128x128xf32, #tpu.memory_space<vmem>> -> memref<1x128x128xf32, #tpu.memory_space<vmem>>
    %dma_wait3A_549 = tpu.memref_squeeze %dma_wait3A_548 : memref<1x128x128xf32, #tpu.memory_space<vmem>> -> memref<128x128xf32, #tpu.memory_space<vmem>>
    %dma_wait3A_550 = arith.constant 0 : i32
    %dma_wait3A_551 = tpu.memref_slice %arg7[%rem3A_538, %dma_wait3A_545, %dma_wait3A_550] : memref<3x1x128xi32, #tpu.memory_space<vmem>> -> memref<1x1x128xi32, #tpu.memory_space<vmem>>
    %dma_wait3A_552 = tpu.memref_squeeze %dma_wait3A_551 : memref<1x1x128xi32, #tpu.memory_space<vmem>> -> memref<128xi32, #tpu.memory_space<vmem>>
    %dma_wait3A_553 = arith.constant 0 : i32
    %dma_wait3A_554 = arith.constant 0 : i32
    %dma_wait3A_555 = tpu.memref_slice %arg4[%dma_wait3A_553, %dma_wait3A_554] : memref<10112x128xf32, #tpu.memory_space<hbm>> -> memref<10112x128xf32, #tpu.memory_space<hbm>>
    %dma_wait3A_556 = tpu.memref_slice %arg12[%rem3A_544] : memref<2x!tpu.dma_semaphore, #tpu.memory_space<semaphore_mem>> -> memref<1x!tpu.dma_semaphore, #tpu.memory_space<semaphore_mem>>
    %dma_wait3A_557 = tpu.memref_squeeze %dma_wait3A_556 : memref<1x!tpu.dma_semaphore, #tpu.memory_space<semaphore_mem>> -> memref<!tpu.dma_semaphore, #tpu.memory_space<semaphore_mem>>
    tpu.wait_indirect_dma semaphore(%dma_wait3A_557 : memref<!tpu.dma_semaphore, #tpu.memory_space<semaphore_mem>>) src(%dma_wait3A_555 : memref<10112x128xf32, #tpu.memory_space<hbm>>) dst(%dma_wait3A_549 : memref<128x128xf32, #tpu.memory_space<vmem>>)
    %rem3A_558 = arith.constant 79 : i32
    %rem3A_559 = arith.constant 3 : i32
    %rem3A_560 = arith.remsi %rem3A_558, %rem3A_559 : i32
    %rem3A_561 = arith.constant 79 : i32
    %rem3A_562 = arith.constant 4 : i32
    %rem3A_563 = arith.remsi %rem3A_561, %rem3A_562 : i32
    %rem3A_564 = arith.constant 79 : i32
    %rem3A_565 = arith.constant 4 : i32
    %rem3A_566 = arith.remsi %rem3A_564, %rem3A_565 : i32
    %dma_start3A_567 = arith.constant 0 : i32
    %dma_start3A_568 = arith.constant 0 : i32
    %dma_start3A_569 = arith.constant 0 : i32
    %dma_start3A_570 = tpu.memref_slice %arg9[%rem3A_560, %dma_start3A_568, %dma_start3A_569] : memref<3x128x128xf32, #tpu.memory_space<vmem>> -> memref<1x128x128xf32, #tpu.memory_space<vmem>>
    %dma_start3A_571 = tpu.memref_squeeze %dma_start3A_570 : memref<1x128x128xf32, #tpu.memory_space<vmem>> -> memref<128x128xf32, #tpu.memory_space<vmem>>
    %dma_start3A_572 = arith.constant 0 : i32
    %dma_start3A_573 = tpu.memref_slice %arg8[%rem3A_563, %dma_start3A_567, %dma_start3A_572] : memref<4x1x128xi32, #tpu.memory_space<vmem>> -> memref<1x1x128xi32, #tpu.memory_space<vmem>>
    %dma_start3A_574 = tpu.memref_squeeze %dma_start3A_573 : memref<1x1x128xi32, #tpu.memory_space<vmem>> -> memref<128xi32, #tpu.memory_space<vmem>>
    %dma_start3A_575 = arith.constant 0 : i32
    %dma_start3A_576 = arith.constant 0 : i32
    %dma_start3A_577 = tpu.memref_slice %arg10[%dma_start3A_575, %dma_start3A_576] : memref<10112x128xf32, #tpu.memory_space<vmem_shared>> -> memref<10112x128xf32, #tpu.memory_space<vmem_shared>>
    %dma_start3A_578 = tpu.memref_slice %arg13[%rem3A_566] : memref<4x!tpu.dma_semaphore, #tpu.memory_space<semaphore_mem>> -> memref<1x!tpu.dma_semaphore, #tpu.memory_space<semaphore_mem>>
    %dma_start3A_579 = tpu.memref_squeeze %dma_start3A_578 : memref<1x!tpu.dma_semaphore, #tpu.memory_space<semaphore_mem>> -> memref<!tpu.dma_semaphore, #tpu.memory_space<semaphore_mem>>
    tpu.enqueue_indirect_dma source(%dma_start3A_571 : memref<128x128xf32, #tpu.memory_space<vmem>>) target(%dma_start3A_577 : memref<10112x128xf32, #tpu.memory_space<vmem_shared>>) offsets(%dma_start3A_574 : memref<128xi32, #tpu.memory_space<vmem>>) semaphore(%dma_start3A_579 : memref<!tpu.dma_semaphore, #tpu.memory_space<semaphore_mem>>) {add = true}
    %rem3A_580 = arith.constant 77 : i32
    %rem3A_581 = arith.constant 3 : i32
    %rem3A_582 = arith.remsi %rem3A_580, %rem3A_581 : i32
    %rem3A_583 = arith.constant 77 : i32
    %rem3A_584 = arith.constant 4 : i32
    %rem3A_585 = arith.remsi %rem3A_583, %rem3A_584 : i32
    %rem3A_586 = arith.constant 77 : i32
    %rem3A_587 = arith.constant 4 : i32
    %rem3A_588 = arith.remsi %rem3A_586, %rem3A_587 : i32
    %dma_wait3A_589 = arith.constant 0 : i32
    %dma_wait3A_590 = arith.constant 0 : i32
    %dma_wait3A_591 = arith.constant 0 : i32
    %dma_wait3A_592 = tpu.memref_slice %arg9[%rem3A_582, %dma_wait3A_590, %dma_wait3A_591] : memref<3x128x128xf32, #tpu.memory_space<vmem>> -> memref<1x128x128xf32, #tpu.memory_space<vmem>>
    %dma_wait3A_593 = tpu.memref_squeeze %dma_wait3A_592 : memref<1x128x128xf32, #tpu.memory_space<vmem>> -> memref<128x128xf32, #tpu.memory_space<vmem>>
    %dma_wait3A_594 = arith.constant 0 : i32
    %dma_wait3A_595 = tpu.memref_slice %arg8[%rem3A_585, %dma_wait3A_589, %dma_wait3A_594] : memref<4x1x128xi32, #tpu.memory_space<vmem>> -> memref<1x1x128xi32, #tpu.memory_space<vmem>>
    %dma_wait3A_596 = tpu.memref_squeeze %dma_wait3A_595 : memref<1x1x128xi32, #tpu.memory_space<vmem>> -> memref<128xi32, #tpu.memory_space<vmem>>
    %dma_wait3A_597 = arith.constant 0 : i32
    %dma_wait3A_598 = arith.constant 0 : i32
    %dma_wait3A_599 = tpu.memref_slice %arg10[%dma_wait3A_597, %dma_wait3A_598] : memref<10112x128xf32, #tpu.memory_space<vmem_shared>> -> memref<10112x128xf32, #tpu.memory_space<vmem_shared>>
    %dma_wait3A_600 = tpu.memref_slice %arg13[%rem3A_588] : memref<4x!tpu.dma_semaphore, #tpu.memory_space<semaphore_mem>> -> memref<1x!tpu.dma_semaphore, #tpu.memory_space<semaphore_mem>>
    %dma_wait3A_601 = tpu.memref_squeeze %dma_wait3A_600 : memref<1x!tpu.dma_semaphore, #tpu.memory_space<semaphore_mem>> -> memref<!tpu.dma_semaphore, #tpu.memory_space<semaphore_mem>>
    tpu.wait_indirect_dma semaphore(%dma_wait3A_601 : memref<!tpu.dma_semaphore, #tpu.memory_space<semaphore_mem>>) src(%dma_wait3A_593 : memref<128x128xf32, #tpu.memory_space<vmem>>) dst(%dma_wait3A_599 : memref<10112x128xf32, #tpu.memory_space<vmem_shared>>)
    %rem3A_602 = arith.constant 78 : i32
    %rem3A_603 = arith.constant 3 : i32
    %rem3A_604 = arith.remsi %rem3A_602, %rem3A_603 : i32
    %rem3A_605 = arith.constant 78 : i32
    %rem3A_606 = arith.constant 4 : i32
    %rem3A_607 = arith.remsi %rem3A_605, %rem3A_606 : i32
    %rem3A_608 = arith.constant 78 : i32
    %rem3A_609 = arith.constant 4 : i32
    %rem3A_610 = arith.remsi %rem3A_608, %rem3A_609 : i32
    %dma_wait3A_611 = arith.constant 0 : i32
    %dma_wait3A_612 = arith.constant 0 : i32
    %dma_wait3A_613 = arith.constant 0 : i32
    %dma_wait3A_614 = tpu.memref_slice %arg9[%rem3A_604, %dma_wait3A_612, %dma_wait3A_613] : memref<3x128x128xf32, #tpu.memory_space<vmem>> -> memref<1x128x128xf32, #tpu.memory_space<vmem>>
    %dma_wait3A_615 = tpu.memref_squeeze %dma_wait3A_614 : memref<1x128x128xf32, #tpu.memory_space<vmem>> -> memref<128x128xf32, #tpu.memory_space<vmem>>
    %dma_wait3A_616 = arith.constant 0 : i32
    %dma_wait3A_617 = tpu.memref_slice %arg8[%rem3A_607, %dma_wait3A_611, %dma_wait3A_616] : memref<4x1x128xi32, #tpu.memory_space<vmem>> -> memref<1x1x128xi32, #tpu.memory_space<vmem>>
    %dma_wait3A_618 = tpu.memref_squeeze %dma_wait3A_617 : memref<1x1x128xi32, #tpu.memory_space<vmem>> -> memref<128xi32, #tpu.memory_space<vmem>>
    %dma_wait3A_619 = arith.constant 0 : i32
    %dma_wait3A_620 = arith.constant 0 : i32
    %dma_wait3A_621 = tpu.memref_slice %arg10[%dma_wait3A_619, %dma_wait3A_620] : memref<10112x128xf32, #tpu.memory_space<vmem_shared>> -> memref<10112x128xf32, #tpu.memory_space<vmem_shared>>
    %dma_wait3A_622 = tpu.memref_slice %arg13[%rem3A_610] : memref<4x!tpu.dma_semaphore, #tpu.memory_space<semaphore_mem>> -> memref<1x!tpu.dma_semaphore, #tpu.memory_space<semaphore_mem>>
    %dma_wait3A_623 = tpu.memref_squeeze %dma_wait3A_622 : memref<1x!tpu.dma_semaphore, #tpu.memory_space<semaphore_mem>> -> memref<!tpu.dma_semaphore, #tpu.memory_space<semaphore_mem>>
    tpu.wait_indirect_dma semaphore(%dma_wait3A_623 : memref<!tpu.dma_semaphore, #tpu.memory_space<semaphore_mem>>) src(%dma_wait3A_615 : memref<128x128xf32, #tpu.memory_space<vmem>>) dst(%dma_wait3A_621 : memref<10112x128xf32, #tpu.memory_space<vmem_shared>>)
    %rem3A_624 = arith.constant 79 : i32
    %rem3A_625 = arith.constant 3 : i32
    %rem3A_626 = arith.remsi %rem3A_624, %rem3A_625 : i32
    %rem3A_627 = arith.constant 79 : i32
    %rem3A_628 = arith.constant 4 : i32
    %rem3A_629 = arith.remsi %rem3A_627, %rem3A_628 : i32
    %rem3A_630 = arith.constant 79 : i32
    %rem3A_631 = arith.constant 4 : i32
    %rem3A_632 = arith.remsi %rem3A_630, %rem3A_631 : i32
    %dma_wait3A_633 = arith.constant 0 : i32
    %dma_wait3A_634 = arith.constant 0 : i32
    %dma_wait3A_635 = arith.constant 0 : i32
    %dma_wait3A_636 = tpu.memref_slice %arg9[%rem3A_626, %dma_wait3A_634, %dma_wait3A_635] : memref<3x128x128xf32, #tpu.memory_space<vmem>> -> memref<1x128x128xf32, #tpu.memory_space<vmem>>
    %dma_wait3A_637 = tpu.memref_squeeze %dma_wait3A_636 : memref<1x128x128xf32, #tpu.memory_space<vmem>> -> memref<128x128xf32, #tpu.memory_space<vmem>>
    %dma_wait3A_638 = arith.constant 0 : i32
    %dma_wait3A_639 = tpu.memref_slice %arg8[%rem3A_629, %dma_wait3A_633, %dma_wait3A_638] : memref<4x1x128xi32, #tpu.memory_space<vmem>> -> memref<1x1x128xi32, #tpu.memory_space<vmem>>
    %dma_wait3A_640 = tpu.memref_squeeze %dma_wait3A_639 : memref<1x1x128xi32, #tpu.memory_space<vmem>> -> memref<128xi32, #tpu.memory_space<vmem>>
    %dma_wait3A_641 = arith.constant 0 : i32
    %dma_wait3A_642 = arith.constant 0 : i32
    %dma_wait3A_643 = tpu.memref_slice %arg10[%dma_wait3A_641, %dma_wait3A_642] : memref<10112x128xf32, #tpu.memory_space<vmem_shared>> -> memref<10112x128xf32, #tpu.memory_space<vmem_shared>>
    %dma_wait3A_644 = tpu.memref_slice %arg13[%rem3A_632] : memref<4x!tpu.dma_semaphore, #tpu.memory_space<semaphore_mem>> -> memref<1x!tpu.dma_semaphore, #tpu.memory_space<semaphore_mem>>
    %dma_wait3A_645 = tpu.memref_squeeze %dma_wait3A_644 : memref<1x!tpu.dma_semaphore, #tpu.memory_space<semaphore_mem>> -> memref<!tpu.dma_semaphore, #tpu.memory_space<semaphore_mem>>
    tpu.wait_indirect_dma semaphore(%dma_wait3A_645 : memref<!tpu.dma_semaphore, #tpu.memory_space<semaphore_mem>>) src(%dma_wait3A_637 : memref<128x128xf32, #tpu.memory_space<vmem>>) dst(%dma_wait3A_643 : memref<10112x128xf32, #tpu.memory_space<vmem_shared>>)
    %barrier3A_646 = arith.constant 0 : index
    tpu.barrier barrier_id(%barrier3A_646)
    %eq3A_647 = arith.constant 0 : i32
    %eq3A_648 = arith.cmpi eq, %arg0, %eq3A_647 : i32
    %convert_element_type3A_649 = arith.extui %eq3A_648 : i1 to i32
    %cond3A_650 = arith.constant 0 : i32
    %cond3A_651 = arith.cmpi ne, %convert_element_type3A_649, %cond3A_650 : i32
    scf.if %cond3A_651 {
      %add3A_657 = arith.constant 0 : i32
      %add3A_658 = arith.addi %mul3A_0, %add3A_657 : i32
      %run_scoped3A = arith.constant 0 : i32
      "tpu.region"() ({
        %run_scoped3A_686 = tpu.sem_alloc : memref<!tpu.dma_semaphore, #tpu.memory_space<semaphore_mem>>
        %dma_start3A_687 = arith.constant 0 : i32
        %dma_start3A_688 = arith.constant 0 : i32
        %dma_start3A_689 = tpu.memref_slice %arg9[%run_scoped3A, %dma_start3A_687, %dma_start3A_688] : memref<3x128x128xf32, #tpu.memory_space<vmem>> -> memref<1x128x128xf32, #tpu.memory_space<vmem>>
        %dma_start3A_690 = tpu.memref_squeeze %dma_start3A_689 : memref<1x128x128xf32, #tpu.memory_space<vmem>> -> memref<128x128xf32, #tpu.memory_space<vmem>>
        %dma_start3A_691 = arith.constant 0 : i32
        %dma_start3A_692 = tpu.memref_slice %arg10[%add3A_658, %dma_start3A_691] : memref<10112x128xf32, #tpu.memory_space<vmem_shared>> -> memref<128x128xf32, #tpu.memory_space<vmem_shared>>
        %dma_start3A_693 = arith.constant 0 : i32
        %dma_start3A_694 = arith.constant 0 : i32
        %dma_start3A_695 = tpu.memref_slice %arg9[%run_scoped3A, %dma_start3A_693, %dma_start3A_694] : memref<3x128x128xf32, #tpu.memory_space<vmem>> -> memref<1x128x128xf32, #tpu.memory_space<vmem>>
        %dma_start3A_696 = tpu.memref_squeeze %dma_start3A_695 : memref<1x128x128xf32, #tpu.memory_space<vmem>> -> memref<128x128xf32, #tpu.memory_space<vmem>>
        %dma_start3A_697 = arith.constant 0 : i32
        %dma_start3A_698 = tpu.memref_slice %arg10[%add3A_658, %dma_start3A_697] : memref<10112x128xf32, #tpu.memory_space<vmem_shared>> -> memref<128x128xf32, #tpu.memory_space<vmem_shared>>
        tpu.enqueue_dma source(%dma_start3A_698 : memref<128x128xf32, #tpu.memory_space<vmem_shared>>) target(%dma_start3A_696 : memref<128x128xf32, #tpu.memory_space<vmem>>) target_semaphore(%run_scoped3A_686 : memref<!tpu.dma_semaphore, #tpu.memory_space<semaphore_mem>>)
        %dma_wait3A_699 = arith.constant 0 : i32
        %dma_wait3A_700 = arith.constant 0 : i32
        %dma_wait3A_701 = tpu.memref_slice %arg9[%run_scoped3A, %dma_wait3A_699, %dma_wait3A_700] : memref<3x128x128xf32, #tpu.memory_space<vmem>> -> memref<1x128x128xf32, #tpu.memory_space<vmem>>
        %dma_wait3A_702 = tpu.memref_squeeze %dma_wait3A_701 : memref<1x128x128xf32, #tpu.memory_space<vmem>> -> memref<128x128xf32, #tpu.memory_space<vmem>>
        %dma_wait3A_703 = arith.constant 0 : i32
        %dma_wait3A_704 = tpu.memref_slice %arg10[%add3A_658, %dma_wait3A_703] : memref<10112x128xf32, #tpu.memory_space<vmem_shared>> -> memref<128x128xf32, #tpu.memory_space<vmem_shared>>
        %dma_wait3A_705 = arith.constant 0 : i32
        %dma_wait3A_706 = arith.constant 0 : i32
        %dma_wait3A_707 = tpu.memref_slice %arg9[%run_scoped3A, %dma_wait3A_705, %dma_wait3A_706] : memref<3x128x128xf32, #tpu.memory_space<vmem>> -> memref<1x128x128xf32, #tpu.memory_space<vmem>>
        %dma_wait3A_708 = tpu.memref_squeeze %dma_wait3A_707 : memref<1x128x128xf32, #tpu.memory_space<vmem>> -> memref<128x128xf32, #tpu.memory_space<vmem>>
        %dma_wait3A_709 = arith.constant 0 : i32
        %dma_wait3A_710 = tpu.memref_slice %arg10[%add3A_658, %dma_wait3A_709] : memref<10112x128xf32, #tpu.memory_space<vmem_shared>> -> memref<128x128xf32, #tpu.memory_space<vmem_shared>>
        tpu.wait_dma2 semaphore(%run_scoped3A_686 : memref<!tpu.dma_semaphore, #tpu.memory_space<semaphore_mem>>) src(%dma_wait3A_710 : memref<128x128xf32, #tpu.memory_space<vmem_shared>>) dst(%dma_wait3A_708 : memref<128x128xf32, #tpu.memory_space<vmem>>)
        tpu.yield
      }) : () -> ()
      %add3A_659 = arith.constant 0 : i32
      %add3A_660 = arith.addi %mul3A_0, %add3A_659 : i32
      %run_scoped3A_661 = arith.constant 0 : i32
      "tpu.region"() ({
        %run_scoped3A_686 = tpu.sem_alloc : memref<!tpu.dma_semaphore, #tpu.memory_space<semaphore_mem>>
        %dma_start3A_687 = arith.constant 0 : i32
        %dma_start3A_688 = arith.constant 0 : i32
        %dma_start3A_689 = tpu.memref_slice %arg9[%run_scoped3A_661, %dma_start3A_687, %dma_start3A_688] : memref<3x128x128xf32, #tpu.memory_space<vmem>> -> memref<1x128x128xf32, #tpu.memory_space<vmem>>
        %dma_start3A_690 = tpu.memref_squeeze %dma_start3A_689 : memref<1x128x128xf32, #tpu.memory_space<vmem>> -> memref<128x128xf32, #tpu.memory_space<vmem>>
        %dma_start3A_691 = arith.constant 0 : i32
        %dma_start3A_692 = tpu.memref_slice %arg5[%add3A_660, %dma_start3A_691] : memref<10112x128xf32, #tpu.memory_space<hbm>> -> memref<128x128xf32, #tpu.memory_space<hbm>>
        %dma_start3A_693 = arith.constant 0 : i32
        %dma_start3A_694 = tpu.memref_slice %arg5[%add3A_660, %dma_start3A_693] : memref<10112x128xf32, #tpu.memory_space<hbm>> -> memref<128x128xf32, #tpu.memory_space<hbm>>
        %dma_start3A_695 = arith.constant 0 : i32
        %dma_start3A_696 = arith.constant 0 : i32
        %dma_start3A_697 = tpu.memref_slice %arg9[%run_scoped3A_661, %dma_start3A_695, %dma_start3A_696] : memref<3x128x128xf32, #tpu.memory_space<vmem>> -> memref<1x128x128xf32, #tpu.memory_space<vmem>>
        %dma_start3A_698 = tpu.memref_squeeze %dma_start3A_697 : memref<1x128x128xf32, #tpu.memory_space<vmem>> -> memref<128x128xf32, #tpu.memory_space<vmem>>
        tpu.enqueue_dma source(%dma_start3A_698 : memref<128x128xf32, #tpu.memory_space<vmem>>) target(%dma_start3A_694 : memref<128x128xf32, #tpu.memory_space<hbm>>) target_semaphore(%run_scoped3A_686 : memref<!tpu.dma_semaphore, #tpu.memory_space<semaphore_mem>>)
        %dma_wait3A_699 = arith.constant 0 : i32
        %dma_wait3A_700 = arith.constant 0 : i32
        %dma_wait3A_701 = tpu.memref_slice %arg9[%run_scoped3A_661, %dma_wait3A_699, %dma_wait3A_700] : memref<3x128x128xf32, #tpu.memory_space<vmem>> -> memref<1x128x128xf32, #tpu.memory_space<vmem>>
        %dma_wait3A_702 = tpu.memref_squeeze %dma_wait3A_701 : memref<1x128x128xf32, #tpu.memory_space<vmem>> -> memref<128x128xf32, #tpu.memory_space<vmem>>
        %dma_wait3A_703 = arith.constant 0 : i32
        %dma_wait3A_704 = tpu.memref_slice %arg5[%add3A_660, %dma_wait3A_703] : memref<10112x128xf32, #tpu.memory_space<hbm>> -> memref<128x128xf32, #tpu.memory_space<hbm>>
        %dma_wait3A_705 = arith.constant 0 : i32
        %dma_wait3A_706 = tpu.memref_slice %arg5[%add3A_660, %dma_wait3A_705] : memref<10112x128xf32, #tpu.memory_space<hbm>> -> memref<128x128xf32, #tpu.memory_space<hbm>>
        %dma_wait3A_707 = arith.constant 0 : i32
        %dma_wait3A_708 = arith.constant 0 : i32
        %dma_wait3A_709 = tpu.memref_slice %arg9[%run_scoped3A_661, %dma_wait3A_707, %dma_wait3A_708] : memref<3x128x128xf32, #tpu.memory_space<vmem>> -> memref<1x128x128xf32, #tpu.memory_space<vmem>>
        %dma_wait3A_710 = tpu.memref_squeeze %dma_wait3A_709 : memref<1x128x128xf32, #tpu.memory_space<vmem>> -> memref<128x128xf32, #tpu.memory_space<vmem>>
        tpu.wait_dma2 semaphore(%run_scoped3A_686 : memref<!tpu.dma_semaphore, #tpu.memory_space<semaphore_mem>>) src(%dma_wait3A_710 : memref<128x128xf32, #tpu.memory_space<vmem>>) dst(%dma_wait3A_706 : memref<128x128xf32, #tpu.memory_space<hbm>>)
        tpu.yield
      }) : () -> ()
      %add3A_662 = arith.constant 128 : i32
      %add3A_663 = arith.addi %mul3A_0, %add3A_662 : i32
      %run_scoped3A_664 = arith.constant 0 : i32
      "tpu.region"() ({
        %run_scoped3A_686 = tpu.sem_alloc : memref<!tpu.dma_semaphore, #tpu.memory_space<semaphore_mem>>
        %dma_start3A_687 = arith.constant 0 : i32
        %dma_start3A_688 = arith.constant 0 : i32
        %dma_start3A_689 = tpu.memref_slice %arg9[%run_scoped3A_664, %dma_start3A_687, %dma_start3A_688] : memref<3x128x128xf32, #tpu.memory_space<vmem>> -> memref<1x128x128xf32, #tpu.memory_space<vmem>>
        %dma_start3A_690 = tpu.memref_squeeze %dma_start3A_689 : memref<1x128x128xf32, #tpu.memory_space<vmem>> -> memref<128x128xf32, #tpu.memory_space<vmem>>
        %dma_start3A_691 = arith.constant 0 : i32
        %dma_start3A_692 = tpu.memref_slice %arg10[%add3A_663, %dma_start3A_691] : memref<10112x128xf32, #tpu.memory_space<vmem_shared>> -> memref<128x128xf32, #tpu.memory_space<vmem_shared>>
        %dma_start3A_693 = arith.constant 0 : i32
        %dma_start3A_694 = arith.constant 0 : i32
        %dma_start3A_695 = tpu.memref_slice %arg9[%run_scoped3A_664, %dma_start3A_693, %dma_start3A_694] : memref<3x128x128xf32, #tpu.memory_space<vmem>> -> memref<1x128x128xf32, #tpu.memory_space<vmem>>
        %dma_start3A_696 = tpu.memref_squeeze %dma_start3A_695 : memref<1x128x128xf32, #tpu.memory_space<vmem>> -> memref<128x128xf32, #tpu.memory_space<vmem>>
        %dma_start3A_697 = arith.constant 0 : i32
        %dma_start3A_698 = tpu.memref_slice %arg10[%add3A_663, %dma_start3A_697] : memref<10112x128xf32, #tpu.memory_space<vmem_shared>> -> memref<128x128xf32, #tpu.memory_space<vmem_shared>>
        tpu.enqueue_dma source(%dma_start3A_698 : memref<128x128xf32, #tpu.memory_space<vmem_shared>>) target(%dma_start3A_696 : memref<128x128xf32, #tpu.memory_space<vmem>>) target_semaphore(%run_scoped3A_686 : memref<!tpu.dma_semaphore, #tpu.memory_space<semaphore_mem>>)
        %dma_wait3A_699 = arith.constant 0 : i32
        %dma_wait3A_700 = arith.constant 0 : i32
        %dma_wait3A_701 = tpu.memref_slice %arg9[%run_scoped3A_664, %dma_wait3A_699, %dma_wait3A_700] : memref<3x128x128xf32, #tpu.memory_space<vmem>> -> memref<1x128x128xf32, #tpu.memory_space<vmem>>
        %dma_wait3A_702 = tpu.memref_squeeze %dma_wait3A_701 : memref<1x128x128xf32, #tpu.memory_space<vmem>> -> memref<128x128xf32, #tpu.memory_space<vmem>>
        %dma_wait3A_703 = arith.constant 0 : i32
        %dma_wait3A_704 = tpu.memref_slice %arg10[%add3A_663, %dma_wait3A_703] : memref<10112x128xf32, #tpu.memory_space<vmem_shared>> -> memref<128x128xf32, #tpu.memory_space<vmem_shared>>
        %dma_wait3A_705 = arith.constant 0 : i32
        %dma_wait3A_706 = arith.constant 0 : i32
        %dma_wait3A_707 = tpu.memref_slice %arg9[%run_scoped3A_664, %dma_wait3A_705, %dma_wait3A_706] : memref<3x128x128xf32, #tpu.memory_space<vmem>> -> memref<1x128x128xf32, #tpu.memory_space<vmem>>
        %dma_wait3A_708 = tpu.memref_squeeze %dma_wait3A_707 : memref<1x128x128xf32, #tpu.memory_space<vmem>> -> memref<128x128xf32, #tpu.memory_space<vmem>>
        %dma_wait3A_709 = arith.constant 0 : i32
        %dma_wait3A_710 = tpu.memref_slice %arg10[%add3A_663, %dma_wait3A_709] : memref<10112x128xf32, #tpu.memory_space<vmem_shared>> -> memref<128x128xf32, #tpu.memory_space<vmem_shared>>
        tpu.wait_dma2 semaphore(%run_scoped3A_686 : memref<!tpu.dma_semaphore, #tpu.memory_space<semaphore_mem>>) src(%dma_wait3A_710 : memref<128x128xf32, #tpu.memory_space<vmem_shared>>) dst(%dma_wait3A_708 : memref<128x128xf32, #tpu.memory_space<vmem>>)
        tpu.yield
      }) : () -> ()
      %add3A_665 = arith.constant 128 : i32
      %add3A_666 = arith.addi %mul3A_0, %add3A_665 : i32
      %run_scoped3A_667 = arith.constant 0 : i32
      "tpu.region"() ({
        %run_scoped3A_686 = tpu.sem_alloc : memref<!tpu.dma_semaphore, #tpu.memory_space<semaphore_mem>>
        %dma_start3A_687 = arith.constant 0 : i32
        %dma_start3A_688 = arith.constant 0 : i32
        %dma_start3A_689 = tpu.memref_slice %arg9[%run_scoped3A_667, %dma_start3A_687, %dma_start3A_688] : memref<3x128x128xf32, #tpu.memory_space<vmem>> -> memref<1x128x128xf32, #tpu.memory_space<vmem>>
        %dma_start3A_690 = tpu.memref_squeeze %dma_start3A_689 : memref<1x128x128xf32, #tpu.memory_space<vmem>> -> memref<128x128xf32, #tpu.memory_space<vmem>>
        %dma_start3A_691 = arith.constant 0 : i32
        %dma_start3A_692 = tpu.memref_slice %arg5[%add3A_666, %dma_start3A_691] : memref<10112x128xf32, #tpu.memory_space<hbm>> -> memref<128x128xf32, #tpu.memory_space<hbm>>
        %dma_start3A_693 = arith.constant 0 : i32
        %dma_start3A_694 = tpu.memref_slice %arg5[%add3A_666, %dma_start3A_693] : memref<10112x128xf32, #tpu.memory_space<hbm>> -> memref<128x128xf32, #tpu.memory_space<hbm>>
        %dma_start3A_695 = arith.constant 0 : i32
        %dma_start3A_696 = arith.constant 0 : i32
        %dma_start3A_697 = tpu.memref_slice %arg9[%run_scoped3A_667, %dma_start3A_695, %dma_start3A_696] : memref<3x128x128xf32, #tpu.memory_space<vmem>> -> memref<1x128x128xf32, #tpu.memory_space<vmem>>
        %dma_start3A_698 = tpu.memref_squeeze %dma_start3A_697 : memref<1x128x128xf32, #tpu.memory_space<vmem>> -> memref<128x128xf32, #tpu.memory_space<vmem>>
        tpu.enqueue_dma source(%dma_start3A_698 : memref<128x128xf32, #tpu.memory_space<vmem>>) target(%dma_start3A_694 : memref<128x128xf32, #tpu.memory_space<hbm>>) target_semaphore(%run_scoped3A_686 : memref<!tpu.dma_semaphore, #tpu.memory_space<semaphore_mem>>)
        %dma_wait3A_699 = arith.constant 0 : i32
        %dma_wait3A_700 = arith.constant 0 : i32
        %dma_wait3A_701 = tpu.memref_slice %arg9[%run_scoped3A_667, %dma_wait3A_699, %dma_wait3A_700] : memref<3x128x128xf32, #tpu.memory_space<vmem>> -> memref<1x128x128xf32, #tpu.memory_space<vmem>>
        %dma_wait3A_702 = tpu.memref_squeeze %dma_wait3A_701 : memref<1x128x128xf32, #tpu.memory_space<vmem>> -> memref<128x128xf32, #tpu.memory_space<vmem>>
        %dma_wait3A_703 = arith.constant 0 : i32
        %dma_wait3A_704 = tpu.memref_slice %arg5[%add3A_666, %dma_wait3A_703] : memref<10112x128xf32, #tpu.memory_space<hbm>> -> memref<128x128xf32, #tpu.memory_space<hbm>>
        %dma_wait3A_705 = arith.constant 0 : i32
        %dma_wait3A_706 = tpu.memref_slice %arg5[%add3A_666, %dma_wait3A_705] : memref<10112x128xf32, #tpu.memory_space<hbm>> -> memref<128x128xf32, #tpu.memory_space<hbm>>
        %dma_wait3A_707 = arith.constant 0 : i32
        %dma_wait3A_708 = arith.constant 0 : i32
        %dma_wait3A_709 = tpu.memref_slice %arg9[%run_scoped3A_667, %dma_wait3A_707, %dma_wait3A_708] : memref<3x128x128xf32, #tpu.memory_space<vmem>> -> memref<1x128x128xf32, #tpu.memory_space<vmem>>
        %dma_wait3A_710 = tpu.memref_squeeze %dma_wait3A_709 : memref<1x128x128xf32, #tpu.memory_space<vmem>> -> memref<128x128xf32, #tpu.memory_space<vmem>>
        tpu.wait_dma2 semaphore(%run_scoped3A_686 : memref<!tpu.dma_semaphore, #tpu.memory_space<semaphore_mem>>) src(%dma_wait3A_710 : memref<128x128xf32, #tpu.memory_space<vmem>>) dst(%dma_wait3A_706 : memref<128x128xf32, #tpu.memory_space<hbm>>)
        tpu.yield
      }) : () -> ()
      %add3A_668 = arith.constant 256 : i32
      %add3A_669 = arith.addi %mul3A_0, %add3A_668 : i32
      %run_scoped3A_670 = arith.constant 0 : i32
      "tpu.region"() ({
        %run_scoped3A_686 = tpu.sem_alloc : memref<!tpu.dma_semaphore, #tpu.memory_space<semaphore_mem>>
        %dma_start3A_687 = arith.constant 0 : i32
        %dma_start3A_688 = arith.constant 0 : i32
        %dma_start3A_689 = tpu.memref_slice %arg9[%run_scoped3A_670, %dma_start3A_687, %dma_start3A_688] : memref<3x128x128xf32, #tpu.memory_space<vmem>> -> memref<1x128x128xf32, #tpu.memory_space<vmem>>
        %dma_start3A_690 = tpu.memref_squeeze %dma_start3A_689 : memref<1x128x128xf32, #tpu.memory_space<vmem>> -> memref<128x128xf32, #tpu.memory_space<vmem>>
        %dma_start3A_691 = arith.constant 0 : i32
        %dma_start3A_692 = tpu.memref_slice %arg10[%add3A_669, %dma_start3A_691] : memref<10112x128xf32, #tpu.memory_space<vmem_shared>> -> memref<128x128xf32, #tpu.memory_space<vmem_shared>>
        %dma_start3A_693 = arith.constant 0 : i32
        %dma_start3A_694 = arith.constant 0 : i32
        %dma_start3A_695 = tpu.memref_slice %arg9[%run_scoped3A_670, %dma_start3A_693, %dma_start3A_694] : memref<3x128x128xf32, #tpu.memory_space<vmem>> -> memref<1x128x128xf32, #tpu.memory_space<vmem>>
        %dma_start3A_696 = tpu.memref_squeeze %dma_start3A_695 : memref<1x128x128xf32, #tpu.memory_space<vmem>> -> memref<128x128xf32, #tpu.memory_space<vmem>>
        %dma_start3A_697 = arith.constant 0 : i32
        %dma_start3A_698 = tpu.memref_slice %arg10[%add3A_669, %dma_start3A_697] : memref<10112x128xf32, #tpu.memory_space<vmem_shared>> -> memref<128x128xf32, #tpu.memory_space<vmem_shared>>
        tpu.enqueue_dma source(%dma_start3A_698 : memref<128x128xf32, #tpu.memory_space<vmem_shared>>) target(%dma_start3A_696 : memref<128x128xf32, #tpu.memory_space<vmem>>) target_semaphore(%run_scoped3A_686 : memref<!tpu.dma_semaphore, #tpu.memory_space<semaphore_mem>>)
        %dma_wait3A_699 = arith.constant 0 : i32
        %dma_wait3A_700 = arith.constant 0 : i32
        %dma_wait3A_701 = tpu.memref_slice %arg9[%run_scoped3A_670, %dma_wait3A_699, %dma_wait3A_700] : memref<3x128x128xf32, #tpu.memory_space<vmem>> -> memref<1x128x128xf32, #tpu.memory_space<vmem>>
        %dma_wait3A_702 = tpu.memref_squeeze %dma_wait3A_701 : memref<1x128x128xf32, #tpu.memory_space<vmem>> -> memref<128x128xf32, #tpu.memory_space<vmem>>
        %dma_wait3A_703 = arith.constant 0 : i32
        %dma_wait3A_704 = tpu.memref_slice %arg10[%add3A_669, %dma_wait3A_703] : memref<10112x128xf32, #tpu.memory_space<vmem_shared>> -> memref<128x128xf32, #tpu.memory_space<vmem_shared>>
        %dma_wait3A_705 = arith.constant 0 : i32
        %dma_wait3A_706 = arith.constant 0 : i32
        %dma_wait3A_707 = tpu.memref_slice %arg9[%run_scoped3A_670, %dma_wait3A_705, %dma_wait3A_706] : memref<3x128x128xf32, #tpu.memory_space<vmem>> -> memref<1x128x128xf32, #tpu.memory_space<vmem>>
        %dma_wait3A_708 = tpu.memref_squeeze %dma_wait3A_707 : memref<1x128x128xf32, #tpu.memory_space<vmem>> -> memref<128x128xf32, #tpu.memory_space<vmem>>
        %dma_wait3A_709 = arith.constant 0 : i32
        %dma_wait3A_710 = tpu.memref_slice %arg10[%add3A_669, %dma_wait3A_709] : memref<10112x128xf32, #tpu.memory_space<vmem_shared>> -> memref<128x128xf32, #tpu.memory_space<vmem_shared>>
        tpu.wait_dma2 semaphore(%run_scoped3A_686 : memref<!tpu.dma_semaphore, #tpu.memory_space<semaphore_mem>>) src(%dma_wait3A_710 : memref<128x128xf32, #tpu.memory_space<vmem_shared>>) dst(%dma_wait3A_708 : memref<128x128xf32, #tpu.memory_space<vmem>>)
        tpu.yield
      }) : () -> ()
      %add3A_671 = arith.constant 256 : i32
      %add3A_672 = arith.addi %mul3A_0, %add3A_671 : i32
      %run_scoped3A_673 = arith.constant 0 : i32
      "tpu.region"() ({
        %run_scoped3A_686 = tpu.sem_alloc : memref<!tpu.dma_semaphore, #tpu.memory_space<semaphore_mem>>
        %dma_start3A_687 = arith.constant 0 : i32
        %dma_start3A_688 = arith.constant 0 : i32
        %dma_start3A_689 = tpu.memref_slice %arg9[%run_scoped3A_673, %dma_start3A_687, %dma_start3A_688] : memref<3x128x128xf32, #tpu.memory_space<vmem>> -> memref<1x128x128xf32, #tpu.memory_space<vmem>>
        %dma_start3A_690 = tpu.memref_squeeze %dma_start3A_689 : memref<1x128x128xf32, #tpu.memory_space<vmem>> -> memref<128x128xf32, #tpu.memory_space<vmem>>
        %dma_start3A_691 = arith.constant 0 : i32
        %dma_start3A_692 = tpu.memref_slice %arg5[%add3A_672, %dma_start3A_691] : memref<10112x128xf32, #tpu.memory_space<hbm>> -> memref<128x128xf32, #tpu.memory_space<hbm>>
        %dma_start3A_693 = arith.constant 0 : i32
        %dma_start3A_694 = tpu.memref_slice %arg5[%add3A_672, %dma_start3A_693] : memref<10112x128xf32, #tpu.memory_space<hbm>> -> memref<128x128xf32, #tpu.memory_space<hbm>>
        %dma_start3A_695 = arith.constant 0 : i32
        %dma_start3A_696 = arith.constant 0 : i32
        %dma_start3A_697 = tpu.memref_slice %arg9[%run_scoped3A_673, %dma_start3A_695, %dma_start3A_696] : memref<3x128x128xf32, #tpu.memory_space<vmem>> -> memref<1x128x128xf32, #tpu.memory_space<vmem>>
        %dma_start3A_698 = tpu.memref_squeeze %dma_start3A_697 : memref<1x128x128xf32, #tpu.memory_space<vmem>> -> memref<128x128xf32, #tpu.memory_space<vmem>>
        tpu.enqueue_dma source(%dma_start3A_698 : memref<128x128xf32, #tpu.memory_space<vmem>>) target(%dma_start3A_694 : memref<128x128xf32, #tpu.memory_space<hbm>>) target_semaphore(%run_scoped3A_686 : memref<!tpu.dma_semaphore, #tpu.memory_space<semaphore_mem>>)
        %dma_wait3A_699 = arith.constant 0 : i32
        %dma_wait3A_700 = arith.constant 0 : i32
        %dma_wait3A_701 = tpu.memref_slice %arg9[%run_scoped3A_673, %dma_wait3A_699, %dma_wait3A_700] : memref<3x128x128xf32, #tpu.memory_space<vmem>> -> memref<1x128x128xf32, #tpu.memory_space<vmem>>
        %dma_wait3A_702 = tpu.memref_squeeze %dma_wait3A_701 : memref<1x128x128xf32, #tpu.memory_space<vmem>> -> memref<128x128xf32, #tpu.memory_space<vmem>>
        %dma_wait3A_703 = arith.constant 0 : i32
        %dma_wait3A_704 = tpu.memref_slice %arg5[%add3A_672, %dma_wait3A_703] : memref<10112x128xf32, #tpu.memory_space<hbm>> -> memref<128x128xf32, #tpu.memory_space<hbm>>
        %dma_wait3A_705 = arith.constant 0 : i32
        %dma_wait3A_706 = tpu.memref_slice %arg5[%add3A_672, %dma_wait3A_705] : memref<10112x128xf32, #tpu.memory_space<hbm>> -> memref<128x128xf32, #tpu.memory_space<hbm>>
        %dma_wait3A_707 = arith.constant 0 : i32
        %dma_wait3A_708 = arith.constant 0 : i32
        %dma_wait3A_709 = tpu.memref_slice %arg9[%run_scoped3A_673, %dma_wait3A_707, %dma_wait3A_708] : memref<3x128x128xf32, #tpu.memory_space<vmem>> -> memref<1x128x128xf32, #tpu.memory_space<vmem>>
        %dma_wait3A_710 = tpu.memref_squeeze %dma_wait3A_709 : memref<1x128x128xf32, #tpu.memory_space<vmem>> -> memref<128x128xf32, #tpu.memory_space<vmem>>
        tpu.wait_dma2 semaphore(%run_scoped3A_686 : memref<!tpu.dma_semaphore, #tpu.memory_space<semaphore_mem>>) src(%dma_wait3A_710 : memref<128x128xf32, #tpu.memory_space<vmem>>) dst(%dma_wait3A_706 : memref<128x128xf32, #tpu.memory_space<hbm>>)
        tpu.yield
      }) : () -> ()
      %add3A_674 = arith.constant 384 : i32
      %add3A_675 = arith.addi %mul3A_0, %add3A_674 : i32
      %run_scoped3A_676 = arith.constant 0 : i32
      "tpu.region"() ({
        %run_scoped3A_686 = tpu.sem_alloc : memref<!tpu.dma_semaphore, #tpu.memory_space<semaphore_mem>>
        %dma_start3A_687 = arith.constant 0 : i32
        %dma_start3A_688 = arith.constant 0 : i32
        %dma_start3A_689 = tpu.memref_slice %arg9[%run_scoped3A_676, %dma_start3A_687, %dma_start3A_688] : memref<3x128x128xf32, #tpu.memory_space<vmem>> -> memref<1x128x128xf32, #tpu.memory_space<vmem>>
        %dma_start3A_690 = tpu.memref_squeeze %dma_start3A_689 : memref<1x128x128xf32, #tpu.memory_space<vmem>> -> memref<128x128xf32, #tpu.memory_space<vmem>>
        %dma_start3A_691 = arith.constant 0 : i32
        %dma_start3A_692 = tpu.memref_slice %arg10[%add3A_675, %dma_start3A_691] : memref<10112x128xf32, #tpu.memory_space<vmem_shared>> -> memref<128x128xf32, #tpu.memory_space<vmem_shared>>
        %dma_start3A_693 = arith.constant 0 : i32
        %dma_start3A_694 = arith.constant 0 : i32
        %dma_start3A_695 = tpu.memref_slice %arg9[%run_scoped3A_676, %dma_start3A_693, %dma_start3A_694] : memref<3x128x128xf32, #tpu.memory_space<vmem>> -> memref<1x128x128xf32, #tpu.memory_space<vmem>>
        %dma_start3A_696 = tpu.memref_squeeze %dma_start3A_695 : memref<1x128x128xf32, #tpu.memory_space<vmem>> -> memref<128x128xf32, #tpu.memory_space<vmem>>
        %dma_start3A_697 = arith.constant 0 : i32
        %dma_start3A_698 = tpu.memref_slice %arg10[%add3A_675, %dma_start3A_697] : memref<10112x128xf32, #tpu.memory_space<vmem_shared>> -> memref<128x128xf32, #tpu.memory_space<vmem_shared>>
        tpu.enqueue_dma source(%dma_start3A_698 : memref<128x128xf32, #tpu.memory_space<vmem_shared>>) target(%dma_start3A_696 : memref<128x128xf32, #tpu.memory_space<vmem>>) target_semaphore(%run_scoped3A_686 : memref<!tpu.dma_semaphore, #tpu.memory_space<semaphore_mem>>)
        %dma_wait3A_699 = arith.constant 0 : i32
        %dma_wait3A_700 = arith.constant 0 : i32
        %dma_wait3A_701 = tpu.memref_slice %arg9[%run_scoped3A_676, %dma_wait3A_699, %dma_wait3A_700] : memref<3x128x128xf32, #tpu.memory_space<vmem>> -> memref<1x128x128xf32, #tpu.memory_space<vmem>>
        %dma_wait3A_702 = tpu.memref_squeeze %dma_wait3A_701 : memref<1x128x128xf32, #tpu.memory_space<vmem>> -> memref<128x128xf32, #tpu.memory_space<vmem>>
        %dma_wait3A_703 = arith.constant 0 : i32
        %dma_wait3A_704 = tpu.memref_slice %arg10[%add3A_675, %dma_wait3A_703] : memref<10112x128xf32, #tpu.memory_space<vmem_shared>> -> memref<128x128xf32, #tpu.memory_space<vmem_shared>>
        %dma_wait3A_705 = arith.constant 0 : i32
        %dma_wait3A_706 = arith.constant 0 : i32
        %dma_wait3A_707 = tpu.memref_slice %arg9[%run_scoped3A_676, %dma_wait3A_705, %dma_wait3A_706] : memref<3x128x128xf32, #tpu.memory_space<vmem>> -> memref<1x128x128xf32, #tpu.memory_space<vmem>>
        %dma_wait3A_708 = tpu.memref_squeeze %dma_wait3A_707 : memref<1x128x128xf32, #tpu.memory_space<vmem>> -> memref<128x128xf32, #tpu.memory_space<vmem>>
        %dma_wait3A_709 = arith.constant 0 : i32
        %dma_wait3A_710 = tpu.memref_slice %arg10[%add3A_675, %dma_wait3A_709] : memref<10112x128xf32, #tpu.memory_space<vmem_shared>> -> memref<128x128xf32, #tpu.memory_space<vmem_shared>>
        tpu.wait_dma2 semaphore(%run_scoped3A_686 : memref<!tpu.dma_semaphore, #tpu.memory_space<semaphore_mem>>) src(%dma_wait3A_710 : memref<128x128xf32, #tpu.memory_space<vmem_shared>>) dst(%dma_wait3A_708 : memref<128x128xf32, #tpu.memory_space<vmem>>)
        tpu.yield
      }) : () -> ()
      %add3A_677 = arith.constant 384 : i32
      %add3A_678 = arith.addi %mul3A_0, %add3A_677 : i32
      %run_scoped3A_679 = arith.constant 0 : i32
      "tpu.region"() ({
        %run_scoped3A_686 = tpu.sem_alloc : memref<!tpu.dma_semaphore, #tpu.memory_space<semaphore_mem>>
        %dma_start3A_687 = arith.constant 0 : i32
        %dma_start3A_688 = arith.constant 0 : i32
        %dma_start3A_689 = tpu.memref_slice %arg9[%run_scoped3A_679, %dma_start3A_687, %dma_start3A_688] : memref<3x128x128xf32, #tpu.memory_space<vmem>> -> memref<1x128x128xf32, #tpu.memory_space<vmem>>
        %dma_start3A_690 = tpu.memref_squeeze %dma_start3A_689 : memref<1x128x128xf32, #tpu.memory_space<vmem>> -> memref<128x128xf32, #tpu.memory_space<vmem>>
        %dma_start3A_691 = arith.constant 0 : i32
        %dma_start3A_692 = tpu.memref_slice %arg5[%add3A_678, %dma_start3A_691] : memref<10112x128xf32, #tpu.memory_space<hbm>> -> memref<128x128xf32, #tpu.memory_space<hbm>>
        %dma_start3A_693 = arith.constant 0 : i32
        %dma_start3A_694 = tpu.memref_slice %arg5[%add3A_678, %dma_start3A_693] : memref<10112x128xf32, #tpu.memory_space<hbm>> -> memref<128x128xf32, #tpu.memory_space<hbm>>
        %dma_start3A_695 = arith.constant 0 : i32
        %dma_start3A_696 = arith.constant 0 : i32
        %dma_start3A_697 = tpu.memref_slice %arg9[%run_scoped3A_679, %dma_start3A_695, %dma_start3A_696] : memref<3x128x128xf32, #tpu.memory_space<vmem>> -> memref<1x128x128xf32, #tpu.memory_space<vmem>>
        %dma_start3A_698 = tpu.memref_squeeze %dma_start3A_697 : memref<1x128x128xf32, #tpu.memory_space<vmem>> -> memref<128x128xf32, #tpu.memory_space<vmem>>
        tpu.enqueue_dma source(%dma_start3A_698 : memref<128x128xf32, #tpu.memory_space<vmem>>) target(%dma_start3A_694 : memref<128x128xf32, #tpu.memory_space<hbm>>) target_semaphore(%run_scoped3A_686 : memref<!tpu.dma_semaphore, #tpu.memory_space<semaphore_mem>>)
        %dma_wait3A_699 = arith.constant 0 : i32
        %dma_wait3A_700 = arith.constant 0 : i32
        %dma_wait3A_701 = tpu.memref_slice %arg9[%run_scoped3A_679, %dma_wait3A_699, %dma_wait3A_700] : memref<3x128x128xf32, #tpu.memory_space<vmem>> -> memref<1x128x128xf32, #tpu.memory_space<vmem>>
        %dma_wait3A_702 = tpu.memref_squeeze %dma_wait3A_701 : memref<1x128x128xf32, #tpu.memory_space<vmem>> -> memref<128x128xf32, #tpu.memory_space<vmem>>
        %dma_wait3A_703 = arith.constant 0 : i32
        %dma_wait3A_704 = tpu.memref_slice %arg5[%add3A_678, %dma_wait3A_703] : memref<10112x128xf32, #tpu.memory_space<hbm>> -> memref<128x128xf32, #tpu.memory_space<hbm>>
        %dma_wait3A_705 = arith.constant 0 : i32
        %dma_wait3A_706 = tpu.memref_slice %arg5[%add3A_678, %dma_wait3A_705] : memref<10112x128xf32, #tpu.memory_space<hbm>> -> memref<128x128xf32, #tpu.memory_space<hbm>>
        %dma_wait3A_707 = arith.constant 0 : i32
        %dma_wait3A_708 = arith.constant 0 : i32
        %dma_wait3A_709 = tpu.memref_slice %arg9[%run_scoped3A_679, %dma_wait3A_707, %dma_wait3A_708] : memref<3x128x128xf32, #tpu.memory_space<vmem>> -> memref<1x128x128xf32, #tpu.memory_space<vmem>>
        %dma_wait3A_710 = tpu.memref_squeeze %dma_wait3A_709 : memref<1x128x128xf32, #tpu.memory_space<vmem>> -> memref<128x128xf32, #tpu.memory_space<vmem>>
        tpu.wait_dma2 semaphore(%run_scoped3A_686 : memref<!tpu.dma_semaphore, #tpu.memory_space<semaphore_mem>>) src(%dma_wait3A_710 : memref<128x128xf32, #tpu.memory_space<vmem>>) dst(%dma_wait3A_706 : memref<128x128xf32, #tpu.memory_space<hbm>>)
        tpu.yield
      }) : () -> ()
      %add3A_680 = arith.constant 512 : i32
      %add3A_681 = arith.addi %mul3A_0, %add3A_680 : i32
      %run_scoped3A_682 = arith.constant 0 : i32
      "tpu.region"() ({
        %run_scoped3A_686 = tpu.sem_alloc : memref<!tpu.dma_semaphore, #tpu.memory_space<semaphore_mem>>
        %dma_start3A_687 = arith.constant 0 : i32
        %dma_start3A_688 = arith.constant 0 : i32
        %dma_start3A_689 = tpu.memref_slice %arg9[%run_scoped3A_682, %dma_start3A_687, %dma_start3A_688] : memref<3x128x128xf32, #tpu.memory_space<vmem>> -> memref<1x120x128xf32, #tpu.memory_space<vmem>>
        %dma_start3A_690 = tpu.memref_squeeze %dma_start3A_689 : memref<1x120x128xf32, #tpu.memory_space<vmem>> -> memref<120x128xf32, #tpu.memory_space<vmem>>
        %dma_start3A_691 = arith.constant 0 : i32
        %dma_start3A_692 = tpu.memref_slice %arg10[%add3A_681, %dma_start3A_691] : memref<10112x128xf32, #tpu.memory_space<vmem_shared>> -> memref<120x128xf32, #tpu.memory_space<vmem_shared>>
        %dma_start3A_693 = arith.constant 0 : i32
        %dma_start3A_694 = arith.constant 0 : i32
        %dma_start3A_695 = tpu.memref_slice %arg9[%run_scoped3A_682, %dma_start3A_693, %dma_start3A_694] : memref<3x128x128xf32, #tpu.memory_space<vmem>> -> memref<1x120x128xf32, #tpu.memory_space<vmem>>
        %dma_start3A_696 = tpu.memref_squeeze %dma_start3A_695 : memref<1x120x128xf32, #tpu.memory_space<vmem>> -> memref<120x128xf32, #tpu.memory_space<vmem>>
        %dma_start3A_697 = arith.constant 0 : i32
        %dma_start3A_698 = tpu.memref_slice %arg10[%add3A_681, %dma_start3A_697] : memref<10112x128xf32, #tpu.memory_space<vmem_shared>> -> memref<120x128xf32, #tpu.memory_space<vmem_shared>>
        tpu.enqueue_dma source(%dma_start3A_698 : memref<120x128xf32, #tpu.memory_space<vmem_shared>>) target(%dma_start3A_696 : memref<120x128xf32, #tpu.memory_space<vmem>>) target_semaphore(%run_scoped3A_686 : memref<!tpu.dma_semaphore, #tpu.memory_space<semaphore_mem>>)
        %dma_wait3A_699 = arith.constant 0 : i32
        %dma_wait3A_700 = arith.constant 0 : i32
        %dma_wait3A_701 = tpu.memref_slice %arg9[%run_scoped3A_682, %dma_wait3A_699, %dma_wait3A_700] : memref<3x128x128xf32, #tpu.memory_space<vmem>> -> memref<1x120x128xf32, #tpu.memory_space<vmem>>
        %dma_wait3A_702 = tpu.memref_squeeze %dma_wait3A_701 : memref<1x120x128xf32, #tpu.memory_space<vmem>> -> memref<120x128xf32, #tpu.memory_space<vmem>>
        %dma_wait3A_703 = arith.constant 0 : i32
        %dma_wait3A_704 = tpu.memref_slice %arg10[%add3A_681, %dma_wait3A_703] : memref<10112x128xf32, #tpu.memory_space<vmem_shared>> -> memref<120x128xf32, #tpu.memory_space<vmem_shared>>
        %dma_wait3A_705 = arith.constant 0 : i32
        %dma_wait3A_706 = arith.constant 0 : i32
        %dma_wait3A_707 = tpu.memref_slice %arg9[%run_scoped3A_682, %dma_wait3A_705, %dma_wait3A_706] : memref<3x128x128xf32, #tpu.memory_space<vmem>> -> memref<1x120x128xf32, #tpu.memory_space<vmem>>
        %dma_wait3A_708 = tpu.memref_squeeze %dma_wait3A_707 : memref<1x120x128xf32, #tpu.memory_space<vmem>> -> memref<120x128xf32, #tpu.memory_space<vmem>>
        %dma_wait3A_709 = arith.constant 0 : i32
        %dma_wait3A_710 = tpu.memref_slice %arg10[%add3A_681, %dma_wait3A_709] : memref<10112x128xf32, #tpu.memory_space<vmem_shared>> -> memref<120x128xf32, #tpu.memory_space<vmem_shared>>
        tpu.wait_dma2 semaphore(%run_scoped3A_686 : memref<!tpu.dma_semaphore, #tpu.memory_space<semaphore_mem>>) src(%dma_wait3A_710 : memref<120x128xf32, #tpu.memory_space<vmem_shared>>) dst(%dma_wait3A_708 : memref<120x128xf32, #tpu.memory_space<vmem>>)
        tpu.yield
      }) : () -> ()
      %add3A_683 = arith.constant 512 : i32
      %add3A_684 = arith.addi %mul3A_0, %add3A_683 : i32
      %run_scoped3A_685 = arith.constant 0 : i32
      "tpu.region"() ({
        %run_scoped3A_686 = tpu.sem_alloc : memref<!tpu.dma_semaphore, #tpu.memory_space<semaphore_mem>>
        %dma_start3A_687 = arith.constant 0 : i32
        %dma_start3A_688 = arith.constant 0 : i32
        %dma_start3A_689 = tpu.memref_slice %arg9[%run_scoped3A_685, %dma_start3A_687, %dma_start3A_688] : memref<3x128x128xf32, #tpu.memory_space<vmem>> -> memref<1x120x128xf32, #tpu.memory_space<vmem>>
        %dma_start3A_690 = tpu.memref_squeeze %dma_start3A_689 : memref<1x120x128xf32, #tpu.memory_space<vmem>> -> memref<120x128xf32, #tpu.memory_space<vmem>>
        %dma_start3A_691 = arith.constant 0 : i32
        %dma_start3A_692 = tpu.memref_slice %arg5[%add3A_684, %dma_start3A_691] : memref<10112x128xf32, #tpu.memory_space<hbm>> -> memref<120x128xf32, #tpu.memory_space<hbm>>
        %dma_start3A_693 = arith.constant 0 : i32
        %dma_start3A_694 = tpu.memref_slice %arg5[%add3A_684, %dma_start3A_693] : memref<10112x128xf32, #tpu.memory_space<hbm>> -> memref<120x128xf32, #tpu.memory_space<hbm>>
        %dma_start3A_695 = arith.constant 0 : i32
        %dma_start3A_696 = arith.constant 0 : i32
        %dma_start3A_697 = tpu.memref_slice %arg9[%run_scoped3A_685, %dma_start3A_695, %dma_start3A_696] : memref<3x128x128xf32, #tpu.memory_space<vmem>> -> memref<1x120x128xf32, #tpu.memory_space<vmem>>
        %dma_start3A_698 = tpu.memref_squeeze %dma_start3A_697 : memref<1x120x128xf32, #tpu.memory_space<vmem>> -> memref<120x128xf32, #tpu.memory_space<vmem>>
        tpu.enqueue_dma source(%dma_start3A_698 : memref<120x128xf32, #tpu.memory_space<vmem>>) target(%dma_start3A_694 : memref<120x128xf32, #tpu.memory_space<hbm>>) target_semaphore(%run_scoped3A_686 : memref<!tpu.dma_semaphore, #tpu.memory_space<semaphore_mem>>)
        %dma_wait3A_699 = arith.constant 0 : i32
        %dma_wait3A_700 = arith.constant 0 : i32
        %dma_wait3A_701 = tpu.memref_slice %arg9[%run_scoped3A_685, %dma_wait3A_699, %dma_wait3A_700] : memref<3x128x128xf32, #tpu.memory_space<vmem>> -> memref<1x120x128xf32, #tpu.memory_space<vmem>>
        %dma_wait3A_702 = tpu.memref_squeeze %dma_wait3A_701 : memref<1x120x128xf32, #tpu.memory_space<vmem>> -> memref<120x128xf32, #tpu.memory_space<vmem>>
        %dma_wait3A_703 = arith.constant 0 : i32
        %dma_wait3A_704 = tpu.memref_slice %arg5[%add3A_684, %dma_wait3A_703] : memref<10112x128xf32, #tpu.memory_space<hbm>> -> memref<120x128xf32, #tpu.memory_space<hbm>>
        %dma_wait3A_705 = arith.constant 0 : i32
        %dma_wait3A_706 = tpu.memref_slice %arg5[%add3A_684, %dma_wait3A_705] : memref<10112x128xf32, #tpu.memory_space<hbm>> -> memref<120x128xf32, #tpu.memory_space<hbm>>
        %dma_wait3A_707 = arith.constant 0 : i32
        %dma_wait3A_708 = arith.constant 0 : i32
        %dma_wait3A_709 = tpu.memref_slice %arg9[%run_scoped3A_685, %dma_wait3A_707, %dma_wait3A_708] : memref<3x128x128xf32, #tpu.memory_space<vmem>> -> memref<1x120x128xf32, #tpu.memory_space<vmem>>
        %dma_wait3A_710 = tpu.memref_squeeze %dma_wait3A_709 : memref<1x120x128xf32, #tpu.memory_space<vmem>> -> memref<120x128xf32, #tpu.memory_space<vmem>>
        tpu.wait_dma2 semaphore(%run_scoped3A_686 : memref<!tpu.dma_semaphore, #tpu.memory_space<semaphore_mem>>) src(%dma_wait3A_710 : memref<120x128xf32, #tpu.memory_space<vmem>>) dst(%dma_wait3A_706 : memref<120x128xf32, #tpu.memory_space<hbm>>)
        tpu.yield
      }) : () -> ()
    } else {
    }
    %eq3A_652 = arith.constant 1 : i32
    %eq3A_653 = arith.cmpi eq, %arg0, %eq3A_652 : i32
    %convert_element_type3A_654 = arith.extui %eq3A_653 : i1 to i32
    %cond3A_655 = arith.constant 0 : i32
    %cond3A_656 = arith.cmpi ne, %convert_element_type3A_654, %cond3A_655 : i32
    scf.if %cond3A_656 {
      %add3A_657 = arith.constant 0 : i32
      %add3A_658 = arith.addi %mul3A_0, %add3A_657 : i32
      %run_scoped3A = arith.constant 0 : i32
      "tpu.region"() ({
        %run_scoped3A_686 = tpu.sem_alloc : memref<!tpu.dma_semaphore, #tpu.memory_space<semaphore_mem>>
        %dma_start3A_687 = arith.constant 0 : i32
        %dma_start3A_688 = arith.constant 0 : i32
        %dma_start3A_689 = tpu.memref_slice %arg9[%run_scoped3A, %dma_start3A_687, %dma_start3A_688] : memref<3x128x128xf32, #tpu.memory_space<vmem>> -> memref<1x128x128xf32, #tpu.memory_space<vmem>>
        %dma_start3A_690 = tpu.memref_squeeze %dma_start3A_689 : memref<1x128x128xf32, #tpu.memory_space<vmem>> -> memref<128x128xf32, #tpu.memory_space<vmem>>
        %dma_start3A_691 = arith.constant 0 : i32
        %dma_start3A_692 = tpu.memref_slice %arg10[%add3A_658, %dma_start3A_691] : memref<10112x128xf32, #tpu.memory_space<vmem_shared>> -> memref<128x128xf32, #tpu.memory_space<vmem_shared>>
        %dma_start3A_693 = arith.constant 0 : i32
        %dma_start3A_694 = arith.constant 0 : i32
        %dma_start3A_695 = tpu.memref_slice %arg9[%run_scoped3A, %dma_start3A_693, %dma_start3A_694] : memref<3x128x128xf32, #tpu.memory_space<vmem>> -> memref<1x128x128xf32, #tpu.memory_space<vmem>>
        %dma_start3A_696 = tpu.memref_squeeze %dma_start3A_695 : memref<1x128x128xf32, #tpu.memory_space<vmem>> -> memref<128x128xf32, #tpu.memory_space<vmem>>
        %dma_start3A_697 = arith.constant 0 : i32
        %dma_start3A_698 = tpu.memref_slice %arg10[%add3A_658, %dma_start3A_697] : memref<10112x128xf32, #tpu.memory_space<vmem_shared>> -> memref<128x128xf32, #tpu.memory_space<vmem_shared>>
        tpu.enqueue_dma source(%dma_start3A_698 : memref<128x128xf32, #tpu.memory_space<vmem_shared>>) target(%dma_start3A_696 : memref<128x128xf32, #tpu.memory_space<vmem>>) target_semaphore(%run_scoped3A_686 : memref<!tpu.dma_semaphore, #tpu.memory_space<semaphore_mem>>)
        %dma_wait3A_699 = arith.constant 0 : i32
        %dma_wait3A_700 = arith.constant 0 : i32
        %dma_wait3A_701 = tpu.memref_slice %arg9[%run_scoped3A, %dma_wait3A_699, %dma_wait3A_700] : memref<3x128x128xf32, #tpu.memory_space<vmem>> -> memref<1x128x128xf32, #tpu.memory_space<vmem>>
        %dma_wait3A_702 = tpu.memref_squeeze %dma_wait3A_701 : memref<1x128x128xf32, #tpu.memory_space<vmem>> -> memref<128x128xf32, #tpu.memory_space<vmem>>
        %dma_wait3A_703 = arith.constant 0 : i32
        %dma_wait3A_704 = tpu.memref_slice %arg10[%add3A_658, %dma_wait3A_703] : memref<10112x128xf32, #tpu.memory_space<vmem_shared>> -> memref<128x128xf32, #tpu.memory_space<vmem_shared>>
        %dma_wait3A_705 = arith.constant 0 : i32
        %dma_wait3A_706 = arith.constant 0 : i32
        %dma_wait3A_707 = tpu.memref_slice %arg9[%run_scoped3A, %dma_wait3A_705, %dma_wait3A_706] : memref<3x128x128xf32, #tpu.memory_space<vmem>> -> memref<1x128x128xf32, #tpu.memory_space<vmem>>
        %dma_wait3A_708 = tpu.memref_squeeze %dma_wait3A_707 : memref<1x128x128xf32, #tpu.memory_space<vmem>> -> memref<128x128xf32, #tpu.memory_space<vmem>>
        %dma_wait3A_709 = arith.constant 0 : i32
        %dma_wait3A_710 = tpu.memref_slice %arg10[%add3A_658, %dma_wait3A_709] : memref<10112x128xf32, #tpu.memory_space<vmem_shared>> -> memref<128x128xf32, #tpu.memory_space<vmem_shared>>
        tpu.wait_dma2 semaphore(%run_scoped3A_686 : memref<!tpu.dma_semaphore, #tpu.memory_space<semaphore_mem>>) src(%dma_wait3A_710 : memref<128x128xf32, #tpu.memory_space<vmem_shared>>) dst(%dma_wait3A_708 : memref<128x128xf32, #tpu.memory_space<vmem>>)
        tpu.yield
      }) : () -> ()
      %add3A_659 = arith.constant 0 : i32
      %add3A_660 = arith.addi %mul3A_0, %add3A_659 : i32
      %run_scoped3A_661 = arith.constant 0 : i32
      "tpu.region"() ({
        %run_scoped3A_686 = tpu.sem_alloc : memref<!tpu.dma_semaphore, #tpu.memory_space<semaphore_mem>>
        %dma_start3A_687 = arith.constant 0 : i32
        %dma_start3A_688 = arith.constant 0 : i32
        %dma_start3A_689 = tpu.memref_slice %arg9[%run_scoped3A_661, %dma_start3A_687, %dma_start3A_688] : memref<3x128x128xf32, #tpu.memory_space<vmem>> -> memref<1x128x128xf32, #tpu.memory_space<vmem>>
        %dma_start3A_690 = tpu.memref_squeeze %dma_start3A_689 : memref<1x128x128xf32, #tpu.memory_space<vmem>> -> memref<128x128xf32, #tpu.memory_space<vmem>>
        %dma_start3A_691 = arith.constant 0 : i32
        %dma_start3A_692 = tpu.memref_slice %arg6[%add3A_660, %dma_start3A_691] : memref<10112x128xf32, #tpu.memory_space<hbm>> -> memref<128x128xf32, #tpu.memory_space<hbm>>
        %dma_start3A_693 = arith.constant 0 : i32
        %dma_start3A_694 = tpu.memref_slice %arg6[%add3A_660, %dma_start3A_693] : memref<10112x128xf32, #tpu.memory_space<hbm>> -> memref<128x128xf32, #tpu.memory_space<hbm>>
        %dma_start3A_695 = arith.constant 0 : i32
        %dma_start3A_696 = arith.constant 0 : i32
        %dma_start3A_697 = tpu.memref_slice %arg9[%run_scoped3A_661, %dma_start3A_695, %dma_start3A_696] : memref<3x128x128xf32, #tpu.memory_space<vmem>> -> memref<1x128x128xf32, #tpu.memory_space<vmem>>
        %dma_start3A_698 = tpu.memref_squeeze %dma_start3A_697 : memref<1x128x128xf32, #tpu.memory_space<vmem>> -> memref<128x128xf32, #tpu.memory_space<vmem>>
        tpu.enqueue_dma source(%dma_start3A_698 : memref<128x128xf32, #tpu.memory_space<vmem>>) target(%dma_start3A_694 : memref<128x128xf32, #tpu.memory_space<hbm>>) target_semaphore(%run_scoped3A_686 : memref<!tpu.dma_semaphore, #tpu.memory_space<semaphore_mem>>)
        %dma_wait3A_699 = arith.constant 0 : i32
        %dma_wait3A_700 = arith.constant 0 : i32
        %dma_wait3A_701 = tpu.memref_slice %arg9[%run_scoped3A_661, %dma_wait3A_699, %dma_wait3A_700] : memref<3x128x128xf32, #tpu.memory_space<vmem>> -> memref<1x128x128xf32, #tpu.memory_space<vmem>>
        %dma_wait3A_702 = tpu.memref_squeeze %dma_wait3A_701 : memref<1x128x128xf32, #tpu.memory_space<vmem>> -> memref<128x128xf32, #tpu.memory_space<vmem>>
        %dma_wait3A_703 = arith.constant 0 : i32
        %dma_wait3A_704 = tpu.memref_slice %arg6[%add3A_660, %dma_wait3A_703] : memref<10112x128xf32, #tpu.memory_space<hbm>> -> memref<128x128xf32, #tpu.memory_space<hbm>>
        %dma_wait3A_705 = arith.constant 0 : i32
        %dma_wait3A_706 = tpu.memref_slice %arg6[%add3A_660, %dma_wait3A_705] : memref<10112x128xf32, #tpu.memory_space<hbm>> -> memref<128x128xf32, #tpu.memory_space<hbm>>
        %dma_wait3A_707 = arith.constant 0 : i32
        %dma_wait3A_708 = arith.constant 0 : i32
        %dma_wait3A_709 = tpu.memref_slice %arg9[%run_scoped3A_661, %dma_wait3A_707, %dma_wait3A_708] : memref<3x128x128xf32, #tpu.memory_space<vmem>> -> memref<1x128x128xf32, #tpu.memory_space<vmem>>
        %dma_wait3A_710 = tpu.memref_squeeze %dma_wait3A_709 : memref<1x128x128xf32, #tpu.memory_space<vmem>> -> memref<128x128xf32, #tpu.memory_space<vmem>>
        tpu.wait_dma2 semaphore(%run_scoped3A_686 : memref<!tpu.dma_semaphore, #tpu.memory_space<semaphore_mem>>) src(%dma_wait3A_710 : memref<128x128xf32, #tpu.memory_space<vmem>>) dst(%dma_wait3A_706 : memref<128x128xf32, #tpu.memory_space<hbm>>)
        tpu.yield
      }) : () -> ()
      %add3A_662 = arith.constant 128 : i32
      %add3A_663 = arith.addi %mul3A_0, %add3A_662 : i32
      %run_scoped3A_664 = arith.constant 0 : i32
      "tpu.region"() ({
        %run_scoped3A_686 = tpu.sem_alloc : memref<!tpu.dma_semaphore, #tpu.memory_space<semaphore_mem>>
        %dma_start3A_687 = arith.constant 0 : i32
        %dma_start3A_688 = arith.constant 0 : i32
        %dma_start3A_689 = tpu.memref_slice %arg9[%run_scoped3A_664, %dma_start3A_687, %dma_start3A_688] : memref<3x128x128xf32, #tpu.memory_space<vmem>> -> memref<1x128x128xf32, #tpu.memory_space<vmem>>
        %dma_start3A_690 = tpu.memref_squeeze %dma_start3A_689 : memref<1x128x128xf32, #tpu.memory_space<vmem>> -> memref<128x128xf32, #tpu.memory_space<vmem>>
        %dma_start3A_691 = arith.constant 0 : i32
        %dma_start3A_692 = tpu.memref_slice %arg10[%add3A_663, %dma_start3A_691] : memref<10112x128xf32, #tpu.memory_space<vmem_shared>> -> memref<128x128xf32, #tpu.memory_space<vmem_shared>>
        %dma_start3A_693 = arith.constant 0 : i32
        %dma_start3A_694 = arith.constant 0 : i32
        %dma_start3A_695 = tpu.memref_slice %arg9[%run_scoped3A_664, %dma_start3A_693, %dma_start3A_694] : memref<3x128x128xf32, #tpu.memory_space<vmem>> -> memref<1x128x128xf32, #tpu.memory_space<vmem>>
        %dma_start3A_696 = tpu.memref_squeeze %dma_start3A_695 : memref<1x128x128xf32, #tpu.memory_space<vmem>> -> memref<128x128xf32, #tpu.memory_space<vmem>>
        %dma_start3A_697 = arith.constant 0 : i32
        %dma_start3A_698 = tpu.memref_slice %arg10[%add3A_663, %dma_start3A_697] : memref<10112x128xf32, #tpu.memory_space<vmem_shared>> -> memref<128x128xf32, #tpu.memory_space<vmem_shared>>
        tpu.enqueue_dma source(%dma_start3A_698 : memref<128x128xf32, #tpu.memory_space<vmem_shared>>) target(%dma_start3A_696 : memref<128x128xf32, #tpu.memory_space<vmem>>) target_semaphore(%run_scoped3A_686 : memref<!tpu.dma_semaphore, #tpu.memory_space<semaphore_mem>>)
        %dma_wait3A_699 = arith.constant 0 : i32
        %dma_wait3A_700 = arith.constant 0 : i32
        %dma_wait3A_701 = tpu.memref_slice %arg9[%run_scoped3A_664, %dma_wait3A_699, %dma_wait3A_700] : memref<3x128x128xf32, #tpu.memory_space<vmem>> -> memref<1x128x128xf32, #tpu.memory_space<vmem>>
        %dma_wait3A_702 = tpu.memref_squeeze %dma_wait3A_701 : memref<1x128x128xf32, #tpu.memory_space<vmem>> -> memref<128x128xf32, #tpu.memory_space<vmem>>
        %dma_wait3A_703 = arith.constant 0 : i32
        %dma_wait3A_704 = tpu.memref_slice %arg10[%add3A_663, %dma_wait3A_703] : memref<10112x128xf32, #tpu.memory_space<vmem_shared>> -> memref<128x128xf32, #tpu.memory_space<vmem_shared>>
        %dma_wait3A_705 = arith.constant 0 : i32
        %dma_wait3A_706 = arith.constant 0 : i32
        %dma_wait3A_707 = tpu.memref_slice %arg9[%run_scoped3A_664, %dma_wait3A_705, %dma_wait3A_706] : memref<3x128x128xf32, #tpu.memory_space<vmem>> -> memref<1x128x128xf32, #tpu.memory_space<vmem>>
        %dma_wait3A_708 = tpu.memref_squeeze %dma_wait3A_707 : memref<1x128x128xf32, #tpu.memory_space<vmem>> -> memref<128x128xf32, #tpu.memory_space<vmem>>
        %dma_wait3A_709 = arith.constant 0 : i32
        %dma_wait3A_710 = tpu.memref_slice %arg10[%add3A_663, %dma_wait3A_709] : memref<10112x128xf32, #tpu.memory_space<vmem_shared>> -> memref<128x128xf32, #tpu.memory_space<vmem_shared>>
        tpu.wait_dma2 semaphore(%run_scoped3A_686 : memref<!tpu.dma_semaphore, #tpu.memory_space<semaphore_mem>>) src(%dma_wait3A_710 : memref<128x128xf32, #tpu.memory_space<vmem_shared>>) dst(%dma_wait3A_708 : memref<128x128xf32, #tpu.memory_space<vmem>>)
        tpu.yield
      }) : () -> ()
      %add3A_665 = arith.constant 128 : i32
      %add3A_666 = arith.addi %mul3A_0, %add3A_665 : i32
      %run_scoped3A_667 = arith.constant 0 : i32
      "tpu.region"() ({
        %run_scoped3A_686 = tpu.sem_alloc : memref<!tpu.dma_semaphore, #tpu.memory_space<semaphore_mem>>
        %dma_start3A_687 = arith.constant 0 : i32
        %dma_start3A_688 = arith.constant 0 : i32
        %dma_start3A_689 = tpu.memref_slice %arg9[%run_scoped3A_667, %dma_start3A_687, %dma_start3A_688] : memref<3x128x128xf32, #tpu.memory_space<vmem>> -> memref<1x128x128xf32, #tpu.memory_space<vmem>>
        %dma_start3A_690 = tpu.memref_squeeze %dma_start3A_689 : memref<1x128x128xf32, #tpu.memory_space<vmem>> -> memref<128x128xf32, #tpu.memory_space<vmem>>
        %dma_start3A_691 = arith.constant 0 : i32
        %dma_start3A_692 = tpu.memref_slice %arg6[%add3A_666, %dma_start3A_691] : memref<10112x128xf32, #tpu.memory_space<hbm>> -> memref<128x128xf32, #tpu.memory_space<hbm>>
        %dma_start3A_693 = arith.constant 0 : i32
        %dma_start3A_694 = tpu.memref_slice %arg6[%add3A_666, %dma_start3A_693] : memref<10112x128xf32, #tpu.memory_space<hbm>> -> memref<128x128xf32, #tpu.memory_space<hbm>>
        %dma_start3A_695 = arith.constant 0 : i32
        %dma_start3A_696 = arith.constant 0 : i32
        %dma_start3A_697 = tpu.memref_slice %arg9[%run_scoped3A_667, %dma_start3A_695, %dma_start3A_696] : memref<3x128x128xf32, #tpu.memory_space<vmem>> -> memref<1x128x128xf32, #tpu.memory_space<vmem>>
        %dma_start3A_698 = tpu.memref_squeeze %dma_start3A_697 : memref<1x128x128xf32, #tpu.memory_space<vmem>> -> memref<128x128xf32, #tpu.memory_space<vmem>>
        tpu.enqueue_dma source(%dma_start3A_698 : memref<128x128xf32, #tpu.memory_space<vmem>>) target(%dma_start3A_694 : memref<128x128xf32, #tpu.memory_space<hbm>>) target_semaphore(%run_scoped3A_686 : memref<!tpu.dma_semaphore, #tpu.memory_space<semaphore_mem>>)
        %dma_wait3A_699 = arith.constant 0 : i32
        %dma_wait3A_700 = arith.constant 0 : i32
        %dma_wait3A_701 = tpu.memref_slice %arg9[%run_scoped3A_667, %dma_wait3A_699, %dma_wait3A_700] : memref<3x128x128xf32, #tpu.memory_space<vmem>> -> memref<1x128x128xf32, #tpu.memory_space<vmem>>
        %dma_wait3A_702 = tpu.memref_squeeze %dma_wait3A_701 : memref<1x128x128xf32, #tpu.memory_space<vmem>> -> memref<128x128xf32, #tpu.memory_space<vmem>>
        %dma_wait3A_703 = arith.constant 0 : i32
        %dma_wait3A_704 = tpu.memref_slice %arg6[%add3A_666, %dma_wait3A_703] : memref<10112x128xf32, #tpu.memory_space<hbm>> -> memref<128x128xf32, #tpu.memory_space<hbm>>
        %dma_wait3A_705 = arith.constant 0 : i32
        %dma_wait3A_706 = tpu.memref_slice %arg6[%add3A_666, %dma_wait3A_705] : memref<10112x128xf32, #tpu.memory_space<hbm>> -> memref<128x128xf32, #tpu.memory_space<hbm>>
        %dma_wait3A_707 = arith.constant 0 : i32
        %dma_wait3A_708 = arith.constant 0 : i32
        %dma_wait3A_709 = tpu.memref_slice %arg9[%run_scoped3A_667, %dma_wait3A_707, %dma_wait3A_708] : memref<3x128x128xf32, #tpu.memory_space<vmem>> -> memref<1x128x128xf32, #tpu.memory_space<vmem>>
        %dma_wait3A_710 = tpu.memref_squeeze %dma_wait3A_709 : memref<1x128x128xf32, #tpu.memory_space<vmem>> -> memref<128x128xf32, #tpu.memory_space<vmem>>
        tpu.wait_dma2 semaphore(%run_scoped3A_686 : memref<!tpu.dma_semaphore, #tpu.memory_space<semaphore_mem>>) src(%dma_wait3A_710 : memref<128x128xf32, #tpu.memory_space<vmem>>) dst(%dma_wait3A_706 : memref<128x128xf32, #tpu.memory_space<hbm>>)
        tpu.yield
      }) : () -> ()
      %add3A_668 = arith.constant 256 : i32
      %add3A_669 = arith.addi %mul3A_0, %add3A_668 : i32
      %run_scoped3A_670 = arith.constant 0 : i32
      "tpu.region"() ({
        %run_scoped3A_686 = tpu.sem_alloc : memref<!tpu.dma_semaphore, #tpu.memory_space<semaphore_mem>>
        %dma_start3A_687 = arith.constant 0 : i32
        %dma_start3A_688 = arith.constant 0 : i32
        %dma_start3A_689 = tpu.memref_slice %arg9[%run_scoped3A_670, %dma_start3A_687, %dma_start3A_688] : memref<3x128x128xf32, #tpu.memory_space<vmem>> -> memref<1x128x128xf32, #tpu.memory_space<vmem>>
        %dma_start3A_690 = tpu.memref_squeeze %dma_start3A_689 : memref<1x128x128xf32, #tpu.memory_space<vmem>> -> memref<128x128xf32, #tpu.memory_space<vmem>>
        %dma_start3A_691 = arith.constant 0 : i32
        %dma_start3A_692 = tpu.memref_slice %arg10[%add3A_669, %dma_start3A_691] : memref<10112x128xf32, #tpu.memory_space<vmem_shared>> -> memref<128x128xf32, #tpu.memory_space<vmem_shared>>
        %dma_start3A_693 = arith.constant 0 : i32
        %dma_start3A_694 = arith.constant 0 : i32
        %dma_start3A_695 = tpu.memref_slice %arg9[%run_scoped3A_670, %dma_start3A_693, %dma_start3A_694] : memref<3x128x128xf32, #tpu.memory_space<vmem>> -> memref<1x128x128xf32, #tpu.memory_space<vmem>>
        %dma_start3A_696 = tpu.memref_squeeze %dma_start3A_695 : memref<1x128x128xf32, #tpu.memory_space<vmem>> -> memref<128x128xf32, #tpu.memory_space<vmem>>
        %dma_start3A_697 = arith.constant 0 : i32
        %dma_start3A_698 = tpu.memref_slice %arg10[%add3A_669, %dma_start3A_697] : memref<10112x128xf32, #tpu.memory_space<vmem_shared>> -> memref<128x128xf32, #tpu.memory_space<vmem_shared>>
        tpu.enqueue_dma source(%dma_start3A_698 : memref<128x128xf32, #tpu.memory_space<vmem_shared>>) target(%dma_start3A_696 : memref<128x128xf32, #tpu.memory_space<vmem>>) target_semaphore(%run_scoped3A_686 : memref<!tpu.dma_semaphore, #tpu.memory_space<semaphore_mem>>)
        %dma_wait3A_699 = arith.constant 0 : i32
        %dma_wait3A_700 = arith.constant 0 : i32
        %dma_wait3A_701 = tpu.memref_slice %arg9[%run_scoped3A_670, %dma_wait3A_699, %dma_wait3A_700] : memref<3x128x128xf32, #tpu.memory_space<vmem>> -> memref<1x128x128xf32, #tpu.memory_space<vmem>>
        %dma_wait3A_702 = tpu.memref_squeeze %dma_wait3A_701 : memref<1x128x128xf32, #tpu.memory_space<vmem>> -> memref<128x128xf32, #tpu.memory_space<vmem>>
        %dma_wait3A_703 = arith.constant 0 : i32
        %dma_wait3A_704 = tpu.memref_slice %arg10[%add3A_669, %dma_wait3A_703] : memref<10112x128xf32, #tpu.memory_space<vmem_shared>> -> memref<128x128xf32, #tpu.memory_space<vmem_shared>>
        %dma_wait3A_705 = arith.constant 0 : i32
        %dma_wait3A_706 = arith.constant 0 : i32
        %dma_wait3A_707 = tpu.memref_slice %arg9[%run_scoped3A_670, %dma_wait3A_705, %dma_wait3A_706] : memref<3x128x128xf32, #tpu.memory_space<vmem>> -> memref<1x128x128xf32, #tpu.memory_space<vmem>>
        %dma_wait3A_708 = tpu.memref_squeeze %dma_wait3A_707 : memref<1x128x128xf32, #tpu.memory_space<vmem>> -> memref<128x128xf32, #tpu.memory_space<vmem>>
        %dma_wait3A_709 = arith.constant 0 : i32
        %dma_wait3A_710 = tpu.memref_slice %arg10[%add3A_669, %dma_wait3A_709] : memref<10112x128xf32, #tpu.memory_space<vmem_shared>> -> memref<128x128xf32, #tpu.memory_space<vmem_shared>>
        tpu.wait_dma2 semaphore(%run_scoped3A_686 : memref<!tpu.dma_semaphore, #tpu.memory_space<semaphore_mem>>) src(%dma_wait3A_710 : memref<128x128xf32, #tpu.memory_space<vmem_shared>>) dst(%dma_wait3A_708 : memref<128x128xf32, #tpu.memory_space<vmem>>)
        tpu.yield
      }) : () -> ()
      %add3A_671 = arith.constant 256 : i32
      %add3A_672 = arith.addi %mul3A_0, %add3A_671 : i32
      %run_scoped3A_673 = arith.constant 0 : i32
      "tpu.region"() ({
        %run_scoped3A_686 = tpu.sem_alloc : memref<!tpu.dma_semaphore, #tpu.memory_space<semaphore_mem>>
        %dma_start3A_687 = arith.constant 0 : i32
        %dma_start3A_688 = arith.constant 0 : i32
        %dma_start3A_689 = tpu.memref_slice %arg9[%run_scoped3A_673, %dma_start3A_687, %dma_start3A_688] : memref<3x128x128xf32, #tpu.memory_space<vmem>> -> memref<1x128x128xf32, #tpu.memory_space<vmem>>
        %dma_start3A_690 = tpu.memref_squeeze %dma_start3A_689 : memref<1x128x128xf32, #tpu.memory_space<vmem>> -> memref<128x128xf32, #tpu.memory_space<vmem>>
        %dma_start3A_691 = arith.constant 0 : i32
        %dma_start3A_692 = tpu.memref_slice %arg6[%add3A_672, %dma_start3A_691] : memref<10112x128xf32, #tpu.memory_space<hbm>> -> memref<128x128xf32, #tpu.memory_space<hbm>>
        %dma_start3A_693 = arith.constant 0 : i32
        %dma_start3A_694 = tpu.memref_slice %arg6[%add3A_672, %dma_start3A_693] : memref<10112x128xf32, #tpu.memory_space<hbm>> -> memref<128x128xf32, #tpu.memory_space<hbm>>
        %dma_start3A_695 = arith.constant 0 : i32
        %dma_start3A_696 = arith.constant 0 : i32
        %dma_start3A_697 = tpu.memref_slice %arg9[%run_scoped3A_673, %dma_start3A_695, %dma_start3A_696] : memref<3x128x128xf32, #tpu.memory_space<vmem>> -> memref<1x128x128xf32, #tpu.memory_space<vmem>>
        %dma_start3A_698 = tpu.memref_squeeze %dma_start3A_697 : memref<1x128x128xf32, #tpu.memory_space<vmem>> -> memref<128x128xf32, #tpu.memory_space<vmem>>
        tpu.enqueue_dma source(%dma_start3A_698 : memref<128x128xf32, #tpu.memory_space<vmem>>) target(%dma_start3A_694 : memref<128x128xf32, #tpu.memory_space<hbm>>) target_semaphore(%run_scoped3A_686 : memref<!tpu.dma_semaphore, #tpu.memory_space<semaphore_mem>>)
        %dma_wait3A_699 = arith.constant 0 : i32
        %dma_wait3A_700 = arith.constant 0 : i32
        %dma_wait3A_701 = tpu.memref_slice %arg9[%run_scoped3A_673, %dma_wait3A_699, %dma_wait3A_700] : memref<3x128x128xf32, #tpu.memory_space<vmem>> -> memref<1x128x128xf32, #tpu.memory_space<vmem>>
        %dma_wait3A_702 = tpu.memref_squeeze %dma_wait3A_701 : memref<1x128x128xf32, #tpu.memory_space<vmem>> -> memref<128x128xf32, #tpu.memory_space<vmem>>
        %dma_wait3A_703 = arith.constant 0 : i32
        %dma_wait3A_704 = tpu.memref_slice %arg6[%add3A_672, %dma_wait3A_703] : memref<10112x128xf32, #tpu.memory_space<hbm>> -> memref<128x128xf32, #tpu.memory_space<hbm>>
        %dma_wait3A_705 = arith.constant 0 : i32
        %dma_wait3A_706 = tpu.memref_slice %arg6[%add3A_672, %dma_wait3A_705] : memref<10112x128xf32, #tpu.memory_space<hbm>> -> memref<128x128xf32, #tpu.memory_space<hbm>>
        %dma_wait3A_707 = arith.constant 0 : i32
        %dma_wait3A_708 = arith.constant 0 : i32
        %dma_wait3A_709 = tpu.memref_slice %arg9[%run_scoped3A_673, %dma_wait3A_707, %dma_wait3A_708] : memref<3x128x128xf32, #tpu.memory_space<vmem>> -> memref<1x128x128xf32, #tpu.memory_space<vmem>>
        %dma_wait3A_710 = tpu.memref_squeeze %dma_wait3A_709 : memref<1x128x128xf32, #tpu.memory_space<vmem>> -> memref<128x128xf32, #tpu.memory_space<vmem>>
        tpu.wait_dma2 semaphore(%run_scoped3A_686 : memref<!tpu.dma_semaphore, #tpu.memory_space<semaphore_mem>>) src(%dma_wait3A_710 : memref<128x128xf32, #tpu.memory_space<vmem>>) dst(%dma_wait3A_706 : memref<128x128xf32, #tpu.memory_space<hbm>>)
        tpu.yield
      }) : () -> ()
      %add3A_674 = arith.constant 384 : i32
      %add3A_675 = arith.addi %mul3A_0, %add3A_674 : i32
      %run_scoped3A_676 = arith.constant 0 : i32
      "tpu.region"() ({
        %run_scoped3A_686 = tpu.sem_alloc : memref<!tpu.dma_semaphore, #tpu.memory_space<semaphore_mem>>
        %dma_start3A_687 = arith.constant 0 : i32
        %dma_start3A_688 = arith.constant 0 : i32
        %dma_start3A_689 = tpu.memref_slice %arg9[%run_scoped3A_676, %dma_start3A_687, %dma_start3A_688] : memref<3x128x128xf32, #tpu.memory_space<vmem>> -> memref<1x128x128xf32, #tpu.memory_space<vmem>>
        %dma_start3A_690 = tpu.memref_squeeze %dma_start3A_689 : memref<1x128x128xf32, #tpu.memory_space<vmem>> -> memref<128x128xf32, #tpu.memory_space<vmem>>
        %dma_start3A_691 = arith.constant 0 : i32
        %dma_start3A_692 = tpu.memref_slice %arg10[%add3A_675, %dma_start3A_691] : memref<10112x128xf32, #tpu.memory_space<vmem_shared>> -> memref<128x128xf32, #tpu.memory_space<vmem_shared>>
        %dma_start3A_693 = arith.constant 0 : i32
        %dma_start3A_694 = arith.constant 0 : i32
        %dma_start3A_695 = tpu.memref_slice %arg9[%run_scoped3A_676, %dma_start3A_693, %dma_start3A_694] : memref<3x128x128xf32, #tpu.memory_space<vmem>> -> memref<1x128x128xf32, #tpu.memory_space<vmem>>
        %dma_start3A_696 = tpu.memref_squeeze %dma_start3A_695 : memref<1x128x128xf32, #tpu.memory_space<vmem>> -> memref<128x128xf32, #tpu.memory_space<vmem>>
        %dma_start3A_697 = arith.constant 0 : i32
        %dma_start3A_698 = tpu.memref_slice %arg10[%add3A_675, %dma_start3A_697] : memref<10112x128xf32, #tpu.memory_space<vmem_shared>> -> memref<128x128xf32, #tpu.memory_space<vmem_shared>>
        tpu.enqueue_dma source(%dma_start3A_698 : memref<128x128xf32, #tpu.memory_space<vmem_shared>>) target(%dma_start3A_696 : memref<128x128xf32, #tpu.memory_space<vmem>>) target_semaphore(%run_scoped3A_686 : memref<!tpu.dma_semaphore, #tpu.memory_space<semaphore_mem>>)
        %dma_wait3A_699 = arith.constant 0 : i32
        %dma_wait3A_700 = arith.constant 0 : i32
        %dma_wait3A_701 = tpu.memref_slice %arg9[%run_scoped3A_676, %dma_wait3A_699, %dma_wait3A_700] : memref<3x128x128xf32, #tpu.memory_space<vmem>> -> memref<1x128x128xf32, #tpu.memory_space<vmem>>
        %dma_wait3A_702 = tpu.memref_squeeze %dma_wait3A_701 : memref<1x128x128xf32, #tpu.memory_space<vmem>> -> memref<128x128xf32, #tpu.memory_space<vmem>>
        %dma_wait3A_703 = arith.constant 0 : i32
        %dma_wait3A_704 = tpu.memref_slice %arg10[%add3A_675, %dma_wait3A_703] : memref<10112x128xf32, #tpu.memory_space<vmem_shared>> -> memref<128x128xf32, #tpu.memory_space<vmem_shared>>
        %dma_wait3A_705 = arith.constant 0 : i32
        %dma_wait3A_706 = arith.constant 0 : i32
        %dma_wait3A_707 = tpu.memref_slice %arg9[%run_scoped3A_676, %dma_wait3A_705, %dma_wait3A_706] : memref<3x128x128xf32, #tpu.memory_space<vmem>> -> memref<1x128x128xf32, #tpu.memory_space<vmem>>
        %dma_wait3A_708 = tpu.memref_squeeze %dma_wait3A_707 : memref<1x128x128xf32, #tpu.memory_space<vmem>> -> memref<128x128xf32, #tpu.memory_space<vmem>>
        %dma_wait3A_709 = arith.constant 0 : i32
        %dma_wait3A_710 = tpu.memref_slice %arg10[%add3A_675, %dma_wait3A_709] : memref<10112x128xf32, #tpu.memory_space<vmem_shared>> -> memref<128x128xf32, #tpu.memory_space<vmem_shared>>
        tpu.wait_dma2 semaphore(%run_scoped3A_686 : memref<!tpu.dma_semaphore, #tpu.memory_space<semaphore_mem>>) src(%dma_wait3A_710 : memref<128x128xf32, #tpu.memory_space<vmem_shared>>) dst(%dma_wait3A_708 : memref<128x128xf32, #tpu.memory_space<vmem>>)
        tpu.yield
      }) : () -> ()
      %add3A_677 = arith.constant 384 : i32
      %add3A_678 = arith.addi %mul3A_0, %add3A_677 : i32
      %run_scoped3A_679 = arith.constant 0 : i32
      "tpu.region"() ({
        %run_scoped3A_686 = tpu.sem_alloc : memref<!tpu.dma_semaphore, #tpu.memory_space<semaphore_mem>>
        %dma_start3A_687 = arith.constant 0 : i32
        %dma_start3A_688 = arith.constant 0 : i32
        %dma_start3A_689 = tpu.memref_slice %arg9[%run_scoped3A_679, %dma_start3A_687, %dma_start3A_688] : memref<3x128x128xf32, #tpu.memory_space<vmem>> -> memref<1x128x128xf32, #tpu.memory_space<vmem>>
        %dma_start3A_690 = tpu.memref_squeeze %dma_start3A_689 : memref<1x128x128xf32, #tpu.memory_space<vmem>> -> memref<128x128xf32, #tpu.memory_space<vmem>>
        %dma_start3A_691 = arith.constant 0 : i32
        %dma_start3A_692 = tpu.memref_slice %arg6[%add3A_678, %dma_start3A_691] : memref<10112x128xf32, #tpu.memory_space<hbm>> -> memref<128x128xf32, #tpu.memory_space<hbm>>
        %dma_start3A_693 = arith.constant 0 : i32
        %dma_start3A_694 = tpu.memref_slice %arg6[%add3A_678, %dma_start3A_693] : memref<10112x128xf32, #tpu.memory_space<hbm>> -> memref<128x128xf32, #tpu.memory_space<hbm>>
        %dma_start3A_695 = arith.constant 0 : i32
        %dma_start3A_696 = arith.constant 0 : i32
        %dma_start3A_697 = tpu.memref_slice %arg9[%run_scoped3A_679, %dma_start3A_695, %dma_start3A_696] : memref<3x128x128xf32, #tpu.memory_space<vmem>> -> memref<1x128x128xf32, #tpu.memory_space<vmem>>
        %dma_start3A_698 = tpu.memref_squeeze %dma_start3A_697 : memref<1x128x128xf32, #tpu.memory_space<vmem>> -> memref<128x128xf32, #tpu.memory_space<vmem>>
        tpu.enqueue_dma source(%dma_start3A_698 : memref<128x128xf32, #tpu.memory_space<vmem>>) target(%dma_start3A_694 : memref<128x128xf32, #tpu.memory_space<hbm>>) target_semaphore(%run_scoped3A_686 : memref<!tpu.dma_semaphore, #tpu.memory_space<semaphore_mem>>)
        %dma_wait3A_699 = arith.constant 0 : i32
        %dma_wait3A_700 = arith.constant 0 : i32
        %dma_wait3A_701 = tpu.memref_slice %arg9[%run_scoped3A_679, %dma_wait3A_699, %dma_wait3A_700] : memref<3x128x128xf32, #tpu.memory_space<vmem>> -> memref<1x128x128xf32, #tpu.memory_space<vmem>>
        %dma_wait3A_702 = tpu.memref_squeeze %dma_wait3A_701 : memref<1x128x128xf32, #tpu.memory_space<vmem>> -> memref<128x128xf32, #tpu.memory_space<vmem>>
        %dma_wait3A_703 = arith.constant 0 : i32
        %dma_wait3A_704 = tpu.memref_slice %arg6[%add3A_678, %dma_wait3A_703] : memref<10112x128xf32, #tpu.memory_space<hbm>> -> memref<128x128xf32, #tpu.memory_space<hbm>>
        %dma_wait3A_705 = arith.constant 0 : i32
        %dma_wait3A_706 = tpu.memref_slice %arg6[%add3A_678, %dma_wait3A_705] : memref<10112x128xf32, #tpu.memory_space<hbm>> -> memref<128x128xf32, #tpu.memory_space<hbm>>
        %dma_wait3A_707 = arith.constant 0 : i32
        %dma_wait3A_708 = arith.constant 0 : i32
        %dma_wait3A_709 = tpu.memref_slice %arg9[%run_scoped3A_679, %dma_wait3A_707, %dma_wait3A_708] : memref<3x128x128xf32, #tpu.memory_space<vmem>> -> memref<1x128x128xf32, #tpu.memory_space<vmem>>
        %dma_wait3A_710 = tpu.memref_squeeze %dma_wait3A_709 : memref<1x128x128xf32, #tpu.memory_space<vmem>> -> memref<128x128xf32, #tpu.memory_space<vmem>>
        tpu.wait_dma2 semaphore(%run_scoped3A_686 : memref<!tpu.dma_semaphore, #tpu.memory_space<semaphore_mem>>) src(%dma_wait3A_710 : memref<128x128xf32, #tpu.memory_space<vmem>>) dst(%dma_wait3A_706 : memref<128x128xf32, #tpu.memory_space<hbm>>)
        tpu.yield
      }) : () -> ()
      %add3A_680 = arith.constant 512 : i32
      %add3A_681 = arith.addi %mul3A_0, %add3A_680 : i32
      %run_scoped3A_682 = arith.constant 0 : i32
      "tpu.region"() ({
        %run_scoped3A_686 = tpu.sem_alloc : memref<!tpu.dma_semaphore, #tpu.memory_space<semaphore_mem>>
        %dma_start3A_687 = arith.constant 0 : i32
        %dma_start3A_688 = arith.constant 0 : i32
        %dma_start3A_689 = tpu.memref_slice %arg9[%run_scoped3A_682, %dma_start3A_687, %dma_start3A_688] : memref<3x128x128xf32, #tpu.memory_space<vmem>> -> memref<1x120x128xf32, #tpu.memory_space<vmem>>
        %dma_start3A_690 = tpu.memref_squeeze %dma_start3A_689 : memref<1x120x128xf32, #tpu.memory_space<vmem>> -> memref<120x128xf32, #tpu.memory_space<vmem>>
        %dma_start3A_691 = arith.constant 0 : i32
        %dma_start3A_692 = tpu.memref_slice %arg10[%add3A_681, %dma_start3A_691] : memref<10112x128xf32, #tpu.memory_space<vmem_shared>> -> memref<120x128xf32, #tpu.memory_space<vmem_shared>>
        %dma_start3A_693 = arith.constant 0 : i32
        %dma_start3A_694 = arith.constant 0 : i32
        %dma_start3A_695 = tpu.memref_slice %arg9[%run_scoped3A_682, %dma_start3A_693, %dma_start3A_694] : memref<3x128x128xf32, #tpu.memory_space<vmem>> -> memref<1x120x128xf32, #tpu.memory_space<vmem>>
        %dma_start3A_696 = tpu.memref_squeeze %dma_start3A_695 : memref<1x120x128xf32, #tpu.memory_space<vmem>> -> memref<120x128xf32, #tpu.memory_space<vmem>>
        %dma_start3A_697 = arith.constant 0 : i32
        %dma_start3A_698 = tpu.memref_slice %arg10[%add3A_681, %dma_start3A_697] : memref<10112x128xf32, #tpu.memory_space<vmem_shared>> -> memref<120x128xf32, #tpu.memory_space<vmem_shared>>
        tpu.enqueue_dma source(%dma_start3A_698 : memref<120x128xf32, #tpu.memory_space<vmem_shared>>) target(%dma_start3A_696 : memref<120x128xf32, #tpu.memory_space<vmem>>) target_semaphore(%run_scoped3A_686 : memref<!tpu.dma_semaphore, #tpu.memory_space<semaphore_mem>>)
        %dma_wait3A_699 = arith.constant 0 : i32
        %dma_wait3A_700 = arith.constant 0 : i32
        %dma_wait3A_701 = tpu.memref_slice %arg9[%run_scoped3A_682, %dma_wait3A_699, %dma_wait3A_700] : memref<3x128x128xf32, #tpu.memory_space<vmem>> -> memref<1x120x128xf32, #tpu.memory_space<vmem>>
        %dma_wait3A_702 = tpu.memref_squeeze %dma_wait3A_701 : memref<1x120x128xf32, #tpu.memory_space<vmem>> -> memref<120x128xf32, #tpu.memory_space<vmem>>
        %dma_wait3A_703 = arith.constant 0 : i32
        %dma_wait3A_704 = tpu.memref_slice %arg10[%add3A_681, %dma_wait3A_703] : memref<10112x128xf32, #tpu.memory_space<vmem_shared>> -> memref<120x128xf32, #tpu.memory_space<vmem_shared>>
        %dma_wait3A_705 = arith.constant 0 : i32
        %dma_wait3A_706 = arith.constant 0 : i32
        %dma_wait3A_707 = tpu.memref_slice %arg9[%run_scoped3A_682, %dma_wait3A_705, %dma_wait3A_706] : memref<3x128x128xf32, #tpu.memory_space<vmem>> -> memref<1x120x128xf32, #tpu.memory_space<vmem>>
        %dma_wait3A_708 = tpu.memref_squeeze %dma_wait3A_707 : memref<1x120x128xf32, #tpu.memory_space<vmem>> -> memref<120x128xf32, #tpu.memory_space<vmem>>
        %dma_wait3A_709 = arith.constant 0 : i32
        %dma_wait3A_710 = tpu.memref_slice %arg10[%add3A_681, %dma_wait3A_709] : memref<10112x128xf32, #tpu.memory_space<vmem_shared>> -> memref<120x128xf32, #tpu.memory_space<vmem_shared>>
        tpu.wait_dma2 semaphore(%run_scoped3A_686 : memref<!tpu.dma_semaphore, #tpu.memory_space<semaphore_mem>>) src(%dma_wait3A_710 : memref<120x128xf32, #tpu.memory_space<vmem_shared>>) dst(%dma_wait3A_708 : memref<120x128xf32, #tpu.memory_space<vmem>>)
        tpu.yield
      }) : () -> ()
      %add3A_683 = arith.constant 512 : i32
      %add3A_684 = arith.addi %mul3A_0, %add3A_683 : i32
      %run_scoped3A_685 = arith.constant 0 : i32
      "tpu.region"() ({
        %run_scoped3A_686 = tpu.sem_alloc : memref<!tpu.dma_semaphore, #tpu.memory_space<semaphore_mem>>
        %dma_start3A_687 = arith.constant 0 : i32
        %dma_start3A_688 = arith.constant 0 : i32
        %dma_start3A_689 = tpu.memref_slice %arg9[%run_scoped3A_685, %dma_start3A_687, %dma_start3A_688] : memref<3x128x128xf32, #tpu.memory_space<vmem>> -> memref<1x120x128xf32, #tpu.memory_space<vmem>>
        %dma_start3A_690 = tpu.memref_squeeze %dma_start3A_689 : memref<1x120x128xf32, #tpu.memory_space<vmem>> -> memref<120x128xf32, #tpu.memory_space<vmem>>
        %dma_start3A_691 = arith.constant 0 : i32
        %dma_start3A_692 = tpu.memref_slice %arg6[%add3A_684, %dma_start3A_691] : memref<10112x128xf32, #tpu.memory_space<hbm>> -> memref<120x128xf32, #tpu.memory_space<hbm>>
        %dma_start3A_693 = arith.constant 0 : i32
        %dma_start3A_694 = tpu.memref_slice %arg6[%add3A_684, %dma_start3A_693] : memref<10112x128xf32, #tpu.memory_space<hbm>> -> memref<120x128xf32, #tpu.memory_space<hbm>>
        %dma_start3A_695 = arith.constant 0 : i32
        %dma_start3A_696 = arith.constant 0 : i32
        %dma_start3A_697 = tpu.memref_slice %arg9[%run_scoped3A_685, %dma_start3A_695, %dma_start3A_696] : memref<3x128x128xf32, #tpu.memory_space<vmem>> -> memref<1x120x128xf32, #tpu.memory_space<vmem>>
        %dma_start3A_698 = tpu.memref_squeeze %dma_start3A_697 : memref<1x120x128xf32, #tpu.memory_space<vmem>> -> memref<120x128xf32, #tpu.memory_space<vmem>>
        tpu.enqueue_dma source(%dma_start3A_698 : memref<120x128xf32, #tpu.memory_space<vmem>>) target(%dma_start3A_694 : memref<120x128xf32, #tpu.memory_space<hbm>>) target_semaphore(%run_scoped3A_686 : memref<!tpu.dma_semaphore, #tpu.memory_space<semaphore_mem>>)
        %dma_wait3A_699 = arith.constant 0 : i32
        %dma_wait3A_700 = arith.constant 0 : i32
        %dma_wait3A_701 = tpu.memref_slice %arg9[%run_scoped3A_685, %dma_wait3A_699, %dma_wait3A_700] : memref<3x128x128xf32, #tpu.memory_space<vmem>> -> memref<1x120x128xf32, #tpu.memory_space<vmem>>
        %dma_wait3A_702 = tpu.memref_squeeze %dma_wait3A_701 : memref<1x120x128xf32, #tpu.memory_space<vmem>> -> memref<120x128xf32, #tpu.memory_space<vmem>>
        %dma_wait3A_703 = arith.constant 0 : i32
        %dma_wait3A_704 = tpu.memref_slice %arg6[%add3A_684, %dma_wait3A_703] : memref<10112x128xf32, #tpu.memory_space<hbm>> -> memref<120x128xf32, #tpu.memory_space<hbm>>
        %dma_wait3A_705 = arith.constant 0 : i32
        %dma_wait3A_706 = tpu.memref_slice %arg6[%add3A_684, %dma_wait3A_705] : memref<10112x128xf32, #tpu.memory_space<hbm>> -> memref<120x128xf32, #tpu.memory_space<hbm>>
        %dma_wait3A_707 = arith.constant 0 : i32
        %dma_wait3A_708 = arith.constant 0 : i32
        %dma_wait3A_709 = tpu.memref_slice %arg9[%run_scoped3A_685, %dma_wait3A_707, %dma_wait3A_708] : memref<3x128x128xf32, #tpu.memory_space<vmem>> -> memref<1x120x128xf32, #tpu.memory_space<vmem>>
        %dma_wait3A_710 = tpu.memref_squeeze %dma_wait3A_709 : memref<1x120x128xf32, #tpu.memory_space<vmem>> -> memref<120x128xf32, #tpu.memory_space<vmem>>
        tpu.wait_dma2 semaphore(%run_scoped3A_686 : memref<!tpu.dma_semaphore, #tpu.memory_space<semaphore_mem>>) src(%dma_wait3A_710 : memref<120x128xf32, #tpu.memory_space<vmem>>) dst(%dma_wait3A_706 : memref<120x128xf32, #tpu.memory_space<hbm>>)
        tpu.yield
      }) : () -> ()
    } else {
    }
    return
  }
}

#map = affine_map<(d0, d1) -> (0)>
#map1 = affine_map<(d0, d1) -> (0, 0, 0)>
module attributes {stable_mosaic.version = 14 : i64} {
  func.func @_deg_body(%arg0: i32, %arg1: i32, %arg2: memref<327680xi32, #tpu.memory_space<hbm>>, %arg3: memref<32x1x10112xf32, #tpu.memory_space<hbm>>, %arg4: memref<1x10240xi32, #tpu.memory_space<vmem>>, %arg5: memref<1x10112xf32, #tpu.memory_space<vmem>>, %arg6: memref<!tpu.dma_semaphore, #tpu.memory_space<semaphore_mem>>) attributes {dimension_semantics = [#tpu.dimension_semantics<core_parallel>, #tpu.dimension_semantics<subcore_parallel>], iteration_bounds = array<i64: 2, 16>, scalar_prefetch = 0 : i64, scratch_operands = 3 : i64, tpu.core_type = #tpu.core_type<sc_vector_subcore>, window_params = [{transform_indices = #map}, {transform_indices = #map1}]} {
    %mul3A = arith.constant 2 : i32
    %mul3A_0 = arith.muli %arg1, %mul3A : i32
    %add3A = arith.addi %mul3A_0, %arg0 : i32
    %broadcast_in_dim3A = arith.constant 0.000000e+00 : f32
    %broadcast_in_dim3A_1 = vector.broadcast %broadcast_in_dim3A : f32 to vector<16xf32>
    %broadcast_in_dim3A_2 = arith.constant 0 : i32
    %broadcast_in_dim3A_3 = vector.broadcast %broadcast_in_dim3A_2 : i32 to vector<16xi32>
    %broadcast_in_dim3A_4 = arith.constant 1.000000e+00 : f32
    %broadcast_in_dim3A_5 = vector.broadcast %broadcast_in_dim3A_4 : f32 to vector<16xf32>
    %mul3A_6 = arith.constant 10240 : i32
    %mul3A_7 = arith.muli %add3A, %mul3A_6 : i32
    %dma_start3A = arith.constant 0 : i32
    %dma_start3A_8 = arith.constant 0 : i32
    %dma_start3A_9 = tpu.memref_slice %arg4[%dma_start3A, %dma_start3A_8] : memref<1x10240xi32, #tpu.memory_space<vmem>> -> memref<1x10240xi32, #tpu.memory_space<vmem>>
    %dma_start3A_10 = tpu.memref_squeeze %dma_start3A_9 : memref<1x10240xi32, #tpu.memory_space<vmem>> -> memref<10240xi32, #tpu.memory_space<vmem>>
    %dma_start3A_11 = tpu.memref_slice %arg2[%mul3A_7] : memref<327680xi32, #tpu.memory_space<hbm>> -> memref<10240xi32, #tpu.memory_space<hbm>>
    %dma_start3A_12 = arith.constant 0 : i32
    %dma_start3A_13 = tpu.memref_slice %arg4[%dma_start3A, %dma_start3A_12] : memref<1x10240xi32, #tpu.memory_space<vmem>> -> memref<1x10240xi32, #tpu.memory_space<vmem>>
    %dma_start3A_14 = tpu.memref_squeeze %dma_start3A_13 : memref<1x10240xi32, #tpu.memory_space<vmem>> -> memref<10240xi32, #tpu.memory_space<vmem>>
    %dma_start3A_15 = tpu.memref_slice %arg2[%mul3A_7] : memref<327680xi32, #tpu.memory_space<hbm>> -> memref<10240xi32, #tpu.memory_space<hbm>>
    tpu.enqueue_dma source(%dma_start3A_15 : memref<10240xi32, #tpu.memory_space<hbm>>) target(%dma_start3A_14 : memref<10240xi32, #tpu.memory_space<vmem>>) target_semaphore(%arg6 : memref<!tpu.dma_semaphore, #tpu.memory_space<semaphore_mem>>)
    %scan3A = arith.constant 0 : i32
    %scan3A_16 = arith.constant 0 : i32
    %scan3A_17 = arith.constant 632 : i32
    %scan3A_18 = arith.addi %scan3A_16, %scan3A_17 : i32
    %scan3A_19 = arith.constant 1 : i32
    scf.for %scan3A_35 = %scan3A_16 to %scan3A_18 step %scan3A_19  : i32 {
      %mul3A_36 = arith.constant 16 : i32
      %mul3A_37 = arith.muli %scan3A_35, %mul3A_36 : i32
      %swap3A = arith.constant 0 : i32
      %swap3A_38 = arith.index_cast %swap3A : i32 to index
      %swap3A_39 = arith.index_cast %mul3A_37 : i32 to index
      %swap3A_40 = tpu.vector_load %arg5[%swap3A_38, %swap3A_39] {strides = array<i32>} : memref<1x10112xf32, #tpu.memory_space<vmem>>, vector<16xf32>,
      tpu.vector_store %arg5[%swap3A_38, %swap3A_39], %broadcast_in_dim3A_1 {strides = array<i32>} : memref<1x10112xf32, #tpu.memory_space<vmem>>, vector<16xf32>,
    }
    %scan3A_20 = arith.constant 632 : i32
    %dma_wait3A = arith.constant 0 : i32
    %dma_wait3A_21 = arith.constant 0 : i32
    %dma_wait3A_22 = tpu.memref_slice %arg4[%dma_wait3A, %dma_wait3A_21] : memref<1x10240xi32, #tpu.memory_space<vmem>> -> memref<1x10240xi32, #tpu.memory_space<vmem>>
    %dma_wait3A_23 = tpu.memref_squeeze %dma_wait3A_22 : memref<1x10240xi32, #tpu.memory_space<vmem>> -> memref<10240xi32, #tpu.memory_space<vmem>>
    %dma_wait3A_24 = tpu.memref_slice %arg2[%mul3A_7] : memref<327680xi32, #tpu.memory_space<hbm>> -> memref<10240xi32, #tpu.memory_space<hbm>>
    %dma_wait3A_25 = arith.constant 0 : i32
    %dma_wait3A_26 = tpu.memref_slice %arg4[%dma_wait3A, %dma_wait3A_25] : memref<1x10240xi32, #tpu.memory_space<vmem>> -> memref<1x10240xi32, #tpu.memory_space<vmem>>
    %dma_wait3A_27 = tpu.memref_squeeze %dma_wait3A_26 : memref<1x10240xi32, #tpu.memory_space<vmem>> -> memref<10240xi32, #tpu.memory_space<vmem>>
    %dma_wait3A_28 = tpu.memref_slice %arg2[%mul3A_7] : memref<327680xi32, #tpu.memory_space<hbm>> -> memref<10240xi32, #tpu.memory_space<hbm>>
    tpu.wait_dma2 semaphore(%arg6 : memref<!tpu.dma_semaphore, #tpu.memory_space<semaphore_mem>>) src(%dma_wait3A_28 : memref<10240xi32, #tpu.memory_space<hbm>>) dst(%dma_wait3A_27 : memref<10240xi32, #tpu.memory_space<vmem>>)
    %scan3A_29 = arith.constant 0 : i32
    %scan3A_30 = arith.constant 0 : i32
    %scan3A_31 = arith.constant 640 : i32
    %scan3A_32 = arith.addi %scan3A_30, %scan3A_31 : i32
    %scan3A_33 = arith.constant 1 : i32
    scf.for %scan3A_35 = %scan3A_30 to %scan3A_32 step %scan3A_33  : i32 {
      %mul3A_36 = arith.constant 16 : i32
      %mul3A_37 = arith.muli %scan3A_35, %mul3A_36 : i32
      %get3A = arith.constant 0 : i32
      %get3A_38 = arith.index_cast %get3A : i32 to index
      %get3A_39 = arith.index_cast %mul3A_37 : i32 to index
      %get3A_40 = tpu.vector_load %arg4[%get3A_38, %get3A_39] {strides = array<i32>} : memref<1x10240xi32, #tpu.memory_space<vmem>>, vector<16xi32>,
      tpu.vector_store_idx %arg5[%broadcast_in_dim3A_3, %get3A_40], %broadcast_in_dim3A_5 {add = true} : memref<1x10112xf32, #tpu.memory_space<vmem>>[vector<16xi32>, vector<16xi32>], vector<16xf32>,
    }
    %scan3A_34 = arith.constant 640 : i32
    "tpu.region"() ({
      %run_scoped3A = tpu.sem_alloc : memref<!tpu.dma_semaphore, #tpu.memory_space<semaphore_mem>>
      %dma_start3A_35 = arith.constant 0 : i32
      %dma_start3A_36 = arith.constant 0 : i32
      %dma_start3A_37 = tpu.memref_slice %arg3[%add3A, %dma_start3A_35, %dma_start3A_36] : memref<32x1x10112xf32, #tpu.memory_space<hbm>> -> memref<1x1x10112xf32, #tpu.memory_space<hbm>>
      %dma_start3A_38 = tpu.memref_squeeze %dma_start3A_37 : memref<1x1x10112xf32, #tpu.memory_space<hbm>> -> memref<1x10112xf32, #tpu.memory_space<hbm>>
      %dma_start3A_39 = arith.constant 0 : i32
      %dma_start3A_40 = arith.constant 0 : i32
      %dma_start3A_41 = tpu.memref_slice %arg3[%add3A, %dma_start3A_39, %dma_start3A_40] : memref<32x1x10112xf32, #tpu.memory_space<hbm>> -> memref<1x1x10112xf32, #tpu.memory_space<hbm>>
      %dma_start3A_42 = tpu.memref_squeeze %dma_start3A_41 : memref<1x1x10112xf32, #tpu.memory_space<hbm>> -> memref<1x10112xf32, #tpu.memory_space<hbm>>
      tpu.enqueue_dma source(%arg5 : memref<1x10112xf32, #tpu.memory_space<vmem>>) target(%dma_start3A_42 : memref<1x10112xf32, #tpu.memory_space<hbm>>) target_semaphore(%run_scoped3A : memref<!tpu.dma_semaphore, #tpu.memory_space<semaphore_mem>>)
      %dma_wait3A_43 = arith.constant 0 : i32
      %dma_wait3A_44 = arith.constant 0 : i32
      %dma_wait3A_45 = tpu.memref_slice %arg3[%add3A, %dma_wait3A_43, %dma_wait3A_44] : memref<32x1x10112xf32, #tpu.memory_space<hbm>> -> memref<1x1x10112xf32, #tpu.memory_space<hbm>>
      %dma_wait3A_46 = tpu.memref_squeeze %dma_wait3A_45 : memref<1x1x10112xf32, #tpu.memory_space<hbm>> -> memref<1x10112xf32, #tpu.memory_space<hbm>>
      %dma_wait3A_47 = arith.constant 0 : i32
      %dma_wait3A_48 = arith.constant 0 : i32
      %dma_wait3A_49 = tpu.memref_slice %arg3[%add3A, %dma_wait3A_47, %dma_wait3A_48] : memref<32x1x10112xf32, #tpu.memory_space<hbm>> -> memref<1x1x10112xf32, #tpu.memory_space<hbm>>
      %dma_wait3A_50 = tpu.memref_squeeze %dma_wait3A_49 : memref<1x1x10112xf32, #tpu.memory_space<hbm>> -> memref<1x10112xf32, #tpu.memory_space<hbm>>
      tpu.wait_dma2 semaphore(%run_scoped3A : memref<!tpu.dma_semaphore, #tpu.memory_space<semaphore_mem>>) src(%arg5 : memref<1x10112xf32, #tpu.memory_space<vmem>>) dst(%dma_wait3A_50 : memref<1x10112xf32, #tpu.memory_space<hbm>>)
      tpu.yield
    }) : () -> ()
    return
  }
}

module attributes {stable_mosaic.version = 14 : i64} {
  func.func @_dis_body(%arg0: memref<32x10112xf32, #tpu.memory_space<vmem>>, %arg1: memref<10112x1xf32, #tpu.memory_space<vmem>>) attributes {dimension_semantics = [], scalar_prefetch = 0 : i64, scratch_operands = 0 : i64, tpu.core_type = #tpu.core_type<tc>} {
    %get3A = arith.constant 0 : index
    %get3A_0 = arith.constant 0 : index
    %get3A_1 = vector.load %arg0[%get3A, %get3A_0] : memref<32x10112xf32, #tpu.memory_space<vmem>>, vector<32x10112xf32>
    %reduce_sum3A = arith.constant dense<0.000000e+00> : vector<10112xf32>
    %reduce_sum3A_2 = vector.multi_reduction <add>, %get3A_1, %reduce_sum3A [0] : vector<32x10112xf32> to vector<10112xf32>
    %add3A = arith.constant 1.000000e+00 : f32
    %add3A_3 = vector.broadcast %add3A : f32 to vector<10112xf32>
    %add3A_4 = arith.addf %add3A_3, %reduce_sum3A_2 : vector<10112xf32>
    %rsqrt3A = math.rsqrt %add3A_4 : vector<10112xf32>
    %broadcast_in_dim3A = vector.shape_cast %rsqrt3A : vector<10112xf32> to vector<10112x1xf32>
    %swap3A = arith.constant 0 : index
    %swap3A_5 = arith.constant 0 : index
    %swap3A_6 = vector.load %arg1[%swap3A, %swap3A_5] : memref<10112x1xf32, #tpu.memory_space<vmem>>, vector<10112x1xf32>
    tpu.vector_store %arg1[%swap3A, %swap3A_5], %broadcast_in_dim3A {strides = array<i32>} : memref<10112x1xf32, #tpu.memory_space<vmem>>, vector<10112x1xf32>,
    return
  }
}

module attributes {stable_mosaic.version = 14 : i64} {
  func.func @_mlp_body(%arg0: i32, %arg1: memref<1000x128xf32, #tpu.memory_space<vmem>>, %arg2: memref<1000x1xf32, #tpu.memory_space<vmem>>, %arg3: memref<128x256xf32, #tpu.memory_space<vmem>>, %arg4: memref<1x256xf32, #tpu.memory_space<vmem>>, %arg5: memref<256x128xf32, #tpu.memory_space<vmem>>, %arg6: memref<1x128xf32, #tpu.memory_space<vmem>>, %arg7: memref<256x128xf32, #tpu.memory_space<vmem>>, %arg8: memref<1000x128xf32, #tpu.memory_space<vmem>>, %arg9: memref<1000x128xf32, #tpu.memory_space<vmem>>) attributes {dimension_semantics = [#tpu.dimension_semantics<arbitrary>], iteration_bounds = array<i64: 10>, scalar_prefetch = 0 : i64, scratch_operands = 0 : i64, tpu.core_type = #tpu.core_type<tc>, window_params = [{transform_indices = @transform_0, window_bounds = array<i64: 1000, 128>}, {transform_indices = @transform_1, window_bounds = array<i64: 1000, 1>}, {pipeline_mode = #tpu.pipeline_mode<synchronous>, transform_indices = @transform_2, window_bounds = array<i64: 128, 256>}, {pipeline_mode = #tpu.pipeline_mode<synchronous>, transform_indices = @transform_3, window_bounds = array<i64: 1, 256>}, {pipeline_mode = #tpu.pipeline_mode<synchronous>, transform_indices = @transform_4, window_bounds = array<i64: 256, 128>}, {pipeline_mode = #tpu.pipeline_mode<synchronous>, transform_indices = @transform_5, window_bounds = array<i64: 1, 128>}, {pipeline_mode = #tpu.pipeline_mode<synchronous>, transform_indices = @transform_6, window_bounds = array<i64: 256, 128>}, {transform_indices = @transform_7, window_bounds = array<i64: 1000, 128>}, {transform_indices = @transform_8, window_bounds = array<i64: 1000, 128>}]} {
    %get3A = arith.constant 0 : index
    %get3A_0 = arith.constant 0 : index
    %get3A_1 = vector.load %arg1[%get3A, %get3A_0] : memref<1000x128xf32, #tpu.memory_space<vmem>>, vector<1000x128xf32>
    %get3A_2 = arith.constant 0 : index
    %get3A_3 = arith.constant 0 : index
    %get3A_4 = vector.load %arg3[%get3A_2, %get3A_3] : memref<128x256xf32, #tpu.memory_space<vmem>>, vector<128x256xf32>
    %dot_general3A = arith.constant dense<0.000000e+00> : vector<1000x256xf32>
    %dot_general3A_5 = tpu.matmul %get3A_1, %get3A_4, %dot_general3A {dimension_numbers = #tpu.dot_dimension_numbers<[1], [0], [0], [1], [0, 0, 1, 1], [], []>, transpose_lhs_hint = false} : vector<1000x128xf32>, vector<128x256xf32>, vector<1000x256xf32> -> vector<1000x256xf32>
    %get3A_6 = arith.constant 0 : index
    %get3A_7 = arith.constant 0 : index
    %get3A_8 = vector.load %arg4[%get3A_6, %get3A_7] : memref<1x256xf32, #tpu.memory_space<vmem>>, vector<1x256xf32>
    %add3A = vector.broadcast %get3A_8 : vector<1x256xf32> to vector<1000x256xf32>
    %add3A_9 = arith.addf %dot_general3A_5, %add3A : vector<1000x256xf32>
    %gt3A = arith.constant 0.000000e+00 : f32
    %gt3A_10 = vector.broadcast %gt3A : f32 to vector<1000x256xf32>
    %gt3A_11 = arith.cmpf ogt, %add3A_9, %gt3A_10 : vector<1000x256xf32>
    %exp3A = math.exp %add3A_9 : vector<1000x256xf32>
    %sub3A = arith.constant 1.000000e+00 : f32
    %sub3A_12 = vector.broadcast %sub3A : f32 to vector<1000x256xf32>
    %sub3A_13 = arith.subf %exp3A, %sub3A_12 : vector<1000x256xf32>
    %select_n3A = arith.select %gt3A_11, %add3A_9, %sub3A_13 : vector<1000x256xi1>, vector<1000x256xf32>
    %get3A_14 = arith.constant 0 : index
    %get3A_15 = arith.constant 0 : index
    %get3A_16 = vector.load %arg5[%get3A_14, %get3A_15] : memref<256x128xf32, #tpu.memory_space<vmem>>, vector<256x128xf32>
    %dot_general3A_17 = arith.constant dense<0.000000e+00> : vector<1000x128xf32>
    %dot_general3A_18 = tpu.matmul %select_n3A, %get3A_16, %dot_general3A_17 {dimension_numbers = #tpu.dot_dimension_numbers<[1], [0], [0], [1], [0, 0, 1, 1], [], []>, transpose_lhs_hint = false} : vector<1000x256xf32>, vector<256x128xf32>, vector<1000x128xf32> -> vector<1000x128xf32>
    %get3A_19 = arith.constant 0 : index
    %get3A_20 = arith.constant 0 : index
    %get3A_21 = vector.load %arg6[%get3A_19, %get3A_20] : memref<1x128xf32, #tpu.memory_space<vmem>>, vector<1x128xf32>
    %add3A_22 = vector.broadcast %get3A_21 : vector<1x128xf32> to vector<1000x128xf32>
    %add3A_23 = arith.addf %dot_general3A_18, %add3A_22 : vector<1000x128xf32>
    %gt3A_24 = arith.constant 0.000000e+00 : f32
    %gt3A_25 = vector.broadcast %gt3A_24 : f32 to vector<1000x128xf32>
    %gt3A_26 = arith.cmpf ogt, %add3A_23, %gt3A_25 : vector<1000x128xf32>
    %exp3A_27 = math.exp %add3A_23 : vector<1000x128xf32>
    %sub3A_28 = arith.constant 1.000000e+00 : f32
    %sub3A_29 = vector.broadcast %sub3A_28 : f32 to vector<1000x128xf32>
    %sub3A_30 = arith.subf %exp3A_27, %sub3A_29 : vector<1000x128xf32>
    %select_n3A_31 = arith.select %gt3A_26, %add3A_23, %sub3A_30 : vector<1000x128xi1>, vector<1000x128xf32>
    %swap3A = arith.constant 0 : index
    %swap3A_32 = arith.constant 0 : index
    %swap3A_33 = vector.load %arg8[%swap3A, %swap3A_32] : memref<1000x128xf32, #tpu.memory_space<vmem>>, vector<1000x128xf32>
    tpu.vector_store %arg8[%swap3A, %swap3A_32], %select_n3A_31 {strides = array<i32>} : memref<1000x128xf32, #tpu.memory_space<vmem>>, vector<1000x128xf32>,
    %get3A_34 = arith.constant 0 : index
    %get3A_35 = arith.constant 0 : index
    %get3A_36 = vector.load %arg7[%get3A_34, %get3A_35] : memref<256x128xf32, #tpu.memory_space<vmem>>, vector<128x128xf32>
    %dot_general3A_37 = arith.constant dense<0.000000e+00> : vector<1000x128xf32>
    %dot_general3A_38 = tpu.matmul %select_n3A_31, %get3A_36, %dot_general3A_37 {dimension_numbers = #tpu.dot_dimension_numbers<[1], [0], [0], [1], [0, 0, 1, 1], [], []>, transpose_lhs_hint = false} : vector<1000x128xf32>, vector<128x128xf32>, vector<1000x128xf32> -> vector<1000x128xf32>
    %get3A_39 = arith.constant 128 : index
    %get3A_40 = arith.constant 0 : index
    %get3A_41 = vector.load %arg7[%get3A_39, %get3A_40] : memref<256x128xf32, #tpu.memory_space<vmem>>, vector<128x128xf32>
    %dot_general3A_42 = arith.constant dense<0.000000e+00> : vector<1000x128xf32>
    %dot_general3A_43 = tpu.matmul %get3A_1, %get3A_41, %dot_general3A_42 {dimension_numbers = #tpu.dot_dimension_numbers<[1], [0], [0], [1], [0, 0, 1, 1], [], []>, transpose_lhs_hint = false} : vector<1000x128xf32>, vector<128x128xf32>, vector<1000x128xf32> -> vector<1000x128xf32>
    %add3A_44 = arith.addf %dot_general3A_38, %dot_general3A_43 : vector<1000x128xf32>
    %get3A_45 = arith.constant 0 : index
    %get3A_46 = arith.constant 0 : index
    %get3A_47 = vector.load %arg2[%get3A_45, %get3A_46] : memref<1000x1xf32, #tpu.memory_space<vmem>>, vector<1000x1xf32>
    %mul3A = vector.broadcast %get3A_47 : vector<1000x1xf32> to vector<1000x128xf32>
    %mul3A_48 = arith.mulf %add3A_44, %mul3A : vector<1000x128xf32>
    %swap3A_49 = arith.constant 0 : index
    %swap3A_50 = arith.constant 0 : index
    %swap3A_51 = vector.load %arg9[%swap3A_49, %swap3A_50] : memref<1000x128xf32, #tpu.memory_space<vmem>>, vector<1000x128xf32>
    tpu.vector_store %arg9[%swap3A_49, %swap3A_50], %mul3A_48 {strides = array<i32>} : memref<1000x128xf32, #tpu.memory_space<vmem>>, vector<1000x128xf32>,
    return
  }
  func.func @transform_0(%arg0: i32) -> (i32, i32) {
    %c0_i32 = arith.constant 0 : i32
    %c0_i32_0 = arith.constant 0 : i32
    return %arg0, %c0_i32 : i32, i32
  }
  func.func @transform_1(%arg0: i32) -> (i32, i32) {
    %c0_i32 = arith.constant 0 : i32
    %c0_i32_0 = arith.constant 0 : i32
    return %arg0, %c0_i32 : i32, i32
  }
  func.func @transform_2(%arg0: i32) -> (i32, i32) {
    %c0_i32 = arith.constant 0 : i32
    %c0_i32_0 = arith.constant 0 : i32
    %c0_i32_1 = arith.constant 0 : i32
    return %c0_i32, %c0_i32_0 : i32, i32
  }
  func.func @transform_3(%arg0: i32) -> (i32, i32) {
    %c0_i32 = arith.constant 0 : i32
    %c0_i32_0 = arith.constant 0 : i32
    %c0_i32_1 = arith.constant 0 : i32
    return %c0_i32, %c0_i32_0 : i32, i32
  }
  func.func @transform_4(%arg0: i32) -> (i32, i32) {
    %c0_i32 = arith.constant 0 : i32
    %c0_i32_0 = arith.constant 0 : i32
    %c0_i32_1 = arith.constant 0 : i32
    return %c0_i32, %c0_i32_0 : i32, i32
  }
  func.func @transform_5(%arg0: i32) -> (i32, i32) {
    %c0_i32 = arith.constant 0 : i32
    %c0_i32_0 = arith.constant 0 : i32
    %c0_i32_1 = arith.constant 0 : i32
    return %c0_i32, %c0_i32_0 : i32, i32
  }
  func.func @transform_6(%arg0: i32) -> (i32, i32) {
    %c0_i32 = arith.constant 0 : i32
    %c0_i32_0 = arith.constant 0 : i32
    %c0_i32_1 = arith.constant 0 : i32
    return %c0_i32, %c0_i32_0 : i32, i32
  }
  func.func @transform_7(%arg0: i32) -> (i32, i32) {
    %c0_i32 = arith.constant 0 : i32
    %c0_i32_0 = arith.constant 0 : i32
    return %arg0, %c0_i32 : i32, i32
  }
  func.func @transform_8(%arg0: i32) -> (i32, i32) {
    %c0_i32 = arith.constant 0 : i32
    %c0_i32_0 = arith.constant 0 : i32
    return %arg0, %c0_i32 : i32, i32
  }
}

module attributes {stable_mosaic.version = 14 : i64} {
  func.func @_comb_body(%arg0: i32, %arg1: memref<1000x128xf32, #tpu.memory_space<vmem>>, %arg2: memref<1000x128xf32, #tpu.memory_space<vmem>>, %arg3: memref<1000x128xf32, #tpu.memory_space<vmem>>, %arg4: memref<1000x1xf32, #tpu.memory_space<vmem>>, %arg5: memref<256x128xf32, #tpu.memory_space<vmem>>, %arg6: memref<1x128xf32, #tpu.memory_space<vmem>>, %arg7: memref<1x128xf32, #tpu.memory_space<vmem>>, %arg8: memref<1000x128xf32, #tpu.memory_space<vmem>>) attributes {dimension_semantics = [#tpu.dimension_semantics<arbitrary>], iteration_bounds = array<i64: 10>, scalar_prefetch = 0 : i64, scratch_operands = 0 : i64, tpu.core_type = #tpu.core_type<tc>, window_params = [{transform_indices = @transform_0, window_bounds = array<i64: 1000, 128>}, {transform_indices = @transform_1, window_bounds = array<i64: 1000, 128>}, {transform_indices = @transform_2, window_bounds = array<i64: 1000, 128>}, {transform_indices = @transform_3, window_bounds = array<i64: 1000, 1>}, {pipeline_mode = #tpu.pipeline_mode<synchronous>, transform_indices = @transform_4, window_bounds = array<i64: 256, 128>}, {pipeline_mode = #tpu.pipeline_mode<synchronous>, transform_indices = @transform_5, window_bounds = array<i64: 1, 128>}, {pipeline_mode = #tpu.pipeline_mode<synchronous>, transform_indices = @transform_6, window_bounds = array<i64: 1, 128>}, {transform_indices = @transform_7, window_bounds = array<i64: 1000, 128>}]} {
    %get3A = arith.constant 0 : index
    %get3A_0 = arith.constant 0 : index
    %get3A_1 = vector.load %arg4[%get3A, %get3A_0] : memref<1000x1xf32, #tpu.memory_space<vmem>>, vector<1000x1xf32>
    %get3A_2 = arith.constant 0 : index
    %get3A_3 = arith.constant 0 : index
    %get3A_4 = vector.load %arg2[%get3A_2, %get3A_3] : memref<1000x128xf32, #tpu.memory_space<vmem>>, vector<1000x128xf32>
    %get3A_5 = arith.constant 0 : index
    %get3A_6 = arith.constant 0 : index
    %get3A_7 = vector.load %arg3[%get3A_5, %get3A_6] : memref<1000x128xf32, #tpu.memory_space<vmem>>, vector<1000x128xf32>
    %add3A = arith.addf %get3A_4, %get3A_7 : vector<1000x128xf32>
    %mul3A = vector.broadcast %get3A_1 : vector<1000x1xf32> to vector<1000x128xf32>
    %mul3A_8 = arith.mulf %add3A, %mul3A : vector<1000x128xf32>
    %get3A_9 = arith.constant 0 : index
    %get3A_10 = arith.constant 0 : index
    %get3A_11 = vector.load %arg7[%get3A_9, %get3A_10] : memref<1x128xf32, #tpu.memory_space<vmem>>, vector<1x128xf32>
    %add3A_12 = vector.broadcast %get3A_11 : vector<1x128xf32> to vector<1000x128xf32>
    %add3A_13 = arith.addf %mul3A_8, %add3A_12 : vector<1000x128xf32>
    %get3A_14 = arith.constant 0 : index
    %get3A_15 = arith.constant 0 : index
    %get3A_16 = vector.load %arg1[%get3A_14, %get3A_15] : memref<1000x128xf32, #tpu.memory_space<vmem>>, vector<1000x128xf32>
    %get3A_17 = arith.constant 0 : index
    %get3A_18 = arith.constant 0 : index
    %get3A_19 = vector.load %arg5[%get3A_17, %get3A_18] : memref<256x128xf32, #tpu.memory_space<vmem>>, vector<128x128xf32>
    %dot_general3A = arith.constant dense<0.000000e+00> : vector<1000x128xf32>
    %dot_general3A_20 = tpu.matmul %get3A_16, %get3A_19, %dot_general3A {dimension_numbers = #tpu.dot_dimension_numbers<[1], [0], [0], [1], [0, 0, 1, 1], [], []>, transpose_lhs_hint = false} : vector<1000x128xf32>, vector<128x128xf32>, vector<1000x128xf32> -> vector<1000x128xf32>
    %get3A_21 = arith.constant 128 : index
    %get3A_22 = arith.constant 0 : index
    %get3A_23 = vector.load %arg5[%get3A_21, %get3A_22] : memref<256x128xf32, #tpu.memory_space<vmem>>, vector<128x128xf32>
    %dot_general3A_24 = arith.constant dense<0.000000e+00> : vector<1000x128xf32>
    %dot_general3A_25 = tpu.matmul %add3A_13, %get3A_23, %dot_general3A_24 {dimension_numbers = #tpu.dot_dimension_numbers<[1], [0], [0], [1], [0, 0, 1, 1], [], []>, transpose_lhs_hint = false} : vector<1000x128xf32>, vector<128x128xf32>, vector<1000x128xf32> -> vector<1000x128xf32>
    %add3A_26 = arith.addf %dot_general3A_20, %dot_general3A_25 : vector<1000x128xf32>
    %get3A_27 = arith.constant 0 : index
    %get3A_28 = arith.constant 0 : index
    %get3A_29 = vector.load %arg6[%get3A_27, %get3A_28] : memref<1x128xf32, #tpu.memory_space<vmem>>, vector<1x128xf32>
    %add3A_30 = vector.broadcast %get3A_29 : vector<1x128xf32> to vector<1000x128xf32>
    %add3A_31 = arith.addf %add3A_26, %add3A_30 : vector<1000x128xf32>
    %gt3A = arith.constant 0.000000e+00 : f32
    %gt3A_32 = vector.broadcast %gt3A : f32 to vector<1000x128xf32>
    %gt3A_33 = arith.cmpf ogt, %add3A_31, %gt3A_32 : vector<1000x128xf32>
    %exp3A = math.exp %add3A_31 : vector<1000x128xf32>
    %sub3A = arith.constant 1.000000e+00 : f32
    %sub3A_34 = vector.broadcast %sub3A : f32 to vector<1000x128xf32>
    %sub3A_35 = arith.subf %exp3A, %sub3A_34 : vector<1000x128xf32>
    %select_n3A = arith.select %gt3A_33, %add3A_31, %sub3A_35 : vector<1000x128xi1>, vector<1000x128xf32>
    %swap3A = arith.constant 0 : index
    %swap3A_36 = arith.constant 0 : index
    %swap3A_37 = vector.load %arg8[%swap3A, %swap3A_36] : memref<1000x128xf32, #tpu.memory_space<vmem>>, vector<1000x128xf32>
    tpu.vector_store %arg8[%swap3A, %swap3A_36], %select_n3A {strides = array<i32>} : memref<1000x128xf32, #tpu.memory_space<vmem>>, vector<1000x128xf32>,
    return
  }
  func.func @transform_0(%arg0: i32) -> (i32, i32) {
    %c0_i32 = arith.constant 0 : i32
    %c0_i32_0 = arith.constant 0 : i32
    return %arg0, %c0_i32 : i32, i32
  }
  func.func @transform_1(%arg0: i32) -> (i32, i32) {
    %c0_i32 = arith.constant 0 : i32
    %c0_i32_0 = arith.constant 0 : i32
    return %arg0, %c0_i32 : i32, i32
  }
  func.func @transform_2(%arg0: i32) -> (i32, i32) {
    %c0_i32 = arith.constant 0 : i32
    %c0_i32_0 = arith.constant 0 : i32
    return %arg0, %c0_i32 : i32, i32
  }
  func.func @transform_3(%arg0: i32) -> (i32, i32) {
    %c0_i32 = arith.constant 0 : i32
    %c0_i32_0 = arith.constant 0 : i32
    return %arg0, %c0_i32 : i32, i32
  }
  func.func @transform_4(%arg0: i32) -> (i32, i32) {
    %c0_i32 = arith.constant 0 : i32
    %c0_i32_0 = arith.constant 0 : i32
    %c0_i32_1 = arith.constant 0 : i32
    return %c0_i32, %c0_i32_0 : i32, i32
  }
  func.func @transform_5(%arg0: i32) -> (i32, i32) {
    %c0_i32 = arith.constant 0 : i32
    %c0_i32_0 = arith.constant 0 : i32
    %c0_i32_1 = arith.constant 0 : i32
    return %c0_i32, %c0_i32_0 : i32, i32
  }
  func.func @transform_6(%arg0: i32) -> (i32, i32) {
    %c0_i32 = arith.constant 0 : i32
    %c0_i32_0 = arith.constant 0 : i32
    %c0_i32_1 = arith.constant 0 : i32
    return %c0_i32, %c0_i32_0 : i32, i32
  }
  func.func @transform_7(%arg0: i32) -> (i32, i32) {
    %c0_i32 = arith.constant 0 : i32
    %c0_i32_0 = arith.constant 0 : i32
    return %arg0, %c0_i32 : i32, i32
  }
}

</mosaic_0001>

<sc_bundles>
// kernel: kernel.10.cloned.1.call-start
scs
__scs_entry_jumppad:
0x0: {  	(pc) =	sbr.rel $0x88, $3  }
0x1: {  	(tag) =	ssettag $0x0;
	lr =	simm.s32 $0x1  }
0x2: {  	[smem:$0x3F96] =	sst lr;
	_ =	strace $0xD0000000  }
0x3: {  	_ = 	snop  }
0x4: {  	_ = 	snop  }
0x5: {  	_ = 	snop  }
0x6: {  	_ = 	snop  }
0x7: {  	_ = 	snop  }
__scs_overlays_trampoline_lowered:
0x8: {  	[smem:$0x3FA5] =	sst s0  }
0x9: {  	[smem:$0x3FA6] =	sst s1  }
0xa: {  	[smem:$0x3FA7] =	sst s2  }
0xb: {  	[smem:$0x3FA8] =	sst s3  }
0xc: {  	[smem:$0x3FA9] =	sst s4  }
0xd: {  	[smem:$0x3FAA] =	sst s5  }
0xe: {  	[smem:$0x3FAB] =	sst s6  }
0xf: {  	[smem:$0x3FAC] =	sst s7  }
0x10: {  	[smem:$0x3FAD] =	sst s8  }
0x11: {  	[smem:$0x3FAE] =	sst s9;
	s0 =	simm.s32 @!p0 $0x0  }
0x12: {  	s1 =	sld [smem:$0x3F94];
	s0 =	simm.s32 @p0 $0x1  }
0x13: {  	[smem:$0x3FAF] =	sst s0;
	s0 =	simm.s32 @!p1 $0x0  }
0x14: {  	s2 =	sld [smem:$0x3F93];
	s0 =	simm.s32 @p1 $0x1  }
0x15: {  	[smem:$0x3FB0] =	sst s0;
	s0 =	simm.s32 @!p2 $0x0  }
0x16: {  	s3 =	sld [smem:$0x3FDB];
	s0 =	simm.s32 @p2 $0x1  }
0x17: {  	s4 =	simm.s32 $0x1BF5;
	[smem:$0x3FB2] =	sst s0  }
0x18: {  	s0 =	sld [smem:$0x3F95];
	_ =	swait.ge [sflag:s4], $0x0  }
0x19: {  	s7 =	sld [smem:$0x3F96]  }
0x1a: {  	s8 =	sadd.s32 $0xFFFFE003, lr  }
0x1b: {  	s9 =	sadd.s32 $0xFFFFFEF7, lr;
	s5 =	simm.s32 $0xFFFFFFFF;
	p2 =	slt.u32 s8, $0xFFFFF086  }
0x1c: {  	p1 =	slt.u32 s9, $0xF7A;
	s5 =	simm.s32 @!p2 $0x0  }
0x1d: {  	s5 =	simm.s32 @p1 $0x1;
	p0 =	seq.s32 s7, s2  }
0x1e: {  	s7 =	smul.u32 @!p0 $0xF7A, s2;
	p2 =	seq.s32 @!p0 s5, $0x0  }
0x1f: {  	s9 =	smul.u32 $0xF7A, s1;
	s8 =	simm.s32 @!p0 $0x1BF5;
	p2 =	por !p2, p0  }
0x20: {  	[sflag:s8] =	ssyncset.s32 @!p0 $0xFFFFF086;
	s6 =	sadd.s32 @!p0 s3, s7;
	s7 =	simm.s32 @!p0 $0x108  }
0x21: {  	s3 =	sadd.s32 s3, s9;
	s6 =	sadd.s32 @!p0 $0x88, s6;
	s7 =	simm.s32 @p2 $0x1082  }
0x22: {  	[simem:s7], [sflag:s8] =	dma.local @!p0 [hbm:s6], $0xF7A  }
0x23: {  	s9 =	sor.u32 $0xD0000000, s2;
	s6 =	simm.s32 $0x108;
	_ =	swait.ge @!p0 [sflag:s8], $0x0  }
0x24: {  	s3 =	sadd.s32 $0x88, s3;
	s6 =	simm.s32 @!p1 $0x1082;
	[sflag:s4] =	ssyncset.s32 $0xFFFFF086  }
0x25: {  	[simem:s6], [sflag:s4] =	dma.local [hbm:s3], $0xF7A  }
0x26: {  	[smem:$0x3F96] =	sst s1;
	(tag) =	ssettag s2;
	_ =	strace s9  }
0x27: {  	s1 =	sld [smem:$0x3FA6]  }
0x28: {  	s2 =	sld [smem:$0x3FA7]  }
0x29: {  	s4 =	sld [smem:$0x3FA9]  }
0x2a: {  	p0 =	seq.s32 s5, $0x0;
	s5 =	sld [smem:$0x3FAA]  }
0x2b: {  	s6 =	sld [smem:$0x3FAB]  }
0x2c: {  	s7 =	sld [smem:$0x3FAC]  }
0x2d: {  	s3 =	simm.s32 $0x108;
	s8 =	sld [smem:$0x3FAD]  }
0x2e: {  	s3 =	simm.s32 @!p0 $0x1082;
	s9 =	sld [smem:$0x3FAE]  }
0x2f: {  	lr =	sadd.s32 s0, s3;
	s0 =	sld [smem:$0x3FA5]  }
0x30: {  	s3 =	sld [smem:$0x3FA8]  }
0x31: {  	[smem:$0x3FB1] =	sst s10  }
0x32: {  	s10 =	sld [smem:$0x3FAF];
	_ =	sdelay $0x3  }
0x33: {  	p0 =	seq.s32 s10, $0x1;
	s10 =	sld [smem:$0x3FB1];
	_ =	sdelay $0x3  }
0x34: {  	[smem:$0x3FB1] =	sst s10  }
0x35: {  	s10 =	sld [smem:$0x3FB0];
	_ =	sdelay $0x3  }
0x36: {  	p1 =	seq.s32 s10, $0x1;
	s10 =	sld [smem:$0x3FB1];
	_ =	sdelay $0x3  }
0x37: {  	[smem:$0x3FB1] =	sst s10  }
0x38: {  	s10 =	sld [smem:$0x3FB2]  }
0x39: {  	_ = 	snop;
	(pc) =	sbr.ind lr, $3  }
0x3a: {  	_ = 	snop  }
0x3b: {  	_ = 	snop  }
0x3c: {  	p2 =	seq.s32 s10, $0x1;
	s10 =	sld [smem:$0x3FB1]  }
0x3d: {  	_ =	shalt  }
0x3e: {  	_ =	shalt  }
0x3f: {  	_ =	shalt  }
0x40: {  	_ =	shalt  }
0x41: {  	_ =	shalt  }
0x42: {  	_ =	shalt  }
0x43: {  	_ =	shalt  }
0x44: {  	_ =	shalt  }
0x45: {  	_ =	shalt  }
0x46: {  	_ =	shalt  }
0x47: {  	_ =	shalt  }
0x48: {  	_ =	shalt  }
0x49: {  	_ =	shalt  }
0x4a: {  	_ =	shalt  }
0x4b: {  	_ =	shalt  }
0x4c: {  	_ =	shalt  }
0x4d: {  	_ =	shalt  }
0x4e: {  	_ =	shalt  }
0x4f: {  	_ =	shalt  }
0x50: {  	_ =	shalt  }
0x51: {  	_ =	shalt  }
0x52: {  	_ =	shalt  }
0x53: {  	_ =	shalt  }
0x54: {  	_ =	shalt  }
0x55: {  	_ =	shalt  }
0x56: {  	_ =	shalt  }
0x57: {  	_ =	shalt  }
0x58: {  	_ =	shalt  }
0x59: {  	_ =	shalt  }
0x5a: {  	_ =	shalt  }
0x5b: {  	_ =	shalt  }
0x5c: {  	_ =	shalt  }
0x5d: {  	_ =	shalt  }
0x5e: {  	_ =	shalt  }
0x5f: {  	_ =	shalt  }
0x60: {  	_ =	shalt  }
0x61: {  	_ =	shalt  }
0x62: {  	_ =	shalt  }
0x63: {  	_ =	shalt  }
0x64: {  	_ =	shalt  }
0x65: {  	_ =	shalt  }
0x66: {  	_ =	shalt  }
0x67: {  	_ =	shalt  }
0x68: {  	_ =	shalt  }
0x69: {  	_ =	shalt  }
0x6a: {  	_ =	shalt  }
0x6b: {  	_ =	shalt  }
0x6c: {  	_ =	shalt  }
0x6d: {  	_ =	shalt  }
0x6e: {  	_ =	shalt  }
0x6f: {  	_ =	shalt  }
0x70: {  	_ =	shalt  }
0x71: {  	_ =	shalt  }
0x72: {  	_ =	shalt  }
0x73: {  	_ =	shalt  }
0x74: {  	_ =	shalt  }
0x75: {  	_ =	shalt  }
0x76: {  	_ =	shalt  }
0x77: {  	_ =	shalt  }
0x78: {  	_ =	shalt  }
0x79: {  	_ =	shalt  }
0x7a: {  	_ =	shalt  }
0x7b: {  	_ =	shalt  }
0x7c: {  	_ =	shalt  }
0x7d: {  	_ =	shalt  }
0x7e: {  	_ =	shalt  }
0x7f: {  	_ =	shalt  }
0x80: {  	_ =	shalt  }
0x81: {  	_ =	shalt  }
0x82: {  	_ =	shalt  }
0x83: {  	_ =	shalt  }
0x84: {  	_ =	shalt  }
0x85: {  	_ =	shalt  }
0x86: {  	_ =	shalt  }
0x87: {  	_ =	shalt  }
.Lfunc_end0:
.L_simem_size_0:
called_computation.1_lowered:
.L_overlay_start_0:
0x88: {  	s2 =	sld [smem:$0x3FD9]  }
0x89: {  	s3 =	sld [smem:$0x3FFE];
	_ =	sdelay $0x1  }
0x8a: {  	s1 =	srdreg.scid  }
0x8b: {  	s0 =	sand.u32 $0x1, s1  }
0x8c: {  	s14 =	sshll.u32 s0, $0xA;
	s2 =	sadd.s32 s3, s2  }
0x8d: {  	s2 =	sadd.s32 s2, s14  }
0x8e: {  	[smem:$0x3FBD] =	sst s2  }
0x8f: {  	_ = 	snop  }
0x90: {  	s2 =	sld [smem:$0x3FD0];
	_ =	sdelay $0x2  }
0x91: {  	s15 =	simm.s32 $0xA;
	s4 =	simm.s32 $0x10  }
0x92: {  	[smem:s4], [sflag:s15] =	dma.local [hbm:s2], $0x1  }
0x93: {  	_ =	swait.eq [sflag:s15], $0x1  }
0x94: {  	[sflag:s15] =	ssyncset.done $0x0  }
0x95: {  	s16 =	sld [smem:$0x10];
	[sflag:s15] =	ssyncadd.s32 $0xFFFFFFFF  }
0x96: {  	s17 =	sld [smem:$0x11];
	(tm) =	ssettm $0x1  }
0x97: {  	s18 =	sld [smem:$0x3FFB];
	_ =	sdelay $0x3  }
0x98: {  	_ =	strace s18  }
0x99: {  	s4 =	sld [smem:$0x3FFC];
	_ =	sdelay $0x3  }
0x9a: {  	_ =	strace s4  }
0x9b: {  	s4 =	sld [smem:$0x3FFD];
	_ =	sdelay $0x3  }
0x9c: {  	_ =	strace s4  }
0x9d: {  	_ =	strace $0x8FFFFFFF  }
0x9e: {  	s19 =	sld [smem:$0x3FDB];
	_ =	sdelay $0x1  }
0x9f: {  	s5 =	simm.s32 $_scs_section_size  }
0xa0: {  	s6 =	simm.s32 $_size__tile_overlayer_lowered;
	s7 =	simm.s32 $_tile_overlayer_lowered  }
0xa1: {  	s22 =	simm.s32 $0x1BFF;
	s21 =	sshll.u32 s7, $0x1;
	s4 =	sadd.s32 s5, s19  }
0xa2: {  	s8 =	simm.s32 $0x0;
	s20 =	sshll.u32 s6, $0x1;
	s6 =	sadd.s32 s21, s4  }
0xa3: {  	[timem:s8], [sflag:s22] =	dma.local [hbm:s6], s20  }
0xa4: {  	_ =	swait.ge [sflag:s22], s20  }
0xa5: {  	s5 =	ssub.s32 $0x0, s20;
	[sflag:s22] =	ssyncset.done $0x0  }
0xa6: {  	[sflag:s22] =	ssyncadd.s32 s5;
	_ =	sdelay $0x1  }
0xa7: {  	s23 =	simm.s32 $0x1B8B  }
0xa8: {  	_ =	swait.ge [sflag:s23], $0x1  }
0xa9: {  	[sflag:s23] =	ssyncset.done $0x0  }
0xaa: {  	s25 =	simm.s32 $0x1B8E;
	s24 =	sld [smem:$0x3FFE];
	[sflag:s23] =	ssyncadd.s32 $0xFFFFFFFF  }
0xab: {  	s26 =	simm.s32 $execute0_lowered;
	[smem:$0x3FD2] =	sst s25  }
0xac: {  	s6 =	sshll.u32 s26, $0x1;
	_ =	strace $0x80000049;
	[dreg:$0x1] =	wrdreg $0xFFFFFFFF  }
0xad: {  	s28 =	simm.s32 $_size_execute0_lowered;
	s4 =	sadd.s32 s4, s6;
	[dreg:$0x0] =	wrdreg $0x0  }
0xae: {  	s6 =	sshll.u32 s28, $0x1;
	[dreg:$0x2] =	wrdreg s4  }
0xaf: {  	[dreg:$0x3] =	wrdreg s6  }
0xb0: {  	[dreg:$0x4] =	wrdreg $0xC0  }
0xb1: {  	_ =	task [dreg:s8], $0x5FFFF  }
0xb2: {  	[dreg:$0x1] =	wrdreg $0xFFFFFFFF  }
0xb3: {  	[dreg:$0x0] =	wrdreg $0x60  }
0xb4: {  	[dreg:$0x2] =	wrdreg s16  }
0xb5: {  	[dreg:$0x3] =	wrdreg s17  }
0xb6: {  	[dreg:$0x4] =	wrdreg s24  }
0xb7: {  	[dreg:$0x5] =	wrdreg $0xC3800  }
0xb8: {  	[dreg:$0x6] =	wrdreg $0x9  }
0xb9: {  	_ =	task.clear_ibuf [dreg:s8], $0x7FFFF;
	_ =	strace $0x90000049  }
0xba: {  	s29 =	simm.s32 $0x9;
	_ =	strace $0x8000004B  }
0xbb: {  	_ =	swait.ge [sflag:s29], $0x1  }
0xbc: {  	[sflag:s29] =	ssyncadd.s32 $0xFFFFFFFF  }
0xbd: {  	_ =	strace $0x9000004B  }
0xbe: {  	_ =	sfence  }
0xbf: {  	s30 =	sld [smem:$0x0];
	_ =	sdelay $0x2  }
0xc0: {  	s31 =	sshll.u32 s1, $0xD;
	s1 =	sshrl.u32 s1, $0x2  }
0xc1: {  	s3 =	sand.u32 $0x4000, s31;
	s1 =	sadd.s32 s1, s30  }
0xc2: {  	s0 =	sor.u32 s3, s0;
	s1 =	sshll.u32 s1, $0x11  }
0xc3: {  	s0 =	sor.u32 s1, s0  }
0xc4: {  	s0 =	sadd.s32 $0x8F2B, s0  }
0xc5: {  	[sflag:s0] =	ssyncadd.remote.s32 $0x1  }
0xc6: {  	_ =	sfence.sel $0xFFFF  }
0xc7: {  	[dreg:$0x0] =	wrdreg $0xFFFFFFFF;
	(pc) =	sbr.abs _section_cstart, $3  }
0xc8: {  	[dreg:$0x1] =	wrdreg $0xFFFFFFFF  }
0xc9: {  	_ =	task.clear_ibuf [dreg:s8], $0x2FFFF;
	_ =	strace $0x9FFFFFFF  }
0xca: {  	(tm) =	ssettm $0x7FFFFFFF  }
0xcb: {  	_ =	shalt  }
tec
execute0_lowered:
.L_overlay_start_1:
0x0: {  	(tag) =	ssettag $0x1  }
0x1: {  	s0 =	rddreg [dreg:$0x0]  }
0x2: {  	s1 =	rddreg [dreg:$0x1];
	s17 =	stileid.u32  }
0x3: {  	s7 =	rddreg [dreg:$0x2];
	s9 =	smul.u32 $0x278, s17  }
0x4: {  	s2 =	rddreg [dreg:$0x3];
	s6 =	smul.u32 $0x4F000, s17  }
0x5: {  	s3 =	simm.s32 $0x0;
	s4 =	srdreg.scid;
	s24 =	smul.u32 $0x50, s17  }
0x6: {  	[smem:$0x7FF] =	sst s3;
	s8 =	sand.u32 $0x1, s4;
	s13 =	smul.u32 $0x2780, s17  }
0x7: {  	s4 =	sadd.s32 $0x2C00, s7;
	_ =	strace $0x8000004A;
	s11 =	smul.u32 $0x500, s8  }
0x8: {  	s5 =	ssub.s32 $0x2, s8;
	p0 =	seq.s32 s8, $0x0;
	s20 =	smul.u32 $0x5000, s8  }
0x9: {  	s10 =	sshrl.u32 s5, $0x1;
	s23 =	sshrl.u32 s6, $0x2;
	s12 =	sadd.s32 $0x80, s9  }
0xa: {  	s26 =	sadd.s32 $0x100, s9;
	s10 =	ssub.s32 s5, s10;
	s5 =	sadd.s32 s23, s2  }
0xb: {  	s14 =	sshll.u32 s12, $0x7;
	s11 =	sadd.s32 s24, s11;
	s12 =	sshll.u32 s12, $0x4  }
0xc: {  	s23 =	smul.u32 $0x500, s17;
	s24 =	sshll.u32 s26, $0x4;
	s25 =	sadd.s32 s14, s2  }
0xd: {  	s11 =	sshll.u32 s11, $0x4;
	s14 =	sshll.u32 s26, $0x7;
	[dreg:$0x5] =	wrdreg s25  }
0xe: {  	s28 =	sadd.s32 s0, s11;
	s15 =	sor.u32 $0x10, s11;
	s29 =	sadd.s32 s1, s11  }
0xf: {  	s16 =	sor.u32 $0x20, s11;
	s11 =	sor.u32 $0x30, s11;
	[dreg:$0x6] =	wrdreg s28  }
0x10: {  	s25 =	sadd.s32 $0x180, s9;
	s26 =	sadd.s32 s14, s2;
	[dreg:$0x7] =	wrdreg s29  }
0x11: {  	s14 =	sadd.s32 s4, s12;
	s30 =	sadd.s32 s0, s15;
	[dreg:$0xe] =	wrdreg s26  }
0x12: {  	s15 =	sadd.s32 s1, s15;
	s18 =	sadd.s32 s0, s16;
	[dreg:$0x12] =	wrdreg s14  }
0x13: {  	s19 =	sadd.s32 s1, s16;
	s21 =	sadd.s32 s0, s11;
	[dreg:$0x8] =	wrdreg s30  }
0x14: {  	s22 =	sadd.s32 s1, s11;
	s1 =	sadd.s32 s20, s1;
	[dreg:$0x9] =	wrdreg s15  }
0x15: {  	s0 =	sadd.s32 s20, s0;
	s28 =	sshll.u32 s25, $0x7;
	[dreg:$0xa] =	wrdreg s18  }
0x16: {  	s11 =	sshll.u32 s25, $0x4;
	s16 =	sadd.s32 s4, s24;
	[dreg:$0xb] =	wrdreg s19  }
0x17: {  	s25 =	sadd.s32 $0x4000, s5;
	s14 =	simm.s32 $0x6;
	[dreg:$0xc] =	wrdreg s21  }
0x18: {  	s15 =	simm.s32 $0x2A400;
	[dreg:$0xd] =	wrdreg s22;
	s1 =	sadd.s32 s23, s1  }
0x19: {  	s0 =	sadd.s32 s23, s0;
	s29 =	sadd.s32 s28, s2;
	[dreg:$0x14] =	wrdreg s16  }
0x1a: {  	s30 =	sadd.s32 $0x200, s9;
	s9 =	sadd.s32 s4, s13;
	[dreg:$0x1c] =	wrdreg s25  }
0x1b: {  	s18 =	sadd.s32 s4, s11;
	s28 =	sadd.s32 $0x8000, s5;
	[dreg:$0xf] =	wrdreg s29  }
0x1c: {  	s15 =	simm.s32 @!p0 $0x51C00;
	p0 =	sne.s32 s8, $0x0;
	[dreg:$0x10] =	wrdreg s9  }
0x1d: {  	[dreg:$0x16] =	wrdreg s18;
	s9 =	sshll.u32 s30, $0x4;
	s22 =	sshll.u32 s30, $0x7  }
0x1e: {  	s26 =	sadd.s32 $0x40, s1;
	[dreg:$0x1d] =	wrdreg s28;
	s29 =	sadd.s32 $0xC000, s5  }
0x1f: {  	s31 =	sadd.s32 $0x40, s0;
	s30 =	sadd.s32 $0x10000, s5;
	[dreg:$0x1e] =	wrdreg s29  }
0x20: {  	s0 =	simm.s32 $0x80;
	s21 =	sadd.s32 s4, s9;
	[dreg:$0x1f] =	wrdreg s30  }
0x21: {  	s7 =	sadd.s32 s15, s7;
	s23 =	sadd.s32 s22, s2;
	[dreg:$0x19] =	wrdreg s21  }
0x22: {  	s18 =	simm.s32 $0x7;
	s13 =	sadd.s32 s7, s13;
	[dreg:$0x1a] =	wrdreg s23  }
0x23: {  	s22 =	simm.s32 $0x0;
	s15 =	sadd.s32 s7, s12;
	[dreg:$0x11] =	wrdreg s13  }
0x24: {  	s17 =	sadd.s32 s7, s24;
	s19 =	sadd.s32 s7, s11;
	[dreg:$0x13] =	wrdreg s15  }
0x25: {  	s20 =	sadd.s32 s7, s9;
	s24 =	smax.u32 s10, $0x1;
	[dreg:$0x15] =	wrdreg s17  }
0x26: {  	s21 =	simm.s32 $0x380;
	s23 =	simm.s32 $0x9;
	[dreg:$0x17] =	wrdreg s19  }
0x27: {  	s12 =	simm.s32 $0x280;
	s9 =	simm.s32 $0x2;
	[dreg:$0x18] =	wrdreg s20  }
0x28: {  	s10 =	simm.s32 $0x4380;
	[dreg:$0x1b] =	wrdreg s24;
	s17 =	simm.s32 $0x1  }
0x29: {  	v0 =	vimm.f32 $0.0e+00;
	s19 =	simm.s32 $0x3;
	s13 =	simm.s32 $0x300;
	s20 =	simm.s32 $0x8  }
.LBB2_1:
.Ltmp0:
0x2a: {  	(pc) =	sbr.rel @p0 .LBB2_3-.Ltmp0, $1  }
0x2b: {  	_ =	sdelay $0x3  }
0x2c: {  	s1 =	rddreg [dreg:$0x10]  }
0x2d: {  	[tilespmem:s21], [sflag:$0x9] =	stream.linear.gather [hbm4b:s1+s3], $0x4000, $0x38;
	[tilespmem:$0x1FF80] =	vst v63  }
0x2e: {  	_ =	swait.ge [sflag:s23], $0x4000  }
0x2f: {  	[sflag:s23] =	ssyncset.done $0x0  }
0x30: {  	[sflag:s23] =	ssyncadd.s32 $0xFFFFC000  }
0x31: {  	[spmem:s5] =	stream.linear.scatter [tilespmem:s21], [sflag:$0x9], $0x4000, $0x38;
	[tilespmem:$0x1FF80] =	vst v63  }
0x32: {  	_ =	swait.ge [sflag:s23], $0x4000  }
0x33: {  	[sflag:s23] =	ssyncset.done $0x0  }
0x34: {  	s11 =	rddreg [dreg:$0x12];
	[sflag:s23] =	ssyncadd.s32 $0xFFFFC000  }
0x35: {  	[tilespmem:s21], [sflag:$0x9] =	stream.linear.gather [hbm4b:s11+s3], $0x4000, $0x38;
	[tilespmem:$0x1FF80] =	vst v63  }
0x36: {  	_ =	swait.ge [sflag:s23], $0x4000  }
0x37: {  	[sflag:s23] =	ssyncset.done $0x0  }
0x38: {  	s15 =	rddreg [dreg:$0x5];
	[sflag:s23] =	ssyncadd.s32 $0xFFFFC000  }
0x39: {  	[spmem:s15] =	stream.linear.scatter [tilespmem:s21], [sflag:$0x9], $0x4000, $0x38;
	[tilespmem:$0x1FF80] =	vst v63  }
0x3a: {  	_ =	swait.ge [sflag:s23], $0x4000  }
0x3b: {  	[sflag:s23] =	ssyncset.done $0x0  }
0x3c: {  	s16 =	rddreg [dreg:$0x14];
	[sflag:s23] =	ssyncadd.s32 $0xFFFFC000  }
0x3d: {  	[tilespmem:s21], [sflag:$0x9] =	stream.linear.gather [hbm4b:s16+s3], $0x4000, $0x38;
	[tilespmem:$0x1FF80] =	vst v63  }
0x3e: {  	_ =	swait.ge [sflag:s23], $0x4000  }
0x3f: {  	[sflag:s23] =	ssyncset.done $0x0  }
0x40: {  	s24 =	rddreg [dreg:$0xe];
	[sflag:s23] =	ssyncadd.s32 $0xFFFFC000  }
0x41: {  	[spmem:s24] =	stream.linear.scatter [tilespmem:s21], [sflag:$0x9], $0x4000, $0x38;
	[tilespmem:$0x1FF80] =	vst v63  }
0x42: {  	_ =	swait.ge [sflag:s23], $0x4000  }
0x43: {  	[sflag:s23] =	ssyncset.done $0x0  }
0x44: {  	s25 =	rddreg [dreg:$0x16];
	[sflag:s23] =	ssyncadd.s32 $0xFFFFC000  }
0x45: {  	[tilespmem:s21], [sflag:$0x9] =	stream.linear.gather [hbm4b:s25+s3], $0x4000, $0x38;
	[tilespmem:$0x1FF80] =	vst v63  }
0x46: {  	_ =	swait.ge [sflag:s23], $0x4000  }
0x47: {  	[sflag:s23] =	ssyncset.done $0x0  }
0x48: {  	s28 =	rddreg [dreg:$0xf];
	[sflag:s23] =	ssyncadd.s32 $0xFFFFC000  }
0x49: {  	[spmem:s28] =	stream.linear.scatter [tilespmem:s21], [sflag:$0x9], $0x4000, $0x38;
	[tilespmem:$0x1FF80] =	vst v63  }
0x4a: {  	_ =	swait.ge [sflag:s23], $0x4000  }
0x4b: {  	[sflag:s23] =	ssyncset.done $0x0  }
0x4c: {  	s29 =	rddreg [dreg:$0x19];
	[sflag:s23] =	ssyncadd.s32 $0xFFFFC000  }
0x4d: {  	[tilespmem:s21], [sflag:$0x9] =	stream.linear.gather [hbm4b:s29+s3], $0x3C00, $0x38;
	[tilespmem:$0x1FF80] =	vst v63  }
.Ltmp1:
0x4e: {  	_ = 	snop;
	(pc) =	sbr.rel .LBB2_6-.Ltmp1, $4  }
0x4f: {  	_ =	swait.ge [sflag:s23], $0x3C00  }
0x50: {  	[sflag:s23] =	ssyncset.done $0x0  }
0x51: {  	s30 =	rddreg [dreg:$0x1a];
	[sflag:s23] =	ssyncadd.s32 $0xFFFFC400  }
0x52: {  	[spmem:s30] =	stream.linear.scatter [tilespmem:s21], [sflag:$0x9], $0x3C00, $0x38;
	[tilespmem:$0x1FF80] =	vst v63  }
.LBB2_3:
0x53: {  	s1 =	sand.u32 $0xFE00, s3  }
0x54: {  	s7 =	sand.u32 $0x70, s3;
	s8 =	sshrl.u32 s1, $0x2  }
0x55: {  	s1 =	simm.s32 $0x40;
	s8 =	sor.u32 s7, s8;
	s7 =	simm.s32 $0x0  }
.LBB2_4:
0x56: {  	p1 =	sne.s32 s1, $0xFFC0  }
0x57: {  	[tilespmem:s8+$0x380] =	vst v0;
	s7 =	sadd.s32 $0x10, s7;
	s8 =	smov.u32 s1;
	s1 =	sadd.s32 $0x40, s1  }
.Ltmp2:
0x58: {  	(pc) =	sbr.rel @p1 .LBB2_4-.Ltmp2, $4  }
0x59: {  	_ = 	snop  }
0x5a: {  	s8 =	sand.u32 $0xFE00, s8  }
0x5b: {  	s11 =	sand.u32 $0x70, s7;
	s8 =	sshrl.u32 s8, $0x2  }
0x5c: {  	s8 =	sor.u32 s11, s8  }
0x5d: {  	[tilespmem:s8+$0x380] =	vst v0  }
0x5e: {  	[spmem:s5] =	stream.linear.scatter [tilespmem:s21], [sflag:$0x9], $0x4000, $0x38;
	[tilespmem:$0x1FF80] =	vst v63  }
0x5f: {  	_ =	swait.ge [sflag:s23], $0x4000  }
0x60: {  	[sflag:s23] =	ssyncset.done $0x0  }
0x61: {  	s1 =	rddreg [dreg:$0x1c];
	[sflag:s23] =	ssyncadd.s32 $0xFFFFC000  }
0x62: {  	[spmem:s1] =	stream.linear.scatter [tilespmem:s21], [sflag:$0x9], $0x4000, $0x38;
	[tilespmem:$0x1FF80] =	vst v63  }
0x63: {  	_ =	swait.ge [sflag:s23], $0x4000  }
0x64: {  	[sflag:s23] =	ssyncset.done $0x0  }
0x65: {  	s28 =	rddreg [dreg:$0x1d];
	[sflag:s23] =	ssyncadd.s32 $0xFFFFC000  }
0x66: {  	[spmem:s28] =	stream.linear.scatter [tilespmem:s21], [sflag:$0x9], $0x4000, $0x38;
	[tilespmem:$0x1FF80] =	vst v63  }
0x67: {  	_ =	swait.ge [sflag:s23], $0x4000  }
0x68: {  	[sflag:s23] =	ssyncset.done $0x0  }
0x69: {  	s29 =	rddreg [dreg:$0x1e];
	[sflag:s23] =	ssyncadd.s32 $0xFFFFC000  }
0x6a: {  	[spmem:s29] =	stream.linear.scatter [tilespmem:s21], [sflag:$0x9], $0x4000, $0x38;
	[tilespmem:$0x1FF80] =	vst v63  }
0x6b: {  	_ =	swait.ge [sflag:s23], $0x4000  }
0x6c: {  	[sflag:s23] =	ssyncset.done $0x0  }
0x6d: {  	s30 =	rddreg [dreg:$0x1f];
	[sflag:s23] =	ssyncadd.s32 $0xFFFFC000  }
0x6e: {  	[spmem:s30] =	stream.linear.scatter [tilespmem:s21], [sflag:$0x9], $0x3C00, $0x38;
	[tilespmem:$0x1FF80] =	vst v63  }
.LBB2_6:
0x6f: {  	_ =	swait.ge [sflag:s23], $0x3C00  }
0x70: {  	[sflag:s23] =	ssyncset.done $0x0  }
0x71: {  	[sflag:s23] =	ssyncadd.s32 $0xFFFFC400  }
0x72: {  	[bflag:$0x0] =	sbarrier.arrive $0xFFFF  }
0x73: {  	s1 =	rddreg [dreg:$0x6]  }
0x74: {  	[tilespmem:s3], [sflag:$0x1] =	stream.linear.gather [hbm4b:s1+s3], $0x80, $0x38;
	[tilespmem:$0x1FF80] =	vst v63  }
0x75: {  	s6 =	simm.s32 $0x180;
	s24 =	rddreg [dreg:$0x7]  }
0x76: {  	[tilespmem:s6], [sflag:$0x1] =	stream.linear.gather [hbm4b:s24+s3], $0x80, $0x38;
	[tilespmem:$0x1FF80] =	vst v63  }
0x77: {  	s25 =	rddreg [dreg:$0x8]  }
0x78: {  	[tilespmem:s0], [sflag:$0x2] =	stream.linear.gather [hbm4b:s25+s3], $0x80, $0x38;
	[tilespmem:$0x1FF80] =	vst v63  }
0x79: {  	s7 =	simm.s32 $0x200;
	s28 =	rddreg [dreg:$0x9]  }
0x7a: {  	[tilespmem:s7], [sflag:$0x2] =	stream.linear.gather [hbm4b:s28+s3], $0x80, $0x38;
	[tilespmem:$0x1FF80] =	vst v63  }
0x7b: {  	_ =	swait.ge [sflag:s17], $0x80  }
0x7c: {  	[sflag:s17] =	ssyncset.done $0x0  }
0x7d: {  	[sflag:s17] =	ssyncadd.s32 $0xFFFFFF80  }
0x7e: {  	_ =	swait.ge [sflag:s17], $0x80  }
0x7f: {  	[sflag:s17] =	ssyncset.done $0x0  }
0x80: {  	[sflag:s17] =	ssyncadd.s32 $0xFFFFFF80  }
0x81: {  	[tilespmem:s21], [sflag:$0x3] =	stream.indirect.gather [hbm4b:s4+s0], $0x80, s3, s0, $0xb8;
	[tilespmem:$0x1FF80] =	vst v63  }
0x82: {  	_ =	swait.ge [sflag:s19], $0x4000  }
0x83: {  	[sflag:s19] =	ssyncset.done $0x0  }
0x84: {  	[sflag:s19] =	ssyncadd.s32 $0xFFFFC000  }
0x85: {  	[spmem:s2] =	stream.indirect.scatter.add.f32 [tilespmem:s21], [sflag:$0x5], $0x80, s6, s0, $0xb8;
	[tilespmem:$0x1FF80] =	vst v63  }
0x86: {  	s8 =	simm.s32 $0x100;
	s6 =	rddreg [dreg:$0xa]  }
0x87: {  	[tilespmem:s8], [sflag:$0x1] =	stream.linear.gather [hbm4b:s6+s3], $0x80, $0x38;
	[tilespmem:$0x1FF80] =	vst v63  }
0x88: {  	s11 =	rddreg [dreg:$0xb]  }
0x89: {  	[tilespmem:s12], [sflag:$0x1] =	stream.linear.gather [hbm4b:s11+s3], $0x80, $0x38;
	[tilespmem:$0x1FF80] =	vst v63  }
0x8a: {  	_ =	swait.ge [sflag:s9], $0x80  }
0x8b: {  	[sflag:s9] =	ssyncset.done $0x0  }
0x8c: {  	[sflag:s9] =	ssyncadd.s32 $0xFFFFFF80  }
0x8d: {  	s24 =	simm.s32 $0x8380;
	s11 =	simm.s32 $0x0;
	_ =	swait.ge [sflag:s9], $0x80  }
0x8e: {  	s12 =	simm.s32 $0x4;
	s11 =	sand.u32 $0x3, s11;
	[sflag:s9] =	ssyncset.done $0x0  }
0x8f: {  	s1 =	smul.u32 $0xAB, s12;
	s11 =	sadd.s32 $0x0, s11;
	[sflag:s9] =	ssyncadd.s32 $0xFFFFFF80  }
0x90: {  	[tilespmem:s10], [sflag:$0x4] =	stream.indirect.gather [hbm4b:s4+s0], $0x80, s0, s0, $0xb8;
	[tilespmem:$0x1FF80] =	vst v63  }
0x91: {  	s6 =	simm.s32 $0x3;
	s11 =	sand.u32 $0xFC, s11;
	_ =	swait.ge [sflag:s12], $0x4000  }
0x92: {  	s25 =	sadd.s32 $0xFFFFFEAA, s1;
	s11 =	ssub.s32 $0x0, s11;
	[sflag:s12] =	ssyncset.done $0x0  }
0x93: {  	s28 =	sshrl.u32 s1, $0x9;
	s11 =	sshll.u32 s11, $0x18;
	[sflag:s12] =	ssyncadd.s32 $0xFFFFC000  }
0x94: {  	[spmem:s2] =	stream.indirect.scatter.add.f32 [tilespmem:s10], [sflag:$0x6], $0x80, s7, s0, $0xb8;
	[tilespmem:$0x1FF80] =	vst v63  }
0x95: {  	s1 =	sadd.s32 $0xFFFFFF55, s1;
	s11 =	sshra.s32 s11, $0x18;
	s15 =	rddreg [dreg:$0xc]  }
0x96: {  	[tilespmem:s3], [sflag:$0x2] =	stream.linear.gather [hbm4b:s15+s3], $0x80, $0x38;
	[tilespmem:$0x1FF80] =	vst v63  }
0x97: {  	s11 =	sadd.s32 $0x5, s11;
	s16 =	rddreg [dreg:$0xd];
	s12 =	sshrl.u32 s1, $0x9  }
0x98: {  	[tilespmem:s13], [sflag:$0x2] =	stream.linear.gather [hbm4b:s16+s3], $0x80, $0x38;
	[tilespmem:$0x1FF80] =	vst v63  }
0x99: {  	s1 =	sand.u32 $0x1, s6;
	s7 =	sshrl.u32 s25, $0x9;
	_ =	swait.ge [sflag:s17], $0x80  }
0x9a: {  	s25 =	simm.s32 $0x2;
	s7 =	sand.u32 $0x7F, s7;
	[sflag:s17] =	ssyncset.done $0x0  }
0x9b: {  	s29 =	sand.u32 $0x1, s25;
	s7 =	smul.u32 $0x3, s7;
	[sflag:s17] =	ssyncadd.s32 $0xFFFFFF80  }
0x9c: {  	s25 =	sand.u32 $0x3, s25;
	s30 =	sadd.s32 $0x3, s29;
	_ =	swait.ge [sflag:s17], $0x80  }
0x9d: {  	s15 =	sadd.s32 $0x1, s29;
	s7 =	ssub.s32 $0x2, s7;
	[sflag:s17] =	ssyncset.done $0x0  }
0x9e: {  	s13 =	sand.u32 $0x7F, s12;
	s7 =	sand.u32 $0xFF, s7;
	[sflag:s17] =	ssyncadd.s32 $0xFFFFFF80  }
0x9f: {  	[tilespmem:s24], [sflag:$0x3] =	stream.indirect.gather [hbm4b:s4+s0], $0x80, s8, s0, $0xb8;
	[tilespmem:$0x1FF80] =	vst v63  }
0xa0: {  	s7 =	sshll.u32 s7, $0xE;
	s8 =	sand.u32 $0x7F, s28;
	_ =	swait.ge [sflag:s30], $0x4000  }
0xa1: {  	s7 =	sor.u32 $0x380, s7;
	s8 =	smul.u32 $0x3, s8;
	[sflag:s30] =	ssyncset.done $0x0  }
0xa2: {  	[sflag:s30] =	ssyncadd.s32 $0xFFFFC000;
	s30 =	sadd.s32 $0x5, s25;
	s25 =	sshll.u32 s25, $0x7  }
0xa3: {  	s24 =	simm.s32 $0x800;
	s8 =	ssub.s32 $0x4, s8;
	s25 =	sadd.s32 $0x180, s25  }
0xa4: {  	[spmem:s2] =	stream.indirect.scatter.add.f32 [tilespmem:s7], [sflag:s30], $0x80, s25, s0, $0xb8;
	[tilespmem:$0x1FF80] =	vst v63  }
0xa5: {  	s8 =	sand.u32 $0xFF, s8;
	s30 =	sand.u32 $0x600, s24;
	_ =	swait.ge [sflag:s11], $0x4000  }
0xa6: {  	s7 =	smul.u32 $0x3, s13;
	s8 =	sshll.u32 s8, $0x7;
	[sflag:s11] =	ssyncset.done $0x0  }
0xa7: {  	s25 =	simm.s32 $0x5;
	s29 =	sshrl.u32 s30, $0x2;
	[sflag:s11] =	ssyncadd.s32 $0xFFFFC000  }
0xa8: {  	[tilespmem:s8], [sflag:s15] =	stream.linear.gather [hbm4b:s31+s3], $0x80, $0x38;
	[tilespmem:$0x1FF80] =	vst v63  }
0xa9: {  	s16 =	ssub.s32 $0x3, s7;
	s28 =	sadd.s32 $0x180, s29;
	s7 =	sadd.s32 $0x1, s1  }
0xaa: {  	[tilespmem:s28], [sflag:s15] =	stream.linear.gather [hbm4b:s26+s3], $0x80, $0x38;
	[tilespmem:$0x1FF80] =	vst v63  }
0xab: {  	s30 =	smov.u32 s26;
	s8 =	sand.u32 $0xFF, s16;
	_ =	swait.ge [sflag:s7], $0x80  }
0xac: {  	s29 =	sadd.s32 $0x10, s31;
	s11 =	sshll.u32 s8, $0xE;
	[sflag:s7] =	ssyncset.done $0x0  }
.LBB2_7:
0xad: {  	[sflag:s7] =	ssyncadd.s32 $0xFFFFFF80  }
0xae: {  	s24 =	sadd.s32 $0x200, s24;
	s30 =	sadd.s32 $0x10, s30;
	s6 =	smov.u32 s25  }
0xaf: {  	s8 =	sshll.u32 s8, $0x7;
	s11 =	sor.u32 $0x380, s11;
	_ =	swait.ge [sflag:s7], $0x80  }
0xb0: {  	p1 =	sne.s32 s25, $0x4F;
	s1 =	sadd.s32 $0x3, s1;
	[sflag:s7] =	ssyncset.done $0x0  }
0xb1: {  	s25 =	sadd.s32 $0x1, s25;
	s15 =	smul.u32 $0xAB, s6;
	[sflag:s7] =	ssyncadd.s32 $0xFFFFFF80  }
0xb2: {  	[tilespmem:s11], [sflag:s1] =	stream.indirect.gather [hbm4b:s4+s0], $0x80, s8, s0, $0xb8;
	[tilespmem:$0x1FF80] =	vst v63  }
0xb3: {  	_ = 	snop  }
0xb4: {  	s7 =	sadd.s32 $0xFFFFFFFC, s6;
	s1 =	sadd.s32 $0xFFFFFEAA, s15;
	s8 =	sshrl.u32 s15, $0x9  }
0xb5: {  	s11 =	sshll.u32 s7, $0x18;
	s1 =	sshrl.u32 s1, $0x9;
	s8 =	sand.u32 $0x7F, s8  }
0xb6: {  	s11 =	sshra.s32 s11, $0x1F;
	s1 =	sand.u32 $0x7F, s1;
	s8 =	smul.u32 $0x3, s8  }
0xb7: {  	s16 =	sadd.s32 $0xFFFFFFFE, s6;
	s11 =	sand.u32 $0x3, s11;
	s1 =	smul.u32 $0x3, s1  }
0xb8: {  	s28 =	sand.u32 $0x1, s16;
	s11 =	sadd.s32 s11, s7;
	s8 =	ssub.s32 s6, s8  }
0xb9: {  	s11 =	sand.u32 $0xFC, s11;
	s1 =	ssub.s32 s16, s1;
	s16 =	sand.u32 $0x3, s16  }
0xba: {  	s7 =	ssub.s32 s7, s11;
	s1 =	sand.u32 $0xFF, s1;
	s12 =	sadd.s32 $0x5, s16  }
0xbb: {  	s11 =	sshll.u32 s16, $0x7;
	s7 =	sshll.u32 s7, $0x18;
	s1 =	sshll.u32 s1, $0xE  }
0xbc: {  	s7 =	sshra.s32 s7, $0x18;
	s16 =	sor.u32 $0x380, s1;
	s1 =	sadd.s32 $0x3, s28  }
0xbd: {  	s11 =	sadd.s32 $0x180, s11;
	s7 =	sadd.s32 $0x5, s7;
	_ =	swait.ge [sflag:s1], $0x4000  }
0xbe: {  	s15 =	sadd.s32 $0xFFFFFF55, s15;
	s8 =	sand.u32 $0xFF, s8;
	[sflag:s1] =	ssyncset.done $0x0  }
0xbf: {  	s15 =	sshrl.u32 s15, $0x9;
	s6 =	sadd.s32 $0xFFFFFFFF, s6;
	[sflag:s1] =	ssyncadd.s32 $0xFFFFC000  }
0xc0: {  	s13 =	sand.u32 $0x600, s24;
	s15 =	sand.u32 $0x7F, s15;
	s1 =	sand.u32 $0x1, s6  }
0xc1: {  	[spmem:s2] =	stream.indirect.scatter.add.f32 [tilespmem:s16], [sflag:s12], $0x80, s11, s0, $0xb8;
	[tilespmem:$0x1FF80] =	vst v63  }
0xc2: {  	s11 =	sadd.s32 $0x1, s28;
	s12 =	smul.u32 $0x3, s15;
	_ =	swait.ge [sflag:s7], $0x4000  }
0xc3: {  	s13 =	sshrl.u32 s13, $0x2;
	s8 =	sshll.u32 s8, $0x7;
	[sflag:s7] =	ssyncset.done $0x0  }
0xc4: {  	s6 =	ssub.s32 s6, s12;
	[sflag:s7] =	ssyncadd.s32 $0xFFFFC000  }
0xc5: {  	[tilespmem:s8], [sflag:s11] =	stream.linear.gather [hbm4b:s29+s3], $0x80, $0x38;
	[tilespmem:$0x1FF80] =	vst v63  }
.Ltmp3:
0xc6: {  	_ = 	snop;
	(pc) =	sbr.rel @p1 .LBB2_7-.Ltmp3, $4  }
0xc7: {  	s12 =	sadd.s32 $0x180, s13;
	s7 =	sadd.s32 $0x1, s1;
	s8 =	sand.u32 $0xFF, s6  }
0xc8: {  	[tilespmem:s12], [sflag:s11] =	stream.linear.gather [hbm4b:s30+s3], $0x80, $0x38;
	[tilespmem:$0x1FF80] =	vst v63  }
0xc9: {  	s11 =	sshll.u32 s8, $0xE;
	_ =	swait.ge [sflag:s7], $0x80  }
0xca: {  	s29 =	sadd.s32 $0x10, s29;
	[sflag:s7] =	ssyncset.done $0x0  }
0xcb: {  	[sflag:s7] =	ssyncadd.s32 $0xFFFFFF80  }
0xcc: {  	_ =	swait.ge [sflag:s7], $0x80  }
0xcd: {  	s6 =	sshll.u32 s8, $0x7;
	[sflag:s7] =	ssyncset.done $0x0  }
0xce: {  	s29 =	sor.u32 $0x380, s11;
	s1 =	sadd.s32 $0x3, s1;
	[sflag:s7] =	ssyncadd.s32 $0xFFFFFF80  }
0xcf: {  	[tilespmem:s29], [sflag:s1] =	stream.indirect.gather [hbm4b:s4+s0], $0x80, s6, s0, $0xb8;
	[tilespmem:$0x1FF80] =	vst v63  }
0xd0: {  	_ =	swait.ge [sflag:s19], $0x4000  }
0xd1: {  	[sflag:s19] =	ssyncset.done $0x0  }
0xd2: {  	s12 =	simm.s32 $0x280;
	s30 =	simm.s32 $0x5;
	[sflag:s19] =	ssyncadd.s32 $0xFFFFC000  }
0xd3: {  	[spmem:s2] =	stream.indirect.scatter.add.f32 [tilespmem:s21], [sflag:$0x7], $0x80, s12, s0, $0xb8;
	[tilespmem:$0x1FF80] =	vst v63  }
0xd4: {  	_ =	swait.ge [sflag:s30], $0x4000  }
0xd5: {  	[sflag:s30] =	ssyncset.done $0x0  }
0xd6: {  	[sflag:s30] =	ssyncadd.s32 $0xFFFFC000  }
0xd7: {  	_ =	swait.ge [sflag:s9], $0x80  }
0xd8: {  	[sflag:s9] =	ssyncset.done $0x0  }
0xd9: {  	[sflag:s9] =	ssyncadd.s32 $0xFFFFFF80  }
0xda: {  	_ =	swait.ge [sflag:s9], $0x80  }
0xdb: {  	[sflag:s9] =	ssyncset.done $0x0  }
0xdc: {  	s6 =	simm.s32 $0x4;
	[sflag:s9] =	ssyncadd.s32 $0xFFFFFF80  }
0xdd: {  	[tilespmem:s10], [sflag:$0x4] =	stream.indirect.gather [hbm4b:s4+s0], $0x80, s0, s0, $0xb8;
	[tilespmem:$0x1FF80] =	vst v63  }
0xde: {  	_ =	swait.ge [sflag:s6], $0x4000  }
0xdf: {  	[sflag:s6] =	ssyncset.done $0x0  }
0xe0: {  	s13 =	simm.s32 $0x300;
	[sflag:s6] =	ssyncadd.s32 $0xFFFFC000  }
0xe1: {  	[spmem:s2] =	stream.indirect.scatter.add.f32 [tilespmem:s10], [sflag:$0x8], $0x80, s13, s0, $0xb8;
	[tilespmem:$0x1FF80] =	vst v63  }
0xe2: {  	_ =	swait.ge [sflag:s14], $0x4000  }
0xe3: {  	[sflag:s14] =	ssyncset.done $0x0  }
0xe4: {  	[sflag:s14] =	ssyncadd.s32 $0xFFFFC000  }
0xe5: {  	_ =	swait.ge [sflag:s18], $0x4000  }
0xe6: {  	[sflag:s18] =	ssyncset.done $0x0  }
0xe7: {  	[sflag:s18] =	ssyncadd.s32 $0xFFFFC000  }
0xe8: {  	_ =	swait.ge [sflag:s20], $0x4000  }
0xe9: {  	[sflag:s20] =	ssyncset.done $0x0  }
0xea: {  	[sflag:s20] =	ssyncadd.s32 $0xFFFFC000  }
0xeb: {  	[bflag:$0x0] =	sbarrier.arrive $0xFFFF  }
0xec: {  	[tilespmem:s21], [sflag:$0x9] =	stream.linear.gather [spmem:s5], $0x4000, $0x38;
	[tilespmem:$0x1FF80] =	vst v63  }
0xed: {  	_ =	swait.ge [sflag:s23], $0x4000  }
0xee: {  	[sflag:s23] =	ssyncset.done $0x0  }
0xef: {  	s7 =	rddreg [dreg:$0x11];
	[sflag:s23] =	ssyncadd.s32 $0xFFFFC000  }
0xf0: {  	[hbm4b:s7+s3] =	stream.linear.scatter [tilespmem:s21], [sflag:$0x9], $0x4000, $0x38;
	[tilespmem:$0x1FF80] =	vst v63  }
0xf1: {  	_ =	swait.ge [sflag:s23], $0x4000  }
0xf2: {  	[sflag:s23] =	ssyncset.done $0x0  }
0xf3: {  	s8 =	rddreg [dreg:$0x5];
	[sflag:s23] =	ssyncadd.s32 $0xFFFFC000  }
0xf4: {  	[tilespmem:s21], [sflag:$0x9] =	stream.linear.gather [spmem:s8], $0x4000, $0x38;
	[tilespmem:$0x1FF80] =	vst v63  }
0xf5: {  	_ =	swait.ge [sflag:s23], $0x4000  }
0xf6: {  	[sflag:s23] =	ssyncset.done $0x0  }
0xf7: {  	s11 =	rddreg [dreg:$0x13];
	[sflag:s23] =	ssyncadd.s32 $0xFFFFC000  }
0xf8: {  	[hbm4b:s11+s3] =	stream.linear.scatter [tilespmem:s21], [sflag:$0x9], $0x4000, $0x38;
	[tilespmem:$0x1FF80] =	vst v63  }
0xf9: {  	_ =	swait.ge [sflag:s23], $0x4000  }
0xfa: {  	[sflag:s23] =	ssyncset.done $0x0  }
0xfb: {  	s15 =	rddreg [dreg:$0xe];
	[sflag:s23] =	ssyncadd.s32 $0xFFFFC000  }
0xfc: {  	[tilespmem:s21], [sflag:$0x9] =	stream.linear.gather [spmem:s15], $0x4000, $0x38;
	[tilespmem:$0x1FF80] =	vst v63  }
0xfd: {  	_ =	swait.ge [sflag:s23], $0x4000  }
0xfe: {  	[sflag:s23] =	ssyncset.done $0x0  }
0xff: {  	s16 =	rddreg [dreg:$0x15];
	[sflag:s23] =	ssyncadd.s32 $0xFFFFC000  }
0x100: {  	[hbm4b:s16+s3] =	stream.linear.scatter [tilespmem:s21], [sflag:$0x9], $0x4000, $0x38;
	[tilespmem:$0x1FF80] =	vst v63  }
0x101: {  	_ =	swait.ge [sflag:s23], $0x4000  }
0x102: {  	[sflag:s23] =	ssyncset.done $0x0  }
0x103: {  	s24 =	rddreg [dreg:$0xf];
	[sflag:s23] =	ssyncadd.s32 $0xFFFFC000  }
0x104: {  	[tilespmem:s21], [sflag:$0x9] =	stream.linear.gather [spmem:s24], $0x4000, $0x38;
	[tilespmem:$0x1FF80] =	vst v63  }
0x105: {  	_ =	swait.ge [sflag:s23], $0x4000  }
0x106: {  	[sflag:s23] =	ssyncset.done $0x0  }
0x107: {  	s25 =	rddreg [dreg:$0x17];
	[sflag:s23] =	ssyncadd.s32 $0xFFFFC000  }
0x108: {  	[hbm4b:s25+s3] =	stream.linear.scatter [tilespmem:s21], [sflag:$0x9], $0x4000, $0x38;
	[tilespmem:$0x1FF80] =	vst v63  }
0x109: {  	_ =	swait.ge [sflag:s23], $0x4000  }
0x10a: {  	[sflag:s23] =	ssyncset.done $0x0  }
0x10b: {  	s28 =	rddreg [dreg:$0x1a];
	[sflag:s23] =	ssyncadd.s32 $0xFFFFC000  }
0x10c: {  	[tilespmem:s21], [sflag:$0x9] =	stream.linear.gather [spmem:s28], $0x3C00, $0x38;
	[tilespmem:$0x1FF80] =	vst v63  }
0x10d: {  	_ =	swait.ge [sflag:s23], $0x3C00  }
0x10e: {  	[sflag:s23] =	ssyncset.done $0x0  }
0x10f: {  	s29 =	rddreg [dreg:$0x18];
	[sflag:s23] =	ssyncadd.s32 $0xFFFFC400  }
0x110: {  	[hbm4b:s29+s3] =	stream.linear.scatter [tilespmem:s21], [sflag:$0x9], $0x3C00, $0x38;
	[tilespmem:$0x1FF80] =	vst v63  }
0x111: {  	_ =	swait.ge [sflag:s23], $0x3C00  }
0x112: {  	s22 =	sadd.s32 $0x1, s22;
	s30 =	rddreg [dreg:$0x1b]  }
0x113: {  	p1 =	sne.s32 s22, s30  }
.Ltmp4:
0x114: {  	_ = 	snop;
	(pc) =	sbr.rel @p1 .LBB2_1-.Ltmp4, $3  }
0x115: {  	_ =	sdelay $0x1  }
0x116: {  	[sflag:s23] =	ssyncset.done $0x0  }
0x117: {  	[sflag:s23] =	ssyncadd.s32 $0xFFFFC400  }
0x118: {  	_ =	sfence.sel $0x180000  }
0x119: {  	[bflag:$0x0] =	sbarrier.arrive $0xFFFF  }
0x11a: {  	_ =	strace $0x9000004A  }
0x11b: {  	s0 =	stileid.u32;
	[bflag:$0x2] =	sbarrier.arrive $0xFFFF  }
0x11c: {  	p0 =	sne.s32 s0, $0x0;
	s0 =	rddreg [dreg:$0x4]  }
0x11d: {  	s0 =	sadd.s32 @!p0 $0x100000, s0  }
0x11e: {  	[sflag:s0] =	ssyncadd.tile.s32 @!p0 $0x1;
	_ =	shalt  }
.Lfunc_end2:
_tile_overlayer_lowered:
.L_overlay_start_2:
0x11f: {  	(tag) =	ssettag $0x2  }
0x120: {  	s0 =	rddreg [dreg:$0x0];
	s2 =	stileid.u32  }
0x121: {  	s1 =	rddreg [dreg:$0x1];
	p0 =	sne.s32 s2, $0x0  }
0x122: {  	s3 =	rddreg [dreg:$0x2];
	[bflag:$0x3] =	sbarrier.arrive $0xFFFF;
	s2 =	simm.s32 @!p0 $0x1C09  }
0x123: {  	[timem:s3], [sflag:s2] =	dma.local @!p0 [hbm:s0], s1  }
0x124: {  	s0 =	simm.s32 @!p0 $0x9  }
0x125: {  	_ =	swait.ge @!p0 [sflag:s0], s1  }
0x126: {  	s1 =	ssub.s32 @!p0 $0x0, s1;
	[sflag:s0] =	ssyncset.done @!p0 $0x0  }
0x127: {  	[sflag:s0] =	ssyncadd.s32 @!p0 s1  }
0x128: {  	[bflag:$0x3] =	sbarrier.arrive $0xFFFF  }
0x129: {  	_ =	shalt  }

// kernel: kernel.7.cloned.1.call-start
scs
__scs_entry_jumppad:
0x0: {  	(pc) =	sbr.rel $0x88, $3  }
0x1: {  	(tag) =	ssettag $0x0;
	lr =	simm.s32 $0x1  }
0x2: {  	[smem:$0x3F96] =	sst lr;
	_ =	strace $0xD0000000  }
0x3: {  	_ = 	snop  }
0x4: {  	_ = 	snop  }
0x5: {  	_ = 	snop  }
0x6: {  	_ = 	snop  }
0x7: {  	_ = 	snop  }
__scs_overlays_trampoline_lowered:
0x8: {  	[smem:$0x3FA5] =	sst s0  }
0x9: {  	[smem:$0x3FA6] =	sst s1  }
0xa: {  	[smem:$0x3FA7] =	sst s2  }
0xb: {  	[smem:$0x3FA8] =	sst s3  }
0xc: {  	[smem:$0x3FA9] =	sst s4  }
0xd: {  	[smem:$0x3FAA] =	sst s5  }
0xe: {  	[smem:$0x3FAB] =	sst s6  }
0xf: {  	[smem:$0x3FAC] =	sst s7  }
0x10: {  	[smem:$0x3FAD] =	sst s8  }
0x11: {  	[smem:$0x3FAE] =	sst s9;
	s0 =	simm.s32 @!p0 $0x0  }
0x12: {  	s1 =	sld [smem:$0x3F94];
	s0 =	simm.s32 @p0 $0x1  }
0x13: {  	[smem:$0x3FAF] =	sst s0;
	s0 =	simm.s32 @!p1 $0x0  }
0x14: {  	s2 =	sld [smem:$0x3F93];
	s0 =	simm.s32 @p1 $0x1  }
0x15: {  	[smem:$0x3FB0] =	sst s0;
	s0 =	simm.s32 @!p2 $0x0  }
0x16: {  	s3 =	sld [smem:$0x3FDB];
	s0 =	simm.s32 @p2 $0x1  }
0x17: {  	s4 =	simm.s32 $0x1BF5;
	[smem:$0x3FB2] =	sst s0  }
0x18: {  	s0 =	sld [smem:$0x3F95];
	_ =	swait.ge [sflag:s4], $0x0  }
0x19: {  	s7 =	sld [smem:$0x3F96]  }
0x1a: {  	s8 =	sadd.s32 $0xFFFFE003, lr  }
0x1b: {  	s9 =	sadd.s32 $0xFFFFFEF7, lr;
	s5 =	simm.s32 $0xFFFFFFFF;
	p2 =	slt.u32 s8, $0xFFFFF086  }
0x1c: {  	p1 =	slt.u32 s9, $0xF7A;
	s5 =	simm.s32 @!p2 $0x0  }
0x1d: {  	s5 =	simm.s32 @p1 $0x1;
	p0 =	seq.s32 s7, s2  }
0x1e: {  	s7 =	smul.u32 @!p0 $0xF7A, s2;
	p2 =	seq.s32 @!p0 s5, $0x0  }
0x1f: {  	s9 =	smul.u32 $0xF7A, s1;
	s8 =	simm.s32 @!p0 $0x1BF5;
	p2 =	por !p2, p0  }
0x20: {  	[sflag:s8] =	ssyncset.s32 @!p0 $0xFFFFF086;
	s6 =	sadd.s32 @!p0 s3, s7;
	s7 =	simm.s32 @!p0 $0x108  }
0x21: {  	s3 =	sadd.s32 s3, s9;
	s6 =	sadd.s32 @!p0 $0x88, s6;
	s7 =	simm.s32 @p2 $0x1082  }
0x22: {  	[simem:s7], [sflag:s8] =	dma.local @!p0 [hbm:s6], $0xF7A  }
0x23: {  	s9 =	sor.u32 $0xD0000000, s2;
	s6 =	simm.s32 $0x108;
	_ =	swait.ge @!p0 [sflag:s8], $0x0  }
0x24: {  	s3 =	sadd.s32 $0x88, s3;
	s6 =	simm.s32 @!p1 $0x1082;
	[sflag:s4] =	ssyncset.s32 $0xFFFFF086  }
0x25: {  	[simem:s6], [sflag:s4] =	dma.local [hbm:s3], $0xF7A  }
0x26: {  	[smem:$0x3F96] =	sst s1;
	(tag) =	ssettag s2;
	_ =	strace s9  }
0x27: {  	s1 =	sld [smem:$0x3FA6]  }
0x28: {  	s2 =	sld [smem:$0x3FA7]  }
0x29: {  	s4 =	sld [smem:$0x3FA9]  }
0x2a: {  	p0 =	seq.s32 s5, $0x0;
	s5 =	sld [smem:$0x3FAA]  }
0x2b: {  	s6 =	sld [smem:$0x3FAB]  }
0x2c: {  	s7 =	sld [smem:$0x3FAC]  }
0x2d: {  	s3 =	simm.s32 $0x108;
	s8 =	sld [smem:$0x3FAD]  }
0x2e: {  	s3 =	simm.s32 @!p0 $0x1082;
	s9 =	sld [smem:$0x3FAE]  }
0x2f: {  	lr =	sadd.s32 s0, s3;
	s0 =	sld [smem:$0x3FA5]  }
0x30: {  	s3 =	sld [smem:$0x3FA8]  }
0x31: {  	[smem:$0x3FB1] =	sst s10  }
0x32: {  	s10 =	sld [smem:$0x3FAF];
	_ =	sdelay $0x3  }
0x33: {  	p0 =	seq.s32 s10, $0x1;
	s10 =	sld [smem:$0x3FB1];
	_ =	sdelay $0x3  }
0x34: {  	[smem:$0x3FB1] =	sst s10  }
0x35: {  	s10 =	sld [smem:$0x3FB0];
	_ =	sdelay $0x3  }
0x36: {  	p1 =	seq.s32 s10, $0x1;
	s10 =	sld [smem:$0x3FB1];
	_ =	sdelay $0x3  }
0x37: {  	[smem:$0x3FB1] =	sst s10  }
0x38: {  	s10 =	sld [smem:$0x3FB2]  }
0x39: {  	_ = 	snop;
	(pc) =	sbr.ind lr, $3  }
0x3a: {  	_ = 	snop  }
0x3b: {  	_ = 	snop  }
0x3c: {  	p2 =	seq.s32 s10, $0x1;
	s10 =	sld [smem:$0x3FB1]  }
0x3d: {  	_ =	shalt  }
0x3e: {  	_ =	shalt  }
0x3f: {  	_ =	shalt  }
0x40: {  	_ =	shalt  }
0x41: {  	_ =	shalt  }
0x42: {  	_ =	shalt  }
0x43: {  	_ =	shalt  }
0x44: {  	_ =	shalt  }
0x45: {  	_ =	shalt  }
0x46: {  	_ =	shalt  }
0x47: {  	_ =	shalt  }
0x48: {  	_ =	shalt  }
0x49: {  	_ =	shalt  }
0x4a: {  	_ =	shalt  }
0x4b: {  	_ =	shalt  }
0x4c: {  	_ =	shalt  }
0x4d: {  	_ =	shalt  }
0x4e: {  	_ =	shalt  }
0x4f: {  	_ =	shalt  }
0x50: {  	_ =	shalt  }
0x51: {  	_ =	shalt  }
0x52: {  	_ =	shalt  }
0x53: {  	_ =	shalt  }
0x54: {  	_ =	shalt  }
0x55: {  	_ =	shalt  }
0x56: {  	_ =	shalt  }
0x57: {  	_ =	shalt  }
0x58: {  	_ =	shalt  }
0x59: {  	_ =	shalt  }
0x5a: {  	_ =	shalt  }
0x5b: {  	_ =	shalt  }
0x5c: {  	_ =	shalt  }
0x5d: {  	_ =	shalt  }
0x5e: {  	_ =	shalt  }
0x5f: {  	_ =	shalt  }
0x60: {  	_ =	shalt  }
0x61: {  	_ =	shalt  }
0x62: {  	_ =	shalt  }
0x63: {  	_ =	shalt  }
0x64: {  	_ =	shalt  }
0x65: {  	_ =	shalt  }
0x66: {  	_ =	shalt  }
0x67: {  	_ =	shalt  }
0x68: {  	_ =	shalt  }
0x69: {  	_ =	shalt  }
0x6a: {  	_ =	shalt  }
0x6b: {  	_ =	shalt  }
0x6c: {  	_ =	shalt  }
0x6d: {  	_ =	shalt  }
0x6e: {  	_ =	shalt  }
0x6f: {  	_ =	shalt  }
0x70: {  	_ =	shalt  }
0x71: {  	_ =	shalt  }
0x72: {  	_ =	shalt  }
0x73: {  	_ =	shalt  }
0x74: {  	_ =	shalt  }
0x75: {  	_ =	shalt  }
0x76: {  	_ =	shalt  }
0x77: {  	_ =	shalt  }
0x78: {  	_ =	shalt  }
0x79: {  	_ =	shalt  }
0x7a: {  	_ =	shalt  }
0x7b: {  	_ =	shalt  }
0x7c: {  	_ =	shalt  }
0x7d: {  	_ =	shalt  }
0x7e: {  	_ =	shalt  }
0x7f: {  	_ =	shalt  }
0x80: {  	_ =	shalt  }
0x81: {  	_ =	shalt  }
0x82: {  	_ =	shalt  }
0x83: {  	_ =	shalt  }
0x84: {  	_ =	shalt  }
0x85: {  	_ =	shalt  }
0x86: {  	_ =	shalt  }
0x87: {  	_ =	shalt  }
.Lfunc_end0:
.L_simem_size_0:
called_computation_lowered:
.L_overlay_start_0:
0x88: {  	s2 =	sld [smem:$0x3FD9]  }
0x89: {  	s3 =	sld [smem:$0x3FFE];
	_ =	sdelay $0x1  }
0x8a: {  	s1 =	srdreg.scid  }
0x8b: {  	s0 =	sand.u32 $0x1, s1  }
0x8c: {  	s14 =	sshll.u32 s0, $0xA;
	s2 =	sadd.s32 s3, s2  }
0x8d: {  	s2 =	sadd.s32 s2, s14  }
0x8e: {  	[smem:$0x3FBD] =	sst s2  }
0x8f: {  	_ = 	snop  }
0x90: {  	s2 =	sld [smem:$0x3FD0];
	_ =	sdelay $0x2  }
0x91: {  	s15 =	simm.s32 $0xA;
	s4 =	simm.s32 $0x10  }
0x92: {  	[smem:s4], [sflag:s15] =	dma.local [hbm:s2], $0x1  }
0x93: {  	_ =	swait.eq [sflag:s15], $0x1  }
0x94: {  	[sflag:s15] =	ssyncset.done $0x0  }
0x95: {  	[sflag:s15] =	ssyncadd.s32 $0xFFFFFFFF  }
0x96: {  	s16 =	sld [smem:$0x11];
	(tm) =	ssettm $0x1  }
0x97: {  	s17 =	sld [smem:$0x3FFB];
	_ =	sdelay $0x3  }
0x98: {  	_ =	strace s17  }
0x99: {  	s3 =	sld [smem:$0x3FFC];
	_ =	sdelay $0x3  }
0x9a: {  	_ =	strace s3  }
0x9b: {  	s3 =	sld [smem:$0x3FFD];
	_ =	sdelay $0x3  }
0x9c: {  	_ =	strace s3  }
0x9d: {  	_ =	strace $0x8FFFFFFF  }
0x9e: {  	s18 =	sld [smem:$0x3FDB];
	_ =	sdelay $0x1  }
0x9f: {  	s19 =	simm.s32 $_scs_section_size  }
0xa0: {  	s5 =	simm.s32 $_size__tile_overlayer_lowered;
	s6 =	simm.s32 $_tile_overlayer_lowered  }
0xa1: {  	s22 =	simm.s32 $0x1BFF;
	s21 =	sshll.u32 s6, $0x1;
	s3 =	sadd.s32 s19, s18  }
0xa2: {  	s7 =	simm.s32 $0x0;
	s20 =	sshll.u32 s5, $0x1;
	s5 =	sadd.s32 s21, s3  }
0xa3: {  	[timem:s7], [sflag:s22] =	dma.local [hbm:s5], s20  }
0xa4: {  	_ =	swait.ge [sflag:s22], s20  }
0xa5: {  	s4 =	ssub.s32 $0x0, s20;
	[sflag:s22] =	ssyncset.done $0x0  }
0xa6: {  	[sflag:s22] =	ssyncadd.s32 s4;
	_ =	sdelay $0x1  }
0xa7: {  	s23 =	simm.s32 $0x1B8B  }
0xa8: {  	_ =	swait.ge [sflag:s23], $0x1  }
0xa9: {  	[sflag:s23] =	ssyncset.done $0x0  }
0xaa: {  	s25 =	simm.s32 $0x1B8E;
	s24 =	sld [smem:$0x3FFE];
	[sflag:s23] =	ssyncadd.s32 $0xFFFFFFFF  }
0xab: {  	s26 =	simm.s32 $execute0_lowered;
	[smem:$0x3FD2] =	sst s25  }
0xac: {  	s5 =	sshll.u32 s26, $0x1;
	_ =	strace $0x80000046;
	[dreg:$0x1] =	wrdreg $0xFFFFFFFF  }
0xad: {  	s28 =	simm.s32 $_size_execute0_lowered;
	s3 =	sadd.s32 s3, s5;
	[dreg:$0x0] =	wrdreg $0x0  }
0xae: {  	s5 =	sshll.u32 s28, $0x1;
	[dreg:$0x2] =	wrdreg s3  }
0xaf: {  	[dreg:$0x3] =	wrdreg s5  }
0xb0: {  	[dreg:$0x4] =	wrdreg $0xC0  }
0xb1: {  	_ =	task [dreg:s7], $0x5FFFF  }
0xb2: {  	[dreg:$0x1] =	wrdreg $0xFFFFFFFF  }
0xb3: {  	[dreg:$0x0] =	wrdreg $0x60  }
0xb4: {  	[dreg:$0x2] =	wrdreg s16  }
0xb5: {  	[dreg:$0x3] =	wrdreg s24  }
0xb6: {  	[dreg:$0x4] =	wrdreg $0x9  }
0xb7: {  	_ =	task.clear_ibuf [dreg:s7], $0x5FFFF;
	_ =	strace $0x90000046  }
0xb8: {  	s29 =	simm.s32 $0x9;
	_ =	strace $0x80000048  }
0xb9: {  	_ =	swait.ge [sflag:s29], $0x1  }
0xba: {  	[sflag:s29] =	ssyncadd.s32 $0xFFFFFFFF  }
0xbb: {  	_ =	strace $0x90000048  }
0xbc: {  	_ =	sfence  }
0xbd: {  	s30 =	sld [smem:$0x0];
	_ =	sdelay $0x2  }
0xbe: {  	s31 =	sshll.u32 s1, $0xD;
	s1 =	sshrl.u32 s1, $0x2  }
0xbf: {  	s3 =	sand.u32 $0x4000, s31;
	s1 =	sadd.s32 s1, s30  }
0xc0: {  	s0 =	sor.u32 s3, s0;
	s1 =	sshll.u32 s1, $0x11  }
0xc1: {  	s0 =	sor.u32 s1, s0  }
0xc2: {  	s0 =	sadd.s32 $0x8F2B, s0  }
0xc3: {  	[sflag:s0] =	ssyncadd.remote.s32 $0x1  }
0xc4: {  	_ =	sfence.sel $0xFFFF  }
0xc5: {  	[dreg:$0x0] =	wrdreg $0xFFFFFFFF;
	(pc) =	sbr.abs _section_cstart, $3  }
0xc6: {  	[dreg:$0x1] =	wrdreg $0xFFFFFFFF  }
0xc7: {  	_ =	task.clear_ibuf [dreg:s7], $0x2FFFF;
	_ =	strace $0x9FFFFFFF  }
0xc8: {  	(tm) =	ssettm $0x7FFFFFFF  }
0xc9: {  	_ =	shalt  }
tec
execute0_lowered:
.L_overlay_start_1:
0x0: {  	(tag) =	ssettag $0x1  }
0x1: {  	s1 =	srdreg.scid  }
0x2: {  	s0 =	stileid.u32;
	s3 =	rddreg [dreg:$0x0]  }
0x3: {  	s5 =	rddreg [dreg:$0x1];
	s4 =	sand.u32 $0x1, s1;
	s30 =	sshll.u32 s0, $0x1  }
0x4: {  	s2 =	simm.s32 $0x0;
	s9 =	simm.s32 $0x0;
	s6 =	sor.u32 s4, s30  }
0x5: {  	s1 =	rddreg [dreg:$0x2];
	s4 =	ssub.s32 $0x2, s4;
	s7 =	smul.u32 $0x4F0, s6  }
0x6: {  	[smem:$0x7FF] =	sst s2;
	s6 =	smul.u32 $0x500, s6;
	s8 =	sshrl.u32 s4, $0x1  }
0x7: {  	_ =	strace $0x80000047;
	s31 =	ssub.s32 s4, s8;
	s8 =	simm.s32 $0x2  }
0x8: {  	s5 =	sadd.s32 s7, s5;
	s3 =	sadd.s32 s3, s6;
	s6 =	simm.s32 $0x1  }
0x9: {  	v0 =	vimm.f32 $0.0e+00;
	v1 =	vimm.f32 $1.000000000e+00;
	s7 =	simm.s32 $0x2800;
	s4 =	sadd.s32 $0x2C00, s5;
	s5 =	smax.u32 s31, $0x1  }
.LBB2_1:
0xa: {  	[tilespmem:s2], [sflag:$0x1] =	stream.linear.gather [hbm4b:s3+s2], $0x2800, $0x38;
	[tilespmem:$0x4F80] =	vst v63  }
0xb: {  	s10 =	simm.s32 $0x40;
	s11 =	simm.s32 $0x0  }
.LBB2_2:
0xc: {  	p0 =	sne.s32 s10, $0x9DC0;
	[tilespmem:s11+$0x2800] =	vst v0;
	s11 =	smov.u32 s10;
	s10 =	sadd.s32 $0x40, s10  }
.Ltmp0:
0xd: {  	(pc) =	sbr.rel @p0 .LBB2_2-.Ltmp0, $2  }
0xe: {  	_ =	sdelay $0x2  }
0xf: {  	s11 =	sshra.s32 s11, $0x2  }
0x10: {  	[tilespmem:s11+$0x2800] =	vst v0  }
0x11: {  	_ =	swait.ge [sflag:s6], $0x2800  }
0x12: {  	[sflag:s6] =	ssyncset.done $0x0  }
0x13: {  	s11 =	simm.s32 $0x0;
	s10 =	simm.s32 $0x40;
	[sflag:s6] =	ssyncadd.s32 $0xFFFFD800  }
.LBB2_4:
0x14: {  	p0 =	sne.s32 s10, $0x9FC0;
	v2 =	vld [tilespmem:s11+$0x0];
	_ =	sdelay $0x3  }
.Ltmp1:
0x15: {  	(pc) =	sbr.rel @p0 .LBB2_4-.Ltmp1, $2  }
0x16: {  	_ =	sdelay $0x2  }
0x17: {  	s11 =	sshra.s32 s10, $0x2;
	s10 =	sadd.s32 $0x40, s10;
	[tilespmem:v2+s7+$0x0] =	vst.idx.add.f32.msk $0xffff, v1  }
0x18: {  	v2 =	vld [tilespmem:s11+$0x0];
	_ =	sdelay $0x5  }
0x19: {  	s9 =	sadd.s32 $0x1, s9  }
0x1a: {  	p0 =	sne.s32 s9, s5  }
.Ltmp2:
0x1b: {  	[tilespmem:v2+s7+$0x0] =	vst.idx.add.f32.msk $0xffff, v1;
	(pc) =	sbr.rel @p0 .LBB2_1-.Ltmp2, $4  }
0x1c: {  	[hbm4b:s4+s2] =	stream.linear.scatter [tilespmem:s7], [sflag:$0x2], $0x2780, $0x38;
	[tilespmem:$0x4F80] =	vst v63  }
0x1d: {  	_ =	swait.ge [sflag:s8], $0x2780  }
0x1e: {  	[sflag:s8] =	ssyncset.done $0x0  }
0x1f: {  	[sflag:s8] =	ssyncadd.s32 $0xFFFFD880  }
0x20: {  	_ =	sfence.sel $0x180000  }
0x21: {  	[bflag:$0x0] =	sbarrier.arrive $0xFFFF  }
0x22: {  	p0 =	sne.s32 s0, $0x0;
	_ =	strace $0x90000047  }
0x23: {  	s0 =	sadd.s32 @!p0 $0x100000, s1;
	[bflag:$0x2] =	sbarrier.arrive $0xFFFF  }
0x24: {  	[sflag:s0] =	ssyncadd.tile.s32 @!p0 $0x1;
	_ =	shalt  }
.Lfunc_end2:
_tile_overlayer_lowered:
.L_overlay_start_2:
0x25: {  	(tag) =	ssettag $0x2  }
0x26: {  	s0 =	rddreg [dreg:$0x0];
	s2 =	stileid.u32  }
0x27: {  	s1 =	rddreg [dreg:$0x1];
	p0 =	sne.s32 s2, $0x0  }
0x28: {  	s3 =	rddreg [dreg:$0x2];
	[bflag:$0x3] =	sbarrier.arrive $0xFFFF;
	s2 =	simm.s32 @!p0 $0x1C02  }
0x29: {  	[timem:s3], [sflag:s2] =	dma.local @!p0 [hbm:s0], s1  }
0x2a: {  	s0 =	simm.s32 @!p0 $0x2  }
0x2b: {  	_ =	swait.ge @!p0 [sflag:s0], s1  }
0x2c: {  	s1 =	ssub.s32 @!p0 $0x0, s1;
	[sflag:s0] =	ssyncset.done @!p0 $0x0  }
0x2d: {  	[sflag:s0] =	ssyncadd.s32 @!p0 s1  }
0x2e: {  	[bflag:$0x3] =	sbarrier.arrive $0xFFFF  }
0x2f: {  	_ =	shalt  }

</sc_bundles>
